<compile_context>
chip_gen: v7x
topology: tpu7x:2x2x1
jax: 0.10.2.dev20260603
libtpu: 0.0.44.dev20260713+nightly
codegen_flags: <defaults>
</compile_context>

<pallas_src>
import jax
import jax.numpy as jnp
from jax import lax
from jax.experimental import pallas as pl
from jax.experimental.pallas import tpu as pltpu
from jax.experimental.pallas import tpu_sc as plsc

B = 4096
D = 128
NODES = 50000
DNODE = 1024
E = 500000

NTILES = 32
EPT = 32768
EPAD = 16 * EPT
EB = 2048
MAPN = 50016
SLOTS = 2 * B
HALF = SLOTS // 2
ACC_ROWS = 4224
STRIPE = ACC_ROWS // 16
CH = 64
NBUF = 4
RCAP = 4096
SPT = SLOTS // NTILES



def _drug_body(x_ref, w_ref, b_ref, o_ref):
    o_ref[...] = lax.dot_general(
        x_ref[...], w_ref[...], (((1,), (0,)), ((), ())),
        preferred_element_type=jnp.float32) + b_ref[...]


def _drug_encoder(drug_input, W_drug, b_drug):
    return pl.pallas_call(
        _drug_body,
        out_shape=jax.ShapeDtypeStruct((B, D), jnp.float32),
    )(drug_input, W_drug, b_drug.reshape(1, D))


def _left_body(fd_ref, ep_ref,
               fl1_ref, flb1_ref, fl2_ref, flb2_ref, fl3_ref, flb3_ref,
               o1_ref):
    dot = lambda a, b: lax.dot_general(
        a, b, (((1,), (0,)), ((), ())), preferred_element_type=jnp.float32)
    h1 = jnp.maximum(dot(fd_ref[...], fl1_ref[0:D]) + dot(ep_ref[...], fl1_ref[D:2 * D])
                     + flb1_ref[...], 0.0)
    h1 = jnp.maximum(dot(h1, fl2_ref[...]) + flb2_ref[...], 0.0)
    o1_ref[...] = dot(h1, fl3_ref[...]) + flb3_ref[...]


def _dense_left(fd, ep, fcl_w1, fcl_b1, fcl_w2, fcl_b2, fcl_w3, fcl_b3):
    BLK = 512
    row = pl.BlockSpec((BLK, D), lambda i: (i, 0))
    full = lambda shape: pl.BlockSpec(shape, lambda i: (0,) * len(shape))
    return pl.pallas_call(
        _left_body,
        grid=(B // BLK,),
        in_specs=[
            row, row,
            full((2 * D, 1024)), full((1, 1024)),
            full((1024, 512)), full((1, 512)),
            full((512, 1)), full((1, 1)),
        ],
        out_specs=pl.BlockSpec((BLK, 1), lambda i: (i, 0)),
        out_shape=jax.ShapeDtypeStruct((B, 1), jnp.float32),
    )(fd, ep, fcl_w1, fcl_b1.reshape(1, 1024), fcl_w2, fcl_b2.reshape(1, 512),
      fcl_w3, fcl_b3.reshape(1, 1))


def _main_body(zd_ref, zp_ref, o1_ref,
               wg_ref, bg_ref,
               fr1_ref, frb1_ref, fr2_ref, frb2_ref, fr3_ref, frb3_ref,
               ow_ref, ob_ref, out_ref):
    dot = lambda a, b: lax.dot_general(
        a, b, (((1,), (0,)), ((), ())), preferred_element_type=jnp.float32)
    yd = jnp.maximum(dot(zd_ref[...], wg_ref[...]) + bg_ref[...], 0.0)
    yp = jnp.maximum(dot(zp_ref[...], wg_ref[...]) + bg_ref[...], 0.0)
    h2 = jnp.maximum(dot(yd, fr1_ref[0:DNODE]) + dot(yp, fr1_ref[DNODE:2 * DNODE])
                     + frb1_ref[...], 0.0)
    h2 = jnp.maximum(dot(h2, fr2_ref[...]) + frb2_ref[...], 0.0)
    o2 = dot(h2, fr3_ref[...]) + frb3_ref[...]
    out_ref[...] = (o1_ref[...] * ow_ref[0, 0] + o2 * ow_ref[1, 0]
                    + ob_ref[0, 0])


def _dense_main(z, o1, W_gnn, b_gnn,
                fcr_w1, fcr_b1, fcr_w2, fcr_b2, fcr_w3, fcr_b3,
                out_w, out_b):
    BLK = 512
    grid = (B // BLK,)
    zd_spec = pl.BlockSpec((BLK, D), lambda i: (i, 0))
    zp_spec = pl.BlockSpec((BLK, D), lambda i: (i + B // BLK, 0))
    full = lambda shape: pl.BlockSpec(shape, lambda i: (0,) * len(shape))
    return pl.pallas_call(
        _main_body,
        grid=grid,
        in_specs=[
            zd_spec, zp_spec, pl.BlockSpec((BLK, 1), lambda i: (i, 0)),
            full((D, DNODE)), full((1, DNODE)),
            full((2 * DNODE, 1024)), full((1, 1024)),
            full((1024, 512)), full((1, 512)),
            full((512, 1)), full((1, 1)),
            full((2, 1)), full((1, 1)),
        ],
        out_specs=pl.BlockSpec((BLK, 1), lambda i: (i, 0)),
        out_shape=jax.ShapeDtypeStruct((B, 1), jnp.float32),
    )(z, z, o1, W_gnn, b_gnn.reshape(1, DNODE),
      fcr_w1, fcr_b1.reshape(1, 1024), fcr_w2, fcr_b2.reshape(1, 512),
      fcr_w3, fcr_b3.reshape(1, 1), out_w, out_b.reshape(1, 1))



_MESH = dict(core_axis_name="c", subcore_axis_name="s", num_cores=2,
             num_subcores=16)


def _edge_body(enc_hbm, dst_hbm, src_hbm, ids_hbm, tx_hbm, z0_hbm,
               acc_hbm,
               mapv, dstb, srcb, ring, rowbuf, tstage, sstage,
               idsv, accum, sem, sem2):
    c = lax.axis_index("c")
    s = lax.axis_index("s")
    wid = c * 16 + s
    i32 = jnp.int32
    iota = lax.iota(i32, 16)

    pltpu.sync_copy(z0_hbm, accum.at[pl.ds(s * STRIPE, STRIPE)])
    pltpu.sync_copy(enc_hbm.at[c], mapv)
    plsc.subcore_barrier()

    def append16(off, entry, mm):
        cm = plsc.cumsum(jnp.where(mm, jnp.int32(1), jnp.int32(0)))
        pos = (off + cm - 1) & (RCAP - 1)
        plsc.store_scatter(ring, [pos], entry, mask=mm)
        return off + plsc.all_reduce_population_count(mm)

    def retire(n):
        b = n & (NBUF - 1)
        pltpu.make_async_copy(tx_hbm.at[pl.ds(0, CH)],
                              rowbuf.at[b], sem).wait()
        pltpu.sync_copy(rowbuf.at[b], accum.at[sstage.at[b]], add=True)

    def drain_chunks(wptr, dptr):
        nch = lax.shift_right_logical(wptr - dptr, 6)
        n0 = lax.shift_right_logical(dptr, 6)

        def db(k, _):
            n = n0 + k
            b = n & (NBUF - 1)

            @pl.when(n >= NBUF - 1)
            def _():
                retire(n - (NBUF - 1))

            base = (dptr + k * CH) & (RCAP - 1)

            def ub(j, _2):
                e = ring[pl.ds(base + j * 16, 16)]
                encs = plsc.load_gather(mapv, [e & 0xFFFF])
                tstage[b, pl.ds(j * 16, 16)] = encs & 0xFFFF
                sstage[b, pl.ds(j * 16, 16)] = lax.shift_right_logical(e, 16)
                return 0

            lax.fori_loop(0, CH // 16, ub, 0, unroll=4)
            pltpu.async_copy(tx_hbm.at[tstage.at[b]], rowbuf.at[b], sem)
            return 0

        lax.fori_loop(0, nch, db, 0)
        return dptr + nch * CH

    pltpu.sync_copy(ids_hbm.at[pl.ds(wid * SPT, SPT)], idsv)
    zero16 = jnp.broadcast_to(jnp.int32(0), (16,))

    def slot_body(j, off):
        iv = idsv[pl.ds(j * 16, 16)]
        enc = plsc.load_gather(mapv, [iv])
        rep1 = lax.shift_right_logical(enc, 16)
        lk = (wid & 15) * SPT + j * 16 + iota
        entry = (lk << 16) | iv
        return append16(off, entry, rep1 == lk + 1)

    off = lax.fori_loop(0, SPT // 16, slot_body, zero16)

    NBLK = EPT // EB

    def stage(b):
        p = b & 1
        pltpu.async_copy(dst_hbm.at[pl.ds(s * EPT + b * EB, EB)],
                         dstb.at[p], sem2)
        pltpu.async_copy(src_hbm.at[pl.ds(s * EPT + b * EB, EB)],
                         srcb.at[p], sem2)

    stage(jnp.int32(0))

    def blk_body(b, carry):
        off, dr = carry
        p = b & 1
        pltpu.make_async_copy(dst_hbm.at[pl.ds(0, EB)], dstb.at[p],
                              sem2).wait()
        pltpu.make_async_copy(src_hbm.at[pl.ds(0, EB)], srcb.at[p],
                              sem2).wait()

        @pl.when(b + 1 < NBLK)
        def _():
            stage(b + 1)

        def vb(i, off2):
            d = dstb[p, pl.ds(i * 16, 16)]
            sv = srcb[p, pl.ds(i * 16, 16)]
            encd = plsc.load_gather(mapv, [d])
            rep1 = lax.shift_right_logical(encd, 16)
            entry = ((rep1 - 1) << 16) | sv
            return append16(off2, entry, rep1 > 0)

        off = lax.fori_loop(0, EB // 16, vb, off, unroll=4)
        return (off, drain_chunks(jnp.max(off), dr))

    off, dr = lax.fori_loop(0, NBLK, blk_body,
                            (off, jnp.int32(0)))
    offs = jnp.max(off)

    dummy = jnp.broadcast_to(jnp.int32(HALF << 16), (16,))
    nr = (offs + (CH - 1)) & ~(CH - 1)

    def fb(j, _):
        pos = offs + j * 16 + iota
        plsc.store_scatter(ring, [pos & (RCAP - 1)], dummy, mask=pos < nr)
        return 0

    lax.fori_loop(0, CH // 16, fb, 0)
    drain_chunks(nr, dr)

    ntot = lax.shift_right_logical(nr, 6)
    lax.fori_loop(jnp.maximum(ntot - (NBUF - 1), 0), ntot,
                  lambda t, _: (retire(t), 0)[1], 0)

    plsc.subcore_barrier()

    pltpu.sync_copy(accum.at[pl.ds(s * STRIPE, STRIPE)],
                    acc_hbm.at[pl.ds(c * ACC_ROWS + s * STRIPE, STRIPE)])


def _sc_edge(enc2, dst_p, src_p, ids, tx, zrows):
    f32 = jnp.float32
    i32 = jnp.int32
    fn = pl.kernel(
        _edge_body,
        out_type=jax.ShapeDtypeStruct((2 * ACC_ROWS, D), f32),
        mesh=plsc.VectorSubcoreMesh(**_MESH),
        compiler_params=pltpu.CompilerParams(needs_layout_passes=False),
        scratch_types=[
            pltpu.VMEM((MAPN,), i32),
            pltpu.VMEM((2, EB), i32),
            pltpu.VMEM((2, EB), i32),
            pltpu.VMEM((RCAP,), i32),
            pltpu.VMEM((NBUF, CH, D), f32),
            pltpu.VMEM((NBUF, CH), i32),
            pltpu.VMEM((NBUF, CH), i32),
            pltpu.VMEM((SPT,), i32),
            pltpu.VMEM_SHARED((ACC_ROWS, D), f32),
            pltpu.SemaphoreType.DMA,
            pltpu.SemaphoreType.DMA,
        ],
    )
    return fn(enc2, dst_p, src_p, ids, tx, zrows)


def _comb_body(base_hbm, ids_hbm, acc_hbm, z_hbm, mapv, idsv, repv, buf, sem):
    c = lax.axis_index("c")
    s = lax.axis_index("s")
    wid = c * 16 + s
    i32 = jnp.int32
    pltpu.sync_copy(base_hbm, mapv)
    pltpu.sync_copy(ids_hbm.at[pl.ds(wid * SPT, SPT)], idsv)

    def tb(j, _):
        iv = idsv[pl.ds(j * 16, 16)]
        enc = plsc.load_gather(mapv, [iv])
        r = lax.shift_right_logical(enc, 16) - 1
        radj = r + lax.shift_right_logical(r, 12) * (ACC_ROWS - HALF)
        repv[j >> 2, pl.ds((j & 3) * 16, 16)] = radj
        return 0

    lax.fori_loop(0, SPT // 16, tb, 0, unroll=4)
    for j in range(SPT // CH):
        pltpu.async_copy(acc_hbm.at[repv.at[j]],
                         buf.at[pl.ds(j * CH, CH)], sem)
    pltpu.make_async_copy(acc_hbm.at[pl.ds(0, SPT)], buf, sem).wait()
    pltpu.sync_copy(buf, z_hbm.at[pl.ds(wid * SPT, SPT)])


def _sc_combine(base, ids, acc):
    fn = pl.kernel(
        _comb_body,
        out_type=jax.ShapeDtypeStruct((SLOTS, D), jnp.float32),
        mesh=plsc.VectorSubcoreMesh(**_MESH),
        compiler_params=pltpu.CompilerParams(needs_layout_passes=False),
        scratch_types=[
            pltpu.VMEM((MAPN,), jnp.int32),
            pltpu.VMEM((SPT,), jnp.int32),
            pltpu.VMEM((SPT // CH, CH), jnp.int32),
            pltpu.VMEM((SPT, D), jnp.float32),
            pltpu.SemaphoreType.DMA,
        ],
    )
    return fn(base, ids, acc)



def kernel(drug_input, protein_ids, pair_index, edge_index,
           W_drug, b_drug, protein_table, node_feature,
           fcl_w1, fcl_b1, fcl_w2, fcl_b2, fcl_w3, fcl_b3,
           W_gnn, b_gnn,
           fcr_w1, fcr_b1, fcr_w2, fcr_b2, fcr_w3, fcr_b3,
           out_w, out_b):
    i32 = jnp.int32
    drug_id = pair_index[:, 0].astype(i32)
    protein_id = pair_index[:, 1].astype(i32)
    src = edge_index[0].astype(i32)
    dst = edge_index[1].astype(i32)
    pids = protein_ids.astype(i32)

    fd = _drug_encoder(drug_input, W_drug, b_drug)
    ep = jnp.take(protein_table, pids, axis=0)
    tx = jnp.concatenate([node_feature, fd, ep], axis=0)

    ii = jnp.arange(B, dtype=i32)
    ids = jnp.concatenate([drug_id, protein_id])
    upd_idx = jnp.concatenate([drug_id[::-1], protein_id[::-1]])
    upd_val = jnp.concatenate([
        (((ii + 1) << 16) | (NODES + ii))[::-1],
        (((B + ii + 1) << 16) | (NODES + B + ii))[::-1],
    ])
    base = jnp.arange(MAPN, dtype=i32).at[upd_idx].set(upd_val)
    rep1 = lax.shift_right_logical(base, 16)
    tidx = base & 0xFFFF
    lsl1 = ((rep1 - 1) & (HALF - 1)) + 1
    in0 = (rep1 > 0) & (rep1 <= HALF)
    in1 = rep1 > HALF
    enc2 = jnp.stack([
        jnp.where(in0, (lsl1 << 16) | tidx, tidx),
        jnp.where(in1, (lsl1 << 16) | tidx, tidx),
    ])

    dst_p = jnp.concatenate([dst, jnp.full((EPAD - E,), NODES, i32)])
    src_p = jnp.concatenate([src, jnp.zeros((EPAD - E,), i32)])
    zrows = jnp.zeros((STRIPE, D), jnp.float32)

    acc = _sc_edge(enc2, dst_p, src_p, ids, tx, zrows)
    o1 = _dense_left(fd, ep, fcl_w1, fcl_b1, fcl_w2, fcl_b2, fcl_w3, fcl_b3)
    z = _sc_combine(base, ids, acc)

    return _dense_main(z, o1, W_gnn, b_gnn,
                       fcr_w1, fcr_b1, fcr_w2, fcr_b2, fcr_w3, fcr_b3,
                       out_w, out_b)

# --- scband reference (transcript-rebuilt; emitter-appended) ---
"""Pipeline reference for scband-sgdta-9036611191476 (READ-ONLY COPY).

The authoritative reference and input builder live on the scoring server;
editing this copy changes nothing except your own understanding.
"""

import jax, jax.numpy as jnp
import numpy as np

B = 4096
D = 128
NODES = 50000
E = 500000
DNODE = 1024
PV = 25000


def setup_inputs(seed: int = 0) -> dict:
    key = jax.random.key(seed)
    ks = [jax.random.fold_in(key, i) for i in range(32)]
    s = 0.02
    inp = {}
    # forward args
    inp["drug_input"] = jax.random.normal(ks[0], (B, D), dtype=jnp.float32)
    inp["protein_ids"] = jax.random.randint(ks[1], (B,), 0, PV, dtype=jnp.int64)
    inp["pair_index"] = jax.random.randint(ks[2], (B, 2), 0, NODES, dtype=jnp.int64)
    inp["edge_index"] = jax.random.randint(ks[3], (2, E), 0, NODES, dtype=jnp.int64)
    # drug encoder (stand-in for model_drug): linear D->D
    inp["W_drug"] = jax.random.normal(ks[4], (D, D), dtype=jnp.float32) * s
    inp["b_drug"] = jnp.zeros((D,), dtype=jnp.float32)
    # protein embedding table (stand-in for embedding_protein)
    inp["protein_table"] = jax.random.normal(ks[5], (PV, D), dtype=jnp.float32) * s
    # persistent node feature memory (buffer, initialized with rand as in torch)
    inp["node_feature"] = jax.random.uniform(ks[6], (NODES, D), dtype=jnp.float32)
    # fc_left: FC_model(input_dim=128): 256->1024->512->1
    inp["fcl_w1"] = jax.random.normal(ks[7], (2 * D, 1024), dtype=jnp.float32) * s
    inp["fcl_b1"] = jnp.zeros((1024,), dtype=jnp.float32)
    inp["fcl_w2"] = jax.random.normal(ks[8], (1024, 512), dtype=jnp.float32) * s
    inp["fcl_b2"] = jnp.zeros((512,), dtype=jnp.float32)
    inp["fcl_w3"] = jax.random.normal(ks[9], (512, 1), dtype=jnp.float32) * s
    inp["fcl_b3"] = jnp.zeros((1,), dtype=jnp.float32)
    # node_embedding (stand-in GCN layer): 128 -> 1024
    inp["W_gnn"] = jax.random.normal(ks[10], (D, DNODE), dtype=jnp.float32) * s
    inp["b_gnn"] = jnp.zeros((DNODE,), dtype=jnp.float32)
    # fc_right: FC_model(input_dim=1024): 2048->1024->512->1
    inp["fcr_w1"] = jax.random.normal(ks[11], (2 * DNODE, 1024), dtype=jnp.float32) * s
    inp["fcr_b1"] = jnp.zeros((1024,), dtype=jnp.float32)
    inp["fcr_w2"] = jax.random.normal(ks[12], (1024, 512), dtype=jnp.float32) * s
    inp["fcr_b2"] = jnp.zeros((512,), dtype=jnp.float32)
    inp["fcr_w3"] = jax.random.normal(ks[13], (512, 1), dtype=jnp.float32) * s
    inp["fcr_b3"] = jnp.zeros((1,), dtype=jnp.float32)
    # final out: Linear(2, 1)
    inp["out_w"] = jax.random.normal(ks[14], (2, 1), dtype=jnp.float32) * s
    inp["out_b"] = jnp.zeros((1,), dtype=jnp.float32)
    return inp


def reference(drug_input, protein_ids, pair_index, edge_index,
              W_drug, b_drug, protein_table, node_feature,
              fcl_w1, fcl_b1, fcl_w2, fcl_b2, fcl_w3, fcl_b3,
              W_gnn, b_gnn,
              fcr_w1, fcr_b1, fcr_w2, fcr_b2, fcr_w3, fcr_b3,
              out_w, out_b):
    # encoders
    feature_drug = drug_input @ W_drug + b_drug                  # [B, 128]
    embedding_protein = jnp.take(protein_table, protein_ids, axis=0)  # [B, 128]
    # fc_left path (dropout is identity in eval mode)
    c = jnp.concatenate([feature_drug, embedding_protein], axis=1)
    h = jax.nn.relu(c @ fcl_w1 + fcl_b1)
    h = jax.nn.relu(h @ fcl_w2 + fcl_b2)
    output_1 = h @ fcl_w3 + fcl_b3                               # [B, 1]
    # scatter-overwrite into persistent node memory (torch does this under
    # no_grad; keeps the FIRST occurrence per unique id -> write reversed
    # so the first occurrence is the last write and wins)
    drug_id = pair_index[:, 0]
    protein_id = pair_index[:, 1]
    nf = node_feature.at[drug_id[::-1]].set(feature_drug[::-1])
    nf = nf.at[protein_id[::-1]].set(embedding_protein[::-1])
    nf = jax.lax.stop_gradient(nf)
    # node_embedding: one GCN-style message-passing layer 128 -> 1024
    src = edge_index[0]
    dst = edge_index[1]
    agg = jax.ops.segment_sum(jnp.take(nf, src, axis=0), dst, num_segments=NODES)
    nodes = jax.nn.relu((nf + agg) @ W_gnn + b_gnn)              # [NODES, 1024]
    # gather endpoint embeddings
    drugs = jnp.take(nodes, drug_id, axis=0)
    proteins = jnp.take(nodes, protein_id, axis=0)
    # fc_right path
    c2 = jnp.concatenate([drugs, proteins], axis=1)
    h2 = jax.nn.relu(c2 @ fcr_w1 + fcr_b1)
    h2 = jax.nn.relu(h2 @ fcr_w2 + fcr_b2)
    output_2 = h2 @ fcr_w3 + fcr_b3                              # [B, 1]
    # final combination
    output = jnp.concatenate([output_1, output_2], axis=1) @ out_w + out_b
    return output

if __name__ == "__main__":
    import jax
    _d = setup_inputs()
    print(jax.jit(kernel)(*tuple(_d.values())))

</pallas_src>

<mosaic_0001>
#map = affine_map<(d0, d1) -> (0, 0)>
#map1 = affine_map<(d0, d1) -> (0)>
module attributes {stable_mosaic.version = 14 : i64} {
  func.func @_edge_body(%arg0: i32, %arg1: i32, %arg2: memref<2x50016xi32, #tpu.memory_space<hbm>>, %arg3: memref<524288xi32, #tpu.memory_space<hbm>>, %arg4: memref<524288xi32, #tpu.memory_space<hbm>>, %arg5: memref<8192xi32, #tpu.memory_space<hbm>>, %arg6: memref<58192x128xf32, #tpu.memory_space<hbm>>, %arg7: memref<264x128xf32, #tpu.memory_space<hbm>>, %arg8: memref<8448x128xf32, #tpu.memory_space<hbm>>, %arg9: memref<50016xi32, #tpu.memory_space<vmem>>, %arg10: memref<2x2048xi32, #tpu.memory_space<vmem>>, %arg11: memref<2x2048xi32, #tpu.memory_space<vmem>>, %arg12: memref<4096xi32, #tpu.memory_space<vmem>>, %arg13: memref<4x64x128xf32, #tpu.memory_space<vmem>>, %arg14: memref<4x64xi32, #tpu.memory_space<vmem>>, %arg15: memref<4x64xi32, #tpu.memory_space<vmem>>, %arg16: memref<256xi32, #tpu.memory_space<vmem>>, %arg17: memref<4224x128xf32, #tpu.memory_space<vmem_shared>>, %arg18: memref<!tpu.dma_semaphore, #tpu.memory_space<semaphore_mem>>, %arg19: memref<!tpu.dma_semaphore, #tpu.memory_space<semaphore_mem>>) attributes {dimension_semantics = [#tpu.dimension_semantics<core_parallel>, #tpu.dimension_semantics<subcore_parallel>], iteration_bounds = array<i64: 2, 16>, scalar_prefetch = 0 : i64, scratch_operands = 11 : i64, tpu.core_type = #tpu.core_type<sc_vector_subcore>, window_params = [{transform_indices = #map}, {transform_indices = #map1}, {transform_indices = #map1}, {transform_indices = #map1}, {transform_indices = #map}, {transform_indices = #map}, {transform_indices = #map}]} {
    %mul3A = arith.constant 16 : i32
    %mul3A_0 = arith.muli %arg0, %mul3A : i32
    %add3A = arith.addi %mul3A_0, %arg1 : i32
    %iota3A = tpu.iota {dimensions = array<i32: 0>} : vector<16xi32>
    %mul3A_1 = arith.constant 264 : i32
    %mul3A_2 = arith.muli %arg1, %mul3A_1 : i32
    "tpu.region"() ({
      %run_scoped3A = tpu.sem_alloc : memref<!tpu.dma_semaphore, #tpu.memory_space<semaphore_mem>>
      %dma_start3A_108 = arith.constant 0 : i32
      %dma_start3A_109 = tpu.memref_slice %arg17[%mul3A_2, %dma_start3A_108] : memref<4224x128xf32, #tpu.memory_space<vmem_shared>> -> memref<264x128xf32, #tpu.memory_space<vmem_shared>>
      tpu.enqueue_dma source(%arg7 : memref<264x128xf32, #tpu.memory_space<hbm>>) target(%dma_start3A_109 : memref<264x128xf32, #tpu.memory_space<vmem_shared>>) target_semaphore(%run_scoped3A : memref<!tpu.dma_semaphore, #tpu.memory_space<semaphore_mem>>)
      %dma_wait3A = arith.constant 0 : i32
      %dma_wait3A_110 = tpu.memref_slice %arg17[%mul3A_2, %dma_wait3A] : memref<4224x128xf32, #tpu.memory_space<vmem_shared>> -> memref<264x128xf32, #tpu.memory_space<vmem_shared>>
      tpu.wait_dma2 semaphore(%run_scoped3A : memref<!tpu.dma_semaphore, #tpu.memory_space<semaphore_mem>>) src(%arg7 : memref<264x128xf32, #tpu.memory_space<hbm>>) dst(%dma_wait3A_110 : memref<264x128xf32, #tpu.memory_space<vmem_shared>>)
      tpu.yield
    }) : () -> ()
    "tpu.region"() ({
      %run_scoped3A = tpu.sem_alloc : memref<!tpu.dma_semaphore, #tpu.memory_space<semaphore_mem>>
      %dma_start3A_108 = arith.constant 0 : i32
      %dma_start3A_109 = tpu.memref_slice %arg2[%arg0, %dma_start3A_108] : memref<2x50016xi32, #tpu.memory_space<hbm>> -> memref<1x50016xi32, #tpu.memory_space<hbm>>
      %dma_start3A_110 = tpu.memref_squeeze %dma_start3A_109 : memref<1x50016xi32, #tpu.memory_space<hbm>> -> memref<50016xi32, #tpu.memory_space<hbm>>
      %dma_start3A_111 = arith.constant 0 : i32
      %dma_start3A_112 = tpu.memref_slice %arg2[%arg0, %dma_start3A_111] : memref<2x50016xi32, #tpu.memory_space<hbm>> -> memref<1x50016xi32, #tpu.memory_space<hbm>>
      %dma_start3A_113 = tpu.memref_squeeze %dma_start3A_112 : memref<1x50016xi32, #tpu.memory_space<hbm>> -> memref<50016xi32, #tpu.memory_space<hbm>>
      tpu.enqueue_dma source(%dma_start3A_113 : memref<50016xi32, #tpu.memory_space<hbm>>) target(%arg9 : memref<50016xi32, #tpu.memory_space<vmem>>) target_semaphore(%run_scoped3A : memref<!tpu.dma_semaphore, #tpu.memory_space<semaphore_mem>>)
      %dma_wait3A = arith.constant 0 : i32
      %dma_wait3A_114 = tpu.memref_slice %arg2[%arg0, %dma_wait3A] : memref<2x50016xi32, #tpu.memory_space<hbm>> -> memref<1x50016xi32, #tpu.memory_space<hbm>>
      %dma_wait3A_115 = tpu.memref_squeeze %dma_wait3A_114 : memref<1x50016xi32, #tpu.memory_space<hbm>> -> memref<50016xi32, #tpu.memory_space<hbm>>
      %dma_wait3A_116 = arith.constant 0 : i32
      %dma_wait3A_117 = tpu.memref_slice %arg2[%arg0, %dma_wait3A_116] : memref<2x50016xi32, #tpu.memory_space<hbm>> -> memref<1x50016xi32, #tpu.memory_space<hbm>>
      %dma_wait3A_118 = tpu.memref_squeeze %dma_wait3A_117 : memref<1x50016xi32, #tpu.memory_space<hbm>> -> memref<50016xi32, #tpu.memory_space<hbm>>
      tpu.wait_dma2 semaphore(%run_scoped3A : memref<!tpu.dma_semaphore, #tpu.memory_space<semaphore_mem>>) src(%dma_wait3A_118 : memref<50016xi32, #tpu.memory_space<hbm>>) dst(%arg9 : memref<50016xi32, #tpu.memory_space<vmem>>)
      tpu.yield
    }) : () -> ()
    %barrier3A = arith.constant 0 : index
    tpu.barrier barrier_id(%barrier3A)
    %mul3A_3 = arith.constant 256 : i32
    %mul3A_4 = arith.muli %add3A, %mul3A_3 : i32
    "tpu.region"() ({
      %run_scoped3A = tpu.sem_alloc : memref<!tpu.dma_semaphore, #tpu.memory_space<semaphore_mem>>
      %dma_start3A_108 = tpu.memref_slice %arg5[%mul3A_4] : memref<8192xi32, #tpu.memory_space<hbm>> -> memref<256xi32, #tpu.memory_space<hbm>>
      %dma_start3A_109 = tpu.memref_slice %arg5[%mul3A_4] : memref<8192xi32, #tpu.memory_space<hbm>> -> memref<256xi32, #tpu.memory_space<hbm>>
      tpu.enqueue_dma source(%dma_start3A_109 : memref<256xi32, #tpu.memory_space<hbm>>) target(%arg16 : memref<256xi32, #tpu.memory_space<vmem>>) target_semaphore(%run_scoped3A : memref<!tpu.dma_semaphore, #tpu.memory_space<semaphore_mem>>)
      %dma_wait3A = tpu.memref_slice %arg5[%mul3A_4] : memref<8192xi32, #tpu.memory_space<hbm>> -> memref<256xi32, #tpu.memory_space<hbm>>
      %dma_wait3A_110 = tpu.memref_slice %arg5[%mul3A_4] : memref<8192xi32, #tpu.memory_space<hbm>> -> memref<256xi32, #tpu.memory_space<hbm>>
      tpu.wait_dma2 semaphore(%run_scoped3A : memref<!tpu.dma_semaphore, #tpu.memory_space<semaphore_mem>>) src(%dma_wait3A_110 : memref<256xi32, #tpu.memory_space<hbm>>) dst(%arg16 : memref<256xi32, #tpu.memory_space<vmem>>)
      tpu.yield
    }) : () -> ()
    %broadcast_in_dim3A = arith.constant 0 : i32
    %broadcast_in_dim3A_5 = vector.broadcast %broadcast_in_dim3A : i32 to vector<16xi32>
    %scan3A = arith.constant 0 : i32
    %scan3A_6 = arith.constant 16 : i32
    %scan3A_7 = arith.addi %scan3A, %scan3A_6 : i32
    %scan3A_8 = arith.constant 1 : i32
    %scan3A_9 = scf.for %scan3A_108 = %scan3A to %scan3A_7 step %scan3A_8 iter_args(%scan3A_109 = %broadcast_in_dim3A_5) -> (vector<16xi32>)  : i32 {
      %mul3A_110 = arith.constant 16 : i32
      %mul3A_111 = arith.muli %scan3A_108, %mul3A_110 : i32
      %get3A = arith.index_cast %mul3A_111 : i32 to index
      %get3A_112 = tpu.vector_load %arg16[%get3A] {strides = array<i32>} : memref<256xi32, #tpu.memory_space<vmem>>, vector<16xi32>,
      %gather3A = tpu.vector_load_idx %arg9[%get3A_112] : memref<50016xi32, #tpu.memory_space<vmem>>[vector<16xi32>], vector<16xi32>,
      %shift_right_logical3A_113 = arith.constant 16 : i32
      %shift_right_logical3A_114 = vector.broadcast %shift_right_logical3A_113 : i32 to vector<16xi32>
      %shift_right_logical3A_115 = arith.shrui %gather3A, %shift_right_logical3A_114 : vector<16xi32>
      %and3A_116 = arith.constant 15 : i32
      %and3A_117 = arith.andi %add3A, %and3A_116 : i32
      %mul3A_118 = arith.constant 256 : i32
      %mul3A_119 = arith.muli %and3A_117, %mul3A_118 : i32
      %mul3A_120 = arith.constant 16 : i32
      %mul3A_121 = arith.muli %scan3A_108, %mul3A_120 : i32
      %add3A_122 = arith.addi %mul3A_119, %mul3A_121 : i32
      %add3A_123 = vector.broadcast %add3A_122 : i32 to vector<16xi32>
      %add3A_124 = arith.addi %add3A_123, %iota3A : vector<16xi32>
      %shift_left3A = arith.constant 16 : i32
      %shift_left3A_125 = vector.broadcast %shift_left3A : i32 to vector<16xi32>
      %shift_left3A_126 = arith.shli %add3A_124, %shift_left3A_125 : vector<16xi32>
      %or3A = arith.ori %shift_left3A_126, %get3A_112 : vector<16xi32>
      %add3A_127 = arith.constant 1 : i32
      %add3A_128 = vector.broadcast %add3A_127 : i32 to vector<16xi32>
      %add3A_129 = arith.addi %add3A_124, %add3A_128 : vector<16xi32>
      %eq3A = arith.cmpi eq, %shift_right_logical3A_115, %add3A_129 : vector<16xi32>
      %jit3A = arith.constant 1 : i32
      %jit3A_130 = arith.constant 0 : i32
      %broadcast_in_dim3A_131 = vector.broadcast %jit3A : i32 to vector<16xi32>
      %broadcast_in_dim3A_132 = vector.broadcast %jit3A_130 : i32 to vector<16xi32>
      %select_n3A = arith.select %eq3A, %broadcast_in_dim3A_131, %broadcast_in_dim3A_132 : vector<16xi1>, vector<16xi32>
      %broadcast_in_dim3A_133 = arith.constant true
      %broadcast_in_dim3A_134 = vector.broadcast %broadcast_in_dim3A_133 : i1 to vector<16xi1>
      %masked_cumsum3A = tpu.scan <sum>, %select_n3A masked %broadcast_in_dim3A_134 : vector<16xi32>, vector<16xi1> -> vector<16xi32>
      %add3A_135 = arith.addi %scan3A_109, %masked_cumsum3A : vector<16xi32>
      %sub3A_136 = arith.constant 1 : i32
      %sub3A_137 = vector.broadcast %sub3A_136 : i32 to vector<16xi32>
      %sub3A_138 = arith.subi %add3A_135, %sub3A_137 : vector<16xi32>
      %and3A_139 = arith.constant 4095 : i32
      %and3A_140 = vector.broadcast %and3A_139 : i32 to vector<16xi32>
      %and3A_141 = arith.andi %sub3A_138, %and3A_140 : vector<16xi32>
      tpu.vector_store_idx %arg12[%and3A_141], %or3A masked %eq3A : memref<4096xi32, #tpu.memory_space<vmem>>[vector<16xi32>], vector<16xi32>, vector<16xi1>
      %all_reduce_population_count3A = tpu.all_reduce %eq3A {dim = 0 : i64, kind = #tpu.reduction_kind<sum>} : vector<16xi1> -> vector<16xi32>
      %add3A_142 = arith.addi %scan3A_109, %all_reduce_population_count3A : vector<16xi32>
      scf.yield %add3A_142 : vector<16xi32>
    }
    %scan3A_10 = arith.constant 16 : i32
    %and3A = arith.constant 0 : i32
    %and3A_11 = arith.constant 1 : i32
    %and3A_12 = arith.andi %and3A, %and3A_11 : i32
    %mul3A_13 = arith.constant 32768 : i32
    %mul3A_14 = arith.muli %arg1, %mul3A_13 : i32
    %mul3A_15 = arith.constant 0 : i32
    %mul3A_16 = arith.constant 2048 : i32
    %mul3A_17 = arith.muli %mul3A_15, %mul3A_16 : i32
    %add3A_18 = arith.addi %mul3A_14, %mul3A_17 : i32
    %dma_start3A = arith.constant 0 : i32
    %dma_start3A_19 = tpu.memref_slice %arg10[%and3A_12, %dma_start3A] : memref<2x2048xi32, #tpu.memory_space<vmem>> -> memref<1x2048xi32, #tpu.memory_space<vmem>>
    %dma_start3A_20 = tpu.memref_squeeze %dma_start3A_19 : memref<1x2048xi32, #tpu.memory_space<vmem>> -> memref<2048xi32, #tpu.memory_space<vmem>>
    %dma_start3A_21 = tpu.memref_slice %arg3[%add3A_18] : memref<524288xi32, #tpu.memory_space<hbm>> -> memref<2048xi32, #tpu.memory_space<hbm>>
    %dma_start3A_22 = arith.constant 0 : i32
    %dma_start3A_23 = tpu.memref_slice %arg10[%and3A_12, %dma_start3A_22] : memref<2x2048xi32, #tpu.memory_space<vmem>> -> memref<1x2048xi32, #tpu.memory_space<vmem>>
    %dma_start3A_24 = tpu.memref_squeeze %dma_start3A_23 : memref<1x2048xi32, #tpu.memory_space<vmem>> -> memref<2048xi32, #tpu.memory_space<vmem>>
    %dma_start3A_25 = tpu.memref_slice %arg3[%add3A_18] : memref<524288xi32, #tpu.memory_space<hbm>> -> memref<2048xi32, #tpu.memory_space<hbm>>
    tpu.enqueue_dma source(%dma_start3A_25 : memref<2048xi32, #tpu.memory_space<hbm>>) target(%dma_start3A_24 : memref<2048xi32, #tpu.memory_space<vmem>>) target_semaphore(%arg19 : memref<!tpu.dma_semaphore, #tpu.memory_space<semaphore_mem>>)
    %mul3A_26 = arith.constant 32768 : i32
    %mul3A_27 = arith.muli %arg1, %mul3A_26 : i32
    %mul3A_28 = arith.constant 0 : i32
    %mul3A_29 = arith.constant 2048 : i32
    %mul3A_30 = arith.muli %mul3A_28, %mul3A_29 : i32
    %add3A_31 = arith.addi %mul3A_27, %mul3A_30 : i32
    %dma_start3A_32 = arith.constant 0 : i32
    %dma_start3A_33 = tpu.memref_slice %arg11[%and3A_12, %dma_start3A_32] : memref<2x2048xi32, #tpu.memory_space<vmem>> -> memref<1x2048xi32, #tpu.memory_space<vmem>>
    %dma_start3A_34 = tpu.memref_squeeze %dma_start3A_33 : memref<1x2048xi32, #tpu.memory_space<vmem>> -> memref<2048xi32, #tpu.memory_space<vmem>>
    %dma_start3A_35 = tpu.memref_slice %arg4[%add3A_31] : memref<524288xi32, #tpu.memory_space<hbm>> -> memref<2048xi32, #tpu.memory_space<hbm>>
    %dma_start3A_36 = arith.constant 0 : i32
    %dma_start3A_37 = tpu.memref_slice %arg11[%and3A_12, %dma_start3A_36] : memref<2x2048xi32, #tpu.memory_space<vmem>> -> memref<1x2048xi32, #tpu.memory_space<vmem>>
    %dma_start3A_38 = tpu.memref_squeeze %dma_start3A_37 : memref<1x2048xi32, #tpu.memory_space<vmem>> -> memref<2048xi32, #tpu.memory_space<vmem>>
    %dma_start3A_39 = tpu.memref_slice %arg4[%add3A_31] : memref<524288xi32, #tpu.memory_space<hbm>> -> memref<2048xi32, #tpu.memory_space<hbm>>
    tpu.enqueue_dma source(%dma_start3A_39 : memref<2048xi32, #tpu.memory_space<hbm>>) target(%dma_start3A_38 : memref<2048xi32, #tpu.memory_space<vmem>>) target_semaphore(%arg19 : memref<!tpu.dma_semaphore, #tpu.memory_space<semaphore_mem>>)
    %scan3A_40 = arith.constant 0 : i32
    %scan3A_41 = arith.constant 0 : i32
    %scan3A_42 = arith.constant 16 : i32
    %scan3A_43 = arith.addi %scan3A_41, %scan3A_42 : i32
    %scan3A_44 = arith.constant 1 : i32
    %scan3A_45:2 = scf.for %scan3A_108 = %scan3A_41 to %scan3A_43 step %scan3A_44 iter_args(%scan3A_109 = %scan3A_9, %scan3A_110 = %scan3A_40) -> (vector<16xi32>, i32)  : i32 {
      %and3A_111 = arith.constant 1 : i32
      %and3A_112 = arith.andi %scan3A_108, %and3A_111 : i32
      %dma_wait3A = arith.constant 0 : i32
      %dma_wait3A_113 = tpu.memref_slice %arg10[%and3A_112, %dma_wait3A] : memref<2x2048xi32, #tpu.memory_space<vmem>> -> memref<1x2048xi32, #tpu.memory_space<vmem>>
      %dma_wait3A_114 = tpu.memref_squeeze %dma_wait3A_113 : memref<1x2048xi32, #tpu.memory_space<vmem>> -> memref<2048xi32, #tpu.memory_space<vmem>>
      %dma_wait3A_115 = arith.constant 0 : i32
      %dma_wait3A_116 = tpu.memref_slice %arg3[%dma_wait3A_115] : memref<524288xi32, #tpu.memory_space<hbm>> -> memref<2048xi32, #tpu.memory_space<hbm>>
      %dma_wait3A_117 = arith.constant 0 : i32
      %dma_wait3A_118 = tpu.memref_slice %arg10[%and3A_112, %dma_wait3A_117] : memref<2x2048xi32, #tpu.memory_space<vmem>> -> memref<1x2048xi32, #tpu.memory_space<vmem>>
      %dma_wait3A_119 = tpu.memref_squeeze %dma_wait3A_118 : memref<1x2048xi32, #tpu.memory_space<vmem>> -> memref<2048xi32, #tpu.memory_space<vmem>>
      %dma_wait3A_120 = arith.constant 0 : i32
      %dma_wait3A_121 = tpu.memref_slice %arg3[%dma_wait3A_120] : memref<524288xi32, #tpu.memory_space<hbm>> -> memref<2048xi32, #tpu.memory_space<hbm>>
      tpu.wait_dma2 semaphore(%arg19 : memref<!tpu.dma_semaphore, #tpu.memory_space<semaphore_mem>>) src(%dma_wait3A_121 : memref<2048xi32, #tpu.memory_space<hbm>>) dst(%dma_wait3A_119 : memref<2048xi32, #tpu.memory_space<vmem>>)
      %dma_wait3A_122 = arith.constant 0 : i32
      %dma_wait3A_123 = tpu.memref_slice %arg11[%and3A_112, %dma_wait3A_122] : memref<2x2048xi32, #tpu.memory_space<vmem>> -> memref<1x2048xi32, #tpu.memory_space<vmem>>
      %dma_wait3A_124 = tpu.memref_squeeze %dma_wait3A_123 : memref<1x2048xi32, #tpu.memory_space<vmem>> -> memref<2048xi32, #tpu.memory_space<vmem>>
      %dma_wait3A_125 = arith.constant 0 : i32
      %dma_wait3A_126 = tpu.memref_slice %arg4[%dma_wait3A_125] : memref<524288xi32, #tpu.memory_space<hbm>> -> memref<2048xi32, #tpu.memory_space<hbm>>
      %dma_wait3A_127 = arith.constant 0 : i32
      %dma_wait3A_128 = tpu.memref_slice %arg11[%and3A_112, %dma_wait3A_127] : memref<2x2048xi32, #tpu.memory_space<vmem>> -> memref<1x2048xi32, #tpu.memory_space<vmem>>
      %dma_wait3A_129 = tpu.memref_squeeze %dma_wait3A_128 : memref<1x2048xi32, #tpu.memory_space<vmem>> -> memref<2048xi32, #tpu.memory_space<vmem>>
      %dma_wait3A_130 = arith.constant 0 : i32
      %dma_wait3A_131 = tpu.memref_slice %arg4[%dma_wait3A_130] : memref<524288xi32, #tpu.memory_space<hbm>> -> memref<2048xi32, #tpu.memory_space<hbm>>
      tpu.wait_dma2 semaphore(%arg19 : memref<!tpu.dma_semaphore, #tpu.memory_space<semaphore_mem>>) src(%dma_wait3A_131 : memref<2048xi32, #tpu.memory_space<hbm>>) dst(%dma_wait3A_129 : memref<2048xi32, #tpu.memory_space<vmem>>)
      %add3A_132 = arith.constant 1 : i32
      %add3A_133 = arith.addi %scan3A_108, %add3A_132 : i32
      %lt3A = arith.constant 16 : i32
      %lt3A_134 = arith.cmpi slt, %add3A_133, %lt3A : i32
      %convert_element_type3A = arith.extui %lt3A_134 : i1 to i32
      %cond3A = arith.constant 0 : i32
      %cond3A_135 = arith.cmpi ne, %convert_element_type3A, %cond3A : i32
      scf.if %cond3A_135 {
        %add3A_170 = arith.constant 1 : i32
        %add3A_171 = arith.addi %scan3A_108, %add3A_170 : i32
        %and3A_172 = arith.constant 1 : i32
        %and3A_173 = arith.andi %add3A_171, %and3A_172 : i32
        %mul3A_174 = arith.constant 32768 : i32
        %mul3A_175 = arith.muli %arg1, %mul3A_174 : i32
        %mul3A_176 = arith.constant 2048 : i32
        %mul3A_177 = arith.muli %add3A_171, %mul3A_176 : i32
        %add3A_178 = arith.addi %mul3A_175, %mul3A_177 : i32
        %dma_start3A_179 = arith.constant 0 : i32
        %dma_start3A_180 = tpu.memref_slice %arg10[%and3A_173, %dma_start3A_179] : memref<2x2048xi32, #tpu.memory_space<vmem>> -> memref<1x2048xi32, #tpu.memory_space<vmem>>
        %dma_start3A_181 = tpu.memref_squeeze %dma_start3A_180 : memref<1x2048xi32, #tpu.memory_space<vmem>> -> memref<2048xi32, #tpu.memory_space<vmem>>
        %dma_start3A_182 = tpu.memref_slice %arg3[%add3A_178] : memref<524288xi32, #tpu.memory_space<hbm>> -> memref<2048xi32, #tpu.memory_space<hbm>>
        %dma_start3A_183 = arith.constant 0 : i32
        %dma_start3A_184 = tpu.memref_slice %arg10[%and3A_173, %dma_start3A_183] : memref<2x2048xi32, #tpu.memory_space<vmem>> -> memref<1x2048xi32, #tpu.memory_space<vmem>>
        %dma_start3A_185 = tpu.memref_squeeze %dma_start3A_184 : memref<1x2048xi32, #tpu.memory_space<vmem>> -> memref<2048xi32, #tpu.memory_space<vmem>>
        %dma_start3A_186 = tpu.memref_slice %arg3[%add3A_178] : memref<524288xi32, #tpu.memory_space<hbm>> -> memref<2048xi32, #tpu.memory_space<hbm>>
        tpu.enqueue_dma source(%dma_start3A_186 : memref<2048xi32, #tpu.memory_space<hbm>>) target(%dma_start3A_185 : memref<2048xi32, #tpu.memory_space<vmem>>) target_semaphore(%arg19 : memref<!tpu.dma_semaphore, #tpu.memory_space<semaphore_mem>>)
        %mul3A_187 = arith.constant 32768 : i32
        %mul3A_188 = arith.muli %arg1, %mul3A_187 : i32
        %mul3A_189 = arith.constant 2048 : i32
        %mul3A_190 = arith.muli %add3A_171, %mul3A_189 : i32
        %add3A_191 = arith.addi %mul3A_188, %mul3A_190 : i32
        %dma_start3A_192 = arith.constant 0 : i32
        %dma_start3A_193 = tpu.memref_slice %arg11[%and3A_173, %dma_start3A_192] : memref<2x2048xi32, #tpu.memory_space<vmem>> -> memref<1x2048xi32, #tpu.memory_space<vmem>>
        %dma_start3A_194 = tpu.memref_squeeze %dma_start3A_193 : memref<1x2048xi32, #tpu.memory_space<vmem>> -> memref<2048xi32, #tpu.memory_space<vmem>>
        %dma_start3A_195 = tpu.memref_slice %arg4[%add3A_191] : memref<524288xi32, #tpu.memory_space<hbm>> -> memref<2048xi32, #tpu.memory_space<hbm>>
        %dma_start3A_196 = arith.constant 0 : i32
        %dma_start3A_197 = tpu.memref_slice %arg11[%and3A_173, %dma_start3A_196] : memref<2x2048xi32, #tpu.memory_space<vmem>> -> memref<1x2048xi32, #tpu.memory_space<vmem>>
        %dma_start3A_198 = tpu.memref_squeeze %dma_start3A_197 : memref<1x2048xi32, #tpu.memory_space<vmem>> -> memref<2048xi32, #tpu.memory_space<vmem>>
        %dma_start3A_199 = tpu.memref_slice %arg4[%add3A_191] : memref<524288xi32, #tpu.memory_space<hbm>> -> memref<2048xi32, #tpu.memory_space<hbm>>
        tpu.enqueue_dma source(%dma_start3A_199 : memref<2048xi32, #tpu.memory_space<hbm>>) target(%dma_start3A_198 : memref<2048xi32, #tpu.memory_space<vmem>>) target_semaphore(%arg19 : memref<!tpu.dma_semaphore, #tpu.memory_space<semaphore_mem>>)
      } else {
      }
      %scan3A_136 = arith.constant 0 : i32
      %scan3A_137 = arith.constant 128 : i32
      %scan3A_138 = arith.addi %scan3A_136, %scan3A_137 : i32
      %scan3A_139 = arith.constant 4 : i32
      %scan3A_140 = scf.for %scan3A_170 = %scan3A_136 to %scan3A_138 step %scan3A_139 iter_args(%scan3A_171 = %scan3A_109) -> (vector<16xi32>)  : i32 {
        %mul3A_172 = arith.constant 16 : i32
        %mul3A_173 = arith.muli %scan3A_170, %mul3A_172 : i32
        %get3A = arith.index_cast %and3A_112 : i32 to index
        %get3A_174 = arith.index_cast %mul3A_173 : i32 to index
        %get3A_175 = tpu.vector_load %arg10[%get3A, %get3A_174] {strides = array<i32>} : memref<2x2048xi32, #tpu.memory_space<vmem>>, vector<16xi32>,
        %mul3A_176 = arith.constant 16 : i32
        %mul3A_177 = arith.muli %scan3A_170, %mul3A_176 : i32
        %get3A_178 = arith.index_cast %and3A_112 : i32 to index
        %get3A_179 = arith.index_cast %mul3A_177 : i32 to index
        %get3A_180 = tpu.vector_load %arg11[%get3A_178, %get3A_179] {strides = array<i32>} : memref<2x2048xi32, #tpu.memory_space<vmem>>, vector<16xi32>,
        %gather3A = tpu.vector_load_idx %arg9[%get3A_175] : memref<50016xi32, #tpu.memory_space<vmem>>[vector<16xi32>], vector<16xi32>,
        %shift_right_logical3A_181 = arith.constant 16 : i32
        %shift_right_logical3A_182 = vector.broadcast %shift_right_logical3A_181 : i32 to vector<16xi32>
        %shift_right_logical3A_183 = arith.shrui %gather3A, %shift_right_logical3A_182 : vector<16xi32>
        %sub3A_184 = arith.constant 1 : i32
        %sub3A_185 = vector.broadcast %sub3A_184 : i32 to vector<16xi32>
        %sub3A_186 = arith.subi %shift_right_logical3A_183, %sub3A_185 : vector<16xi32>
        %shift_left3A = arith.constant 16 : i32
        %shift_left3A_187 = vector.broadcast %shift_left3A : i32 to vector<16xi32>
        %shift_left3A_188 = arith.shli %sub3A_186, %shift_left3A_187 : vector<16xi32>
        %or3A = arith.ori %shift_left3A_188, %get3A_180 : vector<16xi32>
        %gt3A = arith.constant 0 : i32
        %gt3A_189 = vector.broadcast %gt3A : i32 to vector<16xi32>
        %gt3A_190 = arith.cmpi sgt, %shift_right_logical3A_183, %gt3A_189 : vector<16xi32>
        %jit3A = arith.constant 1 : i32
        %jit3A_191 = arith.constant 0 : i32
        %broadcast_in_dim3A_192 = vector.broadcast %jit3A : i32 to vector<16xi32>
        %broadcast_in_dim3A_193 = vector.broadcast %jit3A_191 : i32 to vector<16xi32>
        %select_n3A = arith.select %gt3A_190, %broadcast_in_dim3A_192, %broadcast_in_dim3A_193 : vector<16xi1>, vector<16xi32>
        %broadcast_in_dim3A_194 = arith.constant true
        %broadcast_in_dim3A_195 = vector.broadcast %broadcast_in_dim3A_194 : i1 to vector<16xi1>
        %masked_cumsum3A = tpu.scan <sum>, %select_n3A masked %broadcast_in_dim3A_195 : vector<16xi32>, vector<16xi1> -> vector<16xi32>
        %add3A_196 = arith.addi %scan3A_171, %masked_cumsum3A : vector<16xi32>
        %sub3A_197 = arith.constant 1 : i32
        %sub3A_198 = vector.broadcast %sub3A_197 : i32 to vector<16xi32>
        %sub3A_199 = arith.subi %add3A_196, %sub3A_198 : vector<16xi32>
        %and3A_200 = arith.constant 4095 : i32
        %and3A_201 = vector.broadcast %and3A_200 : i32 to vector<16xi32>
        %and3A_202 = arith.andi %sub3A_199, %and3A_201 : vector<16xi32>
        tpu.vector_store_idx %arg12[%and3A_202], %or3A masked %gt3A_190 : memref<4096xi32, #tpu.memory_space<vmem>>[vector<16xi32>], vector<16xi32>, vector<16xi1>
        %all_reduce_population_count3A = tpu.all_reduce %gt3A_190 {dim = 0 : i64, kind = #tpu.reduction_kind<sum>} : vector<16xi1> -> vector<16xi32>
        %add3A_203 = arith.addi %scan3A_171, %all_reduce_population_count3A : vector<16xi32>
        %scan3A_204 = arith.constant 1 : i32
        %scan3A_205 = arith.addi %scan3A_170, %scan3A_204 : i32
        %mul3A_206 = arith.constant 16 : i32
        %mul3A_207 = arith.muli %scan3A_205, %mul3A_206 : i32
        %get3A_208 = arith.index_cast %and3A_112 : i32 to index
        %get3A_209 = arith.index_cast %mul3A_207 : i32 to index
        %get3A_210 = tpu.vector_load %arg10[%get3A_208, %get3A_209] {strides = array<i32>} : memref<2x2048xi32, #tpu.memory_space<vmem>>, vector<16xi32>,
        %mul3A_211 = arith.constant 16 : i32
        %mul3A_212 = arith.muli %scan3A_205, %mul3A_211 : i32
        %get3A_213 = arith.index_cast %and3A_112 : i32 to index
        %get3A_214 = arith.index_cast %mul3A_212 : i32 to index
        %get3A_215 = tpu.vector_load %arg11[%get3A_213, %get3A_214] {strides = array<i32>} : memref<2x2048xi32, #tpu.memory_space<vmem>>, vector<16xi32>,
        %gather3A_216 = tpu.vector_load_idx %arg9[%get3A_210] : memref<50016xi32, #tpu.memory_space<vmem>>[vector<16xi32>], vector<16xi32>,
        %shift_right_logical3A_217 = arith.constant 16 : i32
        %shift_right_logical3A_218 = vector.broadcast %shift_right_logical3A_217 : i32 to vector<16xi32>
        %shift_right_logical3A_219 = arith.shrui %gather3A_216, %shift_right_logical3A_218 : vector<16xi32>
        %sub3A_220 = arith.constant 1 : i32
        %sub3A_221 = vector.broadcast %sub3A_220 : i32 to vector<16xi32>
        %sub3A_222 = arith.subi %shift_right_logical3A_219, %sub3A_221 : vector<16xi32>
        %shift_left3A_223 = arith.constant 16 : i32
        %shift_left3A_224 = vector.broadcast %shift_left3A_223 : i32 to vector<16xi32>
        %shift_left3A_225 = arith.shli %sub3A_222, %shift_left3A_224 : vector<16xi32>
        %or3A_226 = arith.ori %shift_left3A_225, %get3A_215 : vector<16xi32>
        %gt3A_227 = arith.constant 0 : i32
        %gt3A_228 = vector.broadcast %gt3A_227 : i32 to vector<16xi32>
        %gt3A_229 = arith.cmpi sgt, %shift_right_logical3A_219, %gt3A_228 : vector<16xi32>
        %jit3A_230 = arith.constant 1 : i32
        %jit3A_231 = arith.constant 0 : i32
        %broadcast_in_dim3A_232 = vector.broadcast %jit3A_230 : i32 to vector<16xi32>
        %broadcast_in_dim3A_233 = vector.broadcast %jit3A_231 : i32 to vector<16xi32>
        %select_n3A_234 = arith.select %gt3A_229, %broadcast_in_dim3A_232, %broadcast_in_dim3A_233 : vector<16xi1>, vector<16xi32>
        %broadcast_in_dim3A_235 = arith.constant true
        %broadcast_in_dim3A_236 = vector.broadcast %broadcast_in_dim3A_235 : i1 to vector<16xi1>
        %masked_cumsum3A_237 = tpu.scan <sum>, %select_n3A_234 masked %broadcast_in_dim3A_236 : vector<16xi32>, vector<16xi1> -> vector<16xi32>
        %add3A_238 = arith.addi %add3A_203, %masked_cumsum3A_237 : vector<16xi32>
        %sub3A_239 = arith.constant 1 : i32
        %sub3A_240 = vector.broadcast %sub3A_239 : i32 to vector<16xi32>
        %sub3A_241 = arith.subi %add3A_238, %sub3A_240 : vector<16xi32>
        %and3A_242 = arith.constant 4095 : i32
        %and3A_243 = vector.broadcast %and3A_242 : i32 to vector<16xi32>
        %and3A_244 = arith.andi %sub3A_241, %and3A_243 : vector<16xi32>
        tpu.vector_store_idx %arg12[%and3A_244], %or3A_226 masked %gt3A_229 : memref<4096xi32, #tpu.memory_space<vmem>>[vector<16xi32>], vector<16xi32>, vector<16xi1>
        %all_reduce_population_count3A_245 = tpu.all_reduce %gt3A_229 {dim = 0 : i64, kind = #tpu.reduction_kind<sum>} : vector<16xi1> -> vector<16xi32>
        %add3A_246 = arith.addi %add3A_203, %all_reduce_population_count3A_245 : vector<16xi32>
        %scan3A_247 = arith.constant 2 : i32
        %scan3A_248 = arith.addi %scan3A_170, %scan3A_247 : i32
        %mul3A_249 = arith.constant 16 : i32
        %mul3A_250 = arith.muli %scan3A_248, %mul3A_249 : i32
        %get3A_251 = arith.index_cast %and3A_112 : i32 to index
        %get3A_252 = arith.index_cast %mul3A_250 : i32 to index
        %get3A_253 = tpu.vector_load %arg10[%get3A_251, %get3A_252] {strides = array<i32>} : memref<2x2048xi32, #tpu.memory_space<vmem>>, vector<16xi32>,
        %mul3A_254 = arith.constant 16 : i32
        %mul3A_255 = arith.muli %scan3A_248, %mul3A_254 : i32
        %get3A_256 = arith.index_cast %and3A_112 : i32 to index
        %get3A_257 = arith.index_cast %mul3A_255 : i32 to index
        %get3A_258 = tpu.vector_load %arg11[%get3A_256, %get3A_257] {strides = array<i32>} : memref<2x2048xi32, #tpu.memory_space<vmem>>, vector<16xi32>,
        %gather3A_259 = tpu.vector_load_idx %arg9[%get3A_253] : memref<50016xi32, #tpu.memory_space<vmem>>[vector<16xi32>], vector<16xi32>,
        %shift_right_logical3A_260 = arith.constant 16 : i32
        %shift_right_logical3A_261 = vector.broadcast %shift_right_logical3A_260 : i32 to vector<16xi32>
        %shift_right_logical3A_262 = arith.shrui %gather3A_259, %shift_right_logical3A_261 : vector<16xi32>
        %sub3A_263 = arith.constant 1 : i32
        %sub3A_264 = vector.broadcast %sub3A_263 : i32 to vector<16xi32>
        %sub3A_265 = arith.subi %shift_right_logical3A_262, %sub3A_264 : vector<16xi32>
        %shift_left3A_266 = arith.constant 16 : i32
        %shift_left3A_267 = vector.broadcast %shift_left3A_266 : i32 to vector<16xi32>
        %shift_left3A_268 = arith.shli %sub3A_265, %shift_left3A_267 : vector<16xi32>
        %or3A_269 = arith.ori %shift_left3A_268, %get3A_258 : vector<16xi32>
        %gt3A_270 = arith.constant 0 : i32
        %gt3A_271 = vector.broadcast %gt3A_270 : i32 to vector<16xi32>
        %gt3A_272 = arith.cmpi sgt, %shift_right_logical3A_262, %gt3A_271 : vector<16xi32>
        %jit3A_273 = arith.constant 1 : i32
        %jit3A_274 = arith.constant 0 : i32
        %broadcast_in_dim3A_275 = vector.broadcast %jit3A_273 : i32 to vector<16xi32>
        %broadcast_in_dim3A_276 = vector.broadcast %jit3A_274 : i32 to vector<16xi32>
        %select_n3A_277 = arith.select %gt3A_272, %broadcast_in_dim3A_275, %broadcast_in_dim3A_276 : vector<16xi1>, vector<16xi32>
        %broadcast_in_dim3A_278 = arith.constant true
        %broadcast_in_dim3A_279 = vector.broadcast %broadcast_in_dim3A_278 : i1 to vector<16xi1>
        %masked_cumsum3A_280 = tpu.scan <sum>, %select_n3A_277 masked %broadcast_in_dim3A_279 : vector<16xi32>, vector<16xi1> -> vector<16xi32>
        %add3A_281 = arith.addi %add3A_246, %masked_cumsum3A_280 : vector<16xi32>
        %sub3A_282 = arith.constant 1 : i32
        %sub3A_283 = vector.broadcast %sub3A_282 : i32 to vector<16xi32>
        %sub3A_284 = arith.subi %add3A_281, %sub3A_283 : vector<16xi32>
        %and3A_285 = arith.constant 4095 : i32
        %and3A_286 = vector.broadcast %and3A_285 : i32 to vector<16xi32>
        %and3A_287 = arith.andi %sub3A_284, %and3A_286 : vector<16xi32>
        tpu.vector_store_idx %arg12[%and3A_287], %or3A_269 masked %gt3A_272 : memref<4096xi32, #tpu.memory_space<vmem>>[vector<16xi32>], vector<16xi32>, vector<16xi1>
        %all_reduce_population_count3A_288 = tpu.all_reduce %gt3A_272 {dim = 0 : i64, kind = #tpu.reduction_kind<sum>} : vector<16xi1> -> vector<16xi32>
        %add3A_289 = arith.addi %add3A_246, %all_reduce_population_count3A_288 : vector<16xi32>
        %scan3A_290 = arith.constant 3 : i32
        %scan3A_291 = arith.addi %scan3A_170, %scan3A_290 : i32
        %mul3A_292 = arith.constant 16 : i32
        %mul3A_293 = arith.muli %scan3A_291, %mul3A_292 : i32
        %get3A_294 = arith.index_cast %and3A_112 : i32 to index
        %get3A_295 = arith.index_cast %mul3A_293 : i32 to index
        %get3A_296 = tpu.vector_load %arg10[%get3A_294, %get3A_295] {strides = array<i32>} : memref<2x2048xi32, #tpu.memory_space<vmem>>, vector<16xi32>,
        %mul3A_297 = arith.constant 16 : i32
        %mul3A_298 = arith.muli %scan3A_291, %mul3A_297 : i32
        %get3A_299 = arith.index_cast %and3A_112 : i32 to index
        %get3A_300 = arith.index_cast %mul3A_298 : i32 to index
        %get3A_301 = tpu.vector_load %arg11[%get3A_299, %get3A_300] {strides = array<i32>} : memref<2x2048xi32, #tpu.memory_space<vmem>>, vector<16xi32>,
        %gather3A_302 = tpu.vector_load_idx %arg9[%get3A_296] : memref<50016xi32, #tpu.memory_space<vmem>>[vector<16xi32>], vector<16xi32>,
        %shift_right_logical3A_303 = arith.constant 16 : i32
        %shift_right_logical3A_304 = vector.broadcast %shift_right_logical3A_303 : i32 to vector<16xi32>
        %shift_right_logical3A_305 = arith.shrui %gather3A_302, %shift_right_logical3A_304 : vector<16xi32>
        %sub3A_306 = arith.constant 1 : i32
        %sub3A_307 = vector.broadcast %sub3A_306 : i32 to vector<16xi32>
        %sub3A_308 = arith.subi %shift_right_logical3A_305, %sub3A_307 : vector<16xi32>
        %shift_left3A_309 = arith.constant 16 : i32
        %shift_left3A_310 = vector.broadcast %shift_left3A_309 : i32 to vector<16xi32>
        %shift_left3A_311 = arith.shli %sub3A_308, %shift_left3A_310 : vector<16xi32>
        %or3A_312 = arith.ori %shift_left3A_311, %get3A_301 : vector<16xi32>
        %gt3A_313 = arith.constant 0 : i32
        %gt3A_314 = vector.broadcast %gt3A_313 : i32 to vector<16xi32>
        %gt3A_315 = arith.cmpi sgt, %shift_right_logical3A_305, %gt3A_314 : vector<16xi32>
        %jit3A_316 = arith.constant 1 : i32
        %jit3A_317 = arith.constant 0 : i32
        %broadcast_in_dim3A_318 = vector.broadcast %jit3A_316 : i32 to vector<16xi32>
        %broadcast_in_dim3A_319 = vector.broadcast %jit3A_317 : i32 to vector<16xi32>
        %select_n3A_320 = arith.select %gt3A_315, %broadcast_in_dim3A_318, %broadcast_in_dim3A_319 : vector<16xi1>, vector<16xi32>
        %broadcast_in_dim3A_321 = arith.constant true
        %broadcast_in_dim3A_322 = vector.broadcast %broadcast_in_dim3A_321 : i1 to vector<16xi1>
        %masked_cumsum3A_323 = tpu.scan <sum>, %select_n3A_320 masked %broadcast_in_dim3A_322 : vector<16xi32>, vector<16xi1> -> vector<16xi32>
        %add3A_324 = arith.addi %add3A_289, %masked_cumsum3A_323 : vector<16xi32>
        %sub3A_325 = arith.constant 1 : i32
        %sub3A_326 = vector.broadcast %sub3A_325 : i32 to vector<16xi32>
        %sub3A_327 = arith.subi %add3A_324, %sub3A_326 : vector<16xi32>
        %and3A_328 = arith.constant 4095 : i32
        %and3A_329 = vector.broadcast %and3A_328 : i32 to vector<16xi32>
        %and3A_330 = arith.andi %sub3A_327, %and3A_329 : vector<16xi32>
        tpu.vector_store_idx %arg12[%and3A_330], %or3A_312 masked %gt3A_315 : memref<4096xi32, #tpu.memory_space<vmem>>[vector<16xi32>], vector<16xi32>, vector<16xi1>
        %all_reduce_population_count3A_331 = tpu.all_reduce %gt3A_315 {dim = 0 : i64, kind = #tpu.reduction_kind<sum>} : vector<16xi1> -> vector<16xi32>
        %add3A_332 = arith.addi %add3A_289, %all_reduce_population_count3A_331 : vector<16xi32>
        scf.yield %add3A_332 : vector<16xi32>
      }
      %scan3A_141 = arith.constant 128 : i32
      %reduce_max3A_142 = arith.constant true
      %reduce_max3A_143 = vector.broadcast %reduce_max3A_142 : i1 to vector<16xi1>
      %reduce_max3A_144 = arith.constant -2147483648 : i32
      %reduce_max3A_145 = vector.broadcast %reduce_max3A_144 : i32 to vector<16xi32>
      %reduce_max3A_146 = arith.xori %scan3A_140, %reduce_max3A_145 : vector<16xi32>
      %reduce_max3A_147 = tpu.scan <max>, %reduce_max3A_146 masked %reduce_max3A_143 : vector<16xi32>, vector<16xi1> -> vector<16xi32>
      %reduce_max3A_148 = arith.xori %reduce_max3A_147, %reduce_max3A_145 : vector<16xi32>
      %reduce_max3A_149 = vector.extract %reduce_max3A_148[15] : i32 from vector<16xi32>
      %sub3A_150 = arith.subi %reduce_max3A_149, %scan3A_110 : i32
      %shift_right_logical3A_151 = arith.constant 6 : i32
      %shift_right_logical3A_152 = arith.shrui %sub3A_150, %shift_right_logical3A_151 : i32
      %shift_right_logical3A_153 = arith.constant 6 : i32
      %shift_right_logical3A_154 = arith.shrui %scan3A_110, %shift_right_logical3A_153 : i32
      %while3A_155 = arith.constant 0 : i32
      %while3A_156 = arith.constant 0 : i32
      %while3A_157 = arith.subi %shift_right_logical3A_152, %while3A_155 : i32
      %while3A_158 = arith.addi %while3A_155, %while3A_157 : i32
      %while3A_159 = arith.constant 1 : i32
      %while3A_160 = arith.divsi %while3A_157, %while3A_159 : i32
      %while3A_161 = arith.muli %while3A_160, %while3A_159 : i32
      %while3A_162 = arith.addi %while3A_155, %while3A_161 : i32
      %while3A_163 = arith.constant 1 : i32
      %while3A_164 = scf.for %while3A_170 = %while3A_155 to %while3A_162 step %while3A_163 iter_args(%while3A_171 = %while3A_156) -> (i32)  : i32 {
        %add3A_172 = arith.addi %shift_right_logical3A_154, %while3A_170 : i32
        %and3A_173 = arith.constant 3 : i32
        %and3A_174 = arith.andi %add3A_172, %and3A_173 : i32
        %ge3A = arith.constant 3 : i32
        %ge3A_175 = arith.cmpi sge, %add3A_172, %ge3A : i32
        %convert_element_type3A_176 = arith.extui %ge3A_175 : i1 to i32
        %cond3A_177 = arith.constant 0 : i32
        %cond3A_178 = arith.cmpi ne, %convert_element_type3A_176, %cond3A_177 : i32
        scf.if %cond3A_178 {
          %sub3A_302 = arith.constant 3 : i32
          %sub3A_303 = arith.subi %add3A_172, %sub3A_302 : i32
          %and3A_304 = arith.constant 3 : i32
          %and3A_305 = arith.andi %sub3A_303, %and3A_304 : i32
          %dma_wait3A_306 = arith.constant 0 : i32
          %dma_wait3A_307 = arith.constant 0 : i32
          %dma_wait3A_308 = tpu.memref_slice %arg13[%and3A_305, %dma_wait3A_306, %dma_wait3A_307] : memref<4x64x128xf32, #tpu.memory_space<vmem>> -> memref<1x64x128xf32, #tpu.memory_space<vmem>>
          %dma_wait3A_309 = tpu.memref_squeeze %dma_wait3A_308 : memref<1x64x128xf32, #tpu.memory_space<vmem>> -> memref<64x128xf32, #tpu.memory_space<vmem>>
          %dma_wait3A_310 = arith.constant 0 : i32
          %dma_wait3A_311 = arith.constant 0 : i32
          %dma_wait3A_312 = tpu.memref_slice %arg6[%dma_wait3A_310, %dma_wait3A_311] : memref<58192x128xf32, #tpu.memory_space<hbm>> -> memref<64x128xf32, #tpu.memory_space<hbm>>
          %dma_wait3A_313 = arith.constant 0 : i32
          %dma_wait3A_314 = arith.constant 0 : i32
          %dma_wait3A_315 = tpu.memref_slice %arg13[%and3A_305, %dma_wait3A_313, %dma_wait3A_314] : memref<4x64x128xf32, #tpu.memory_space<vmem>> -> memref<1x64x128xf32, #tpu.memory_space<vmem>>
          %dma_wait3A_316 = tpu.memref_squeeze %dma_wait3A_315 : memref<1x64x128xf32, #tpu.memory_space<vmem>> -> memref<64x128xf32, #tpu.memory_space<vmem>>
          %dma_wait3A_317 = arith.constant 0 : i32
          %dma_wait3A_318 = arith.constant 0 : i32
          %dma_wait3A_319 = tpu.memref_slice %arg6[%dma_wait3A_317, %dma_wait3A_318] : memref<58192x128xf32, #tpu.memory_space<hbm>> -> memref<64x128xf32, #tpu.memory_space<hbm>>
          tpu.wait_dma2 semaphore(%arg18 : memref<!tpu.dma_semaphore, #tpu.memory_space<semaphore_mem>>) src(%dma_wait3A_319 : memref<64x128xf32, #tpu.memory_space<hbm>>) dst(%dma_wait3A_316 : memref<64x128xf32, #tpu.memory_space<vmem>>)
          "tpu.region"() ({
            %run_scoped3A = tpu.sem_alloc : memref<!tpu.dma_semaphore, #tpu.memory_space<semaphore_mem>>
            %dma_start3A_320 = arith.constant 0 : i32
            %dma_start3A_321 = arith.constant 0 : i32
            %dma_start3A_322 = tpu.memref_slice %arg13[%and3A_305, %dma_start3A_320, %dma_start3A_321] : memref<4x64x128xf32, #tpu.memory_space<vmem>> -> memref<1x64x128xf32, #tpu.memory_space<vmem>>
            %dma_start3A_323 = tpu.memref_squeeze %dma_start3A_322 : memref<1x64x128xf32, #tpu.memory_space<vmem>> -> memref<64x128xf32, #tpu.memory_space<vmem>>
            %dma_start3A_324 = arith.constant 0 : i32
            %dma_start3A_325 = tpu.memref_slice %arg15[%and3A_305, %dma_start3A_324] : memref<4x64xi32, #tpu.memory_space<vmem>> -> memref<1x64xi32, #tpu.memory_space<vmem>>
            %dma_start3A_326 = tpu.memref_squeeze %dma_start3A_325 : memref<1x64xi32, #tpu.memory_space<vmem>> -> memref<64xi32, #tpu.memory_space<vmem>>
            %dma_start3A_327 = arith.constant 0 : i32
            %dma_start3A_328 = arith.constant 0 : i32
            %dma_start3A_329 = tpu.memref_slice %arg17[%dma_start3A_327, %dma_start3A_328] : memref<4224x128xf32, #tpu.memory_space<vmem_shared>> -> memref<4224x128xf32, #tpu.memory_space<vmem_shared>>
            tpu.enqueue_indirect_dma source(%dma_start3A_323 : memref<64x128xf32, #tpu.memory_space<vmem>>) target(%dma_start3A_329 : memref<4224x128xf32, #tpu.memory_space<vmem_shared>>) offsets(%dma_start3A_326 : memref<64xi32, #tpu.memory_space<vmem>>) semaphore(%run_scoped3A : memref<!tpu.dma_semaphore, #tpu.memory_space<semaphore_mem>>) {add = true}
            %dma_wait3A_330 = arith.constant 0 : i32
            %dma_wait3A_331 = arith.constant 0 : i32
            %dma_wait3A_332 = tpu.memref_slice %arg13[%and3A_305, %dma_wait3A_330, %dma_wait3A_331] : memref<4x64x128xf32, #tpu.memory_space<vmem>> -> memref<1x64x128xf32, #tpu.memory_space<vmem>>
            %dma_wait3A_333 = tpu.memref_squeeze %dma_wait3A_332 : memref<1x64x128xf32, #tpu.memory_space<vmem>> -> memref<64x128xf32, #tpu.memory_space<vmem>>
            %dma_wait3A_334 = arith.constant 0 : i32
            %dma_wait3A_335 = tpu.memref_slice %arg15[%and3A_305, %dma_wait3A_334] : memref<4x64xi32, #tpu.memory_space<vmem>> -> memref<1x64xi32, #tpu.memory_space<vmem>>
            %dma_wait3A_336 = tpu.memref_squeeze %dma_wait3A_335 : memref<1x64xi32, #tpu.memory_space<vmem>> -> memref<64xi32, #tpu.memory_space<vmem>>
            %dma_wait3A_337 = arith.constant 0 : i32
            %dma_wait3A_338 = arith.constant 0 : i32
            %dma_wait3A_339 = tpu.memref_slice %arg17[%dma_wait3A_337, %dma_wait3A_338] : memref<4224x128xf32, #tpu.memory_space<vmem_shared>> -> memref<4224x128xf32, #tpu.memory_space<vmem_shared>>
            tpu.wait_indirect_dma semaphore(%run_scoped3A : memref<!tpu.dma_semaphore, #tpu.memory_space<semaphore_mem>>) src(%dma_wait3A_333 : memref<64x128xf32, #tpu.memory_space<vmem>>) dst(%dma_wait3A_339 : memref<4224x128xf32, #tpu.memory_space<vmem_shared>>)
            tpu.yield
          }) : () -> ()
        } else {
        }
        %mul3A_179 = arith.constant 64 : i32
        %mul3A_180 = arith.muli %while3A_170, %mul3A_179 : i32
        %add3A_181 = arith.addi %scan3A_110, %mul3A_180 : i32
        %and3A_182 = arith.constant 4095 : i32
        %and3A_183 = arith.andi %add3A_181, %and3A_182 : i32
        %scan3A_184 = arith.constant 0 : i32
        %scan3A_185 = arith.constant 0 : i32
        %mul3A_186 = arith.constant 16 : i32
        %mul3A_187 = arith.muli %scan3A_185, %mul3A_186 : i32
        %add3A_188 = arith.addi %and3A_183, %mul3A_187 : i32
        %get3A = arith.index_cast %add3A_188 : i32 to index
        %get3A_189 = tpu.vector_load %arg12[%get3A] {strides = array<i32>} : memref<4096xi32, #tpu.memory_space<vmem>>, vector<16xi32>,
        %and3A_190 = arith.constant 65535 : i32
        %and3A_191 = vector.broadcast %and3A_190 : i32 to vector<16xi32>
        %and3A_192 = arith.andi %get3A_189, %and3A_191 : vector<16xi32>
        %gather3A = tpu.vector_load_idx %arg9[%and3A_192] : memref<50016xi32, #tpu.memory_space<vmem>>[vector<16xi32>], vector<16xi32>,
        %and3A_193 = arith.constant 65535 : i32
        %and3A_194 = vector.broadcast %and3A_193 : i32 to vector<16xi32>
        %and3A_195 = arith.andi %gather3A, %and3A_194 : vector<16xi32>
        %mul3A_196 = arith.constant 16 : i32
        %mul3A_197 = arith.muli %scan3A_185, %mul3A_196 : i32
        %swap3A = arith.index_cast %and3A_174 : i32 to index
        %swap3A_198 = arith.index_cast %mul3A_197 : i32 to index
        %swap3A_199 = tpu.vector_load %arg14[%swap3A, %swap3A_198] {strides = array<i32>} : memref<4x64xi32, #tpu.memory_space<vmem>>, vector<16xi32>,
        tpu.vector_store %arg14[%swap3A, %swap3A_198], %and3A_195 {strides = array<i32>} : memref<4x64xi32, #tpu.memory_space<vmem>>, vector<16xi32>,
        %shift_right_logical3A_200 = arith.constant 16 : i32
        %shift_right_logical3A_201 = vector.broadcast %shift_right_logical3A_200 : i32 to vector<16xi32>
        %shift_right_logical3A_202 = arith.shrui %get3A_189, %shift_right_logical3A_201 : vector<16xi32>
        %mul3A_203 = arith.constant 16 : i32
        %mul3A_204 = arith.muli %scan3A_185, %mul3A_203 : i32
        %swap3A_205 = arith.index_cast %and3A_174 : i32 to index
        %swap3A_206 = arith.index_cast %mul3A_204 : i32 to index
        %swap3A_207 = tpu.vector_load %arg15[%swap3A_205, %swap3A_206] {strides = array<i32>} : memref<4x64xi32, #tpu.memory_space<vmem>>, vector<16xi32>,
        tpu.vector_store %arg15[%swap3A_205, %swap3A_206], %shift_right_logical3A_202 {strides = array<i32>} : memref<4x64xi32, #tpu.memory_space<vmem>>, vector<16xi32>,
        %scan3A_208 = arith.constant 0 : i32
        %scan3A_209 = arith.constant 1 : i32
        %mul3A_210 = arith.constant 16 : i32
        %mul3A_211 = arith.muli %scan3A_209, %mul3A_210 : i32
        %add3A_212 = arith.addi %and3A_183, %mul3A_211 : i32
        %get3A_213 = arith.index_cast %add3A_212 : i32 to index
        %get3A_214 = tpu.vector_load %arg12[%get3A_213] {strides = array<i32>} : memref<4096xi32, #tpu.memory_space<vmem>>, vector<16xi32>,
        %and3A_215 = arith.constant 65535 : i32
        %and3A_216 = vector.broadcast %and3A_215 : i32 to vector<16xi32>
        %and3A_217 = arith.andi %get3A_214, %and3A_216 : vector<16xi32>
        %gather3A_218 = tpu.vector_load_idx %arg9[%and3A_217] : memref<50016xi32, #tpu.memory_space<vmem>>[vector<16xi32>], vector<16xi32>,
        %and3A_219 = arith.constant 65535 : i32
        %and3A_220 = vector.broadcast %and3A_219 : i32 to vector<16xi32>
        %and3A_221 = arith.andi %gather3A_218, %and3A_220 : vector<16xi32>
        %mul3A_222 = arith.constant 16 : i32
        %mul3A_223 = arith.muli %scan3A_209, %mul3A_222 : i32
        %swap3A_224 = arith.index_cast %and3A_174 : i32 to index
        %swap3A_225 = arith.index_cast %mul3A_223 : i32 to index
        %swap3A_226 = tpu.vector_load %arg14[%swap3A_224, %swap3A_225] {strides = array<i32>} : memref<4x64xi32, #tpu.memory_space<vmem>>, vector<16xi32>,
        tpu.vector_store %arg14[%swap3A_224, %swap3A_225], %and3A_221 {strides = array<i32>} : memref<4x64xi32, #tpu.memory_space<vmem>>, vector<16xi32>,
        %shift_right_logical3A_227 = arith.constant 16 : i32
        %shift_right_logical3A_228 = vector.broadcast %shift_right_logical3A_227 : i32 to vector<16xi32>
        %shift_right_logical3A_229 = arith.shrui %get3A_214, %shift_right_logical3A_228 : vector<16xi32>
        %mul3A_230 = arith.constant 16 : i32
        %mul3A_231 = arith.muli %scan3A_209, %mul3A_230 : i32
        %swap3A_232 = arith.index_cast %and3A_174 : i32 to index
        %swap3A_233 = arith.index_cast %mul3A_231 : i32 to index
        %swap3A_234 = tpu.vector_load %arg15[%swap3A_232, %swap3A_233] {strides = array<i32>} : memref<4x64xi32, #tpu.memory_space<vmem>>, vector<16xi32>,
        tpu.vector_store %arg15[%swap3A_232, %swap3A_233], %shift_right_logical3A_229 {strides = array<i32>} : memref<4x64xi32, #tpu.memory_space<vmem>>, vector<16xi32>,
        %scan3A_235 = arith.constant 0 : i32
        %scan3A_236 = arith.constant 2 : i32
        %mul3A_237 = arith.constant 16 : i32
        %mul3A_238 = arith.muli %scan3A_236, %mul3A_237 : i32
        %add3A_239 = arith.addi %and3A_183, %mul3A_238 : i32
        %get3A_240 = arith.index_cast %add3A_239 : i32 to index
        %get3A_241 = tpu.vector_load %arg12[%get3A_240] {strides = array<i32>} : memref<4096xi32, #tpu.memory_space<vmem>>, vector<16xi32>,
        %and3A_242 = arith.constant 65535 : i32
        %and3A_243 = vector.broadcast %and3A_242 : i32 to vector<16xi32>
        %and3A_244 = arith.andi %get3A_241, %and3A_243 : vector<16xi32>
        %gather3A_245 = tpu.vector_load_idx %arg9[%and3A_244] : memref<50016xi32, #tpu.memory_space<vmem>>[vector<16xi32>], vector<16xi32>,
        %and3A_246 = arith.constant 65535 : i32
        %and3A_247 = vector.broadcast %and3A_246 : i32 to vector<16xi32>
        %and3A_248 = arith.andi %gather3A_245, %and3A_247 : vector<16xi32>
        %mul3A_249 = arith.constant 16 : i32
        %mul3A_250 = arith.muli %scan3A_236, %mul3A_249 : i32
        %swap3A_251 = arith.index_cast %and3A_174 : i32 to index
        %swap3A_252 = arith.index_cast %mul3A_250 : i32 to index
        %swap3A_253 = tpu.vector_load %arg14[%swap3A_251, %swap3A_252] {strides = array<i32>} : memref<4x64xi32, #tpu.memory_space<vmem>>, vector<16xi32>,
        tpu.vector_store %arg14[%swap3A_251, %swap3A_252], %and3A_248 {strides = array<i32>} : memref<4x64xi32, #tpu.memory_space<vmem>>, vector<16xi32>,
        %shift_right_logical3A_254 = arith.constant 16 : i32
        %shift_right_logical3A_255 = vector.broadcast %shift_right_logical3A_254 : i32 to vector<16xi32>
        %shift_right_logical3A_256 = arith.shrui %get3A_241, %shift_right_logical3A_255 : vector<16xi32>
        %mul3A_257 = arith.constant 16 : i32
        %mul3A_258 = arith.muli %scan3A_236, %mul3A_257 : i32
        %swap3A_259 = arith.index_cast %and3A_174 : i32 to index
        %swap3A_260 = arith.index_cast %mul3A_258 : i32 to index
        %swap3A_261 = tpu.vector_load %arg15[%swap3A_259, %swap3A_260] {strides = array<i32>} : memref<4x64xi32, #tpu.memory_space<vmem>>, vector<16xi32>,
        tpu.vector_store %arg15[%swap3A_259, %swap3A_260], %shift_right_logical3A_256 {strides = array<i32>} : memref<4x64xi32, #tpu.memory_space<vmem>>, vector<16xi32>,
        %scan3A_262 = arith.constant 0 : i32
        %scan3A_263 = arith.constant 3 : i32
        %mul3A_264 = arith.constant 16 : i32
        %mul3A_265 = arith.muli %scan3A_263, %mul3A_264 : i32
        %add3A_266 = arith.addi %and3A_183, %mul3A_265 : i32
        %get3A_267 = arith.index_cast %add3A_266 : i32 to index
        %get3A_268 = tpu.vector_load %arg12[%get3A_267] {strides = array<i32>} : memref<4096xi32, #tpu.memory_space<vmem>>, vector<16xi32>,
        %and3A_269 = arith.constant 65535 : i32
        %and3A_270 = vector.broadcast %and3A_269 : i32 to vector<16xi32>
        %and3A_271 = arith.andi %get3A_268, %and3A_270 : vector<16xi32>
        %gather3A_272 = tpu.vector_load_idx %arg9[%and3A_271] : memref<50016xi32, #tpu.memory_space<vmem>>[vector<16xi32>], vector<16xi32>,
        %and3A_273 = arith.constant 65535 : i32
        %and3A_274 = vector.broadcast %and3A_273 : i32 to vector<16xi32>
        %and3A_275 = arith.andi %gather3A_272, %and3A_274 : vector<16xi32>
        %mul3A_276 = arith.constant 16 : i32
        %mul3A_277 = arith.muli %scan3A_263, %mul3A_276 : i32
        %swap3A_278 = arith.index_cast %and3A_174 : i32 to index
        %swap3A_279 = arith.index_cast %mul3A_277 : i32 to index
        %swap3A_280 = tpu.vector_load %arg14[%swap3A_278, %swap3A_279] {strides = array<i32>} : memref<4x64xi32, #tpu.memory_space<vmem>>, vector<16xi32>,
        tpu.vector_store %arg14[%swap3A_278, %swap3A_279], %and3A_275 {strides = array<i32>} : memref<4x64xi32, #tpu.memory_space<vmem>>, vector<16xi32>,
        %shift_right_logical3A_281 = arith.constant 16 : i32
        %shift_right_logical3A_282 = vector.broadcast %shift_right_logical3A_281 : i32 to vector<16xi32>
        %shift_right_logical3A_283 = arith.shrui %get3A_268, %shift_right_logical3A_282 : vector<16xi32>
        %mul3A_284 = arith.constant 16 : i32
        %mul3A_285 = arith.muli %scan3A_263, %mul3A_284 : i32
        %swap3A_286 = arith.index_cast %and3A_174 : i32 to index
        %swap3A_287 = arith.index_cast %mul3A_285 : i32 to index
        %swap3A_288 = tpu.vector_load %arg15[%swap3A_286, %swap3A_287] {strides = array<i32>} : memref<4x64xi32, #tpu.memory_space<vmem>>, vector<16xi32>,
        tpu.vector_store %arg15[%swap3A_286, %swap3A_287], %shift_right_logical3A_283 {strides = array<i32>} : memref<4x64xi32, #tpu.memory_space<vmem>>, vector<16xi32>,
        %scan3A_289 = arith.constant 0 : i32
        %scan3A_290 = arith.constant 4 : i32
        %dma_start3A_291 = arith.constant 0 : i32
        %dma_start3A_292 = arith.constant 0 : i32
        %dma_start3A_293 = tpu.memref_slice %arg13[%and3A_174, %dma_start3A_291, %dma_start3A_292] : memref<4x64x128xf32, #tpu.memory_space<vmem>> -> memref<1x64x128xf32, #tpu.memory_space<vmem>>
        %dma_start3A_294 = tpu.memref_squeeze %dma_start3A_293 : memref<1x64x128xf32, #tpu.memory_space<vmem>> -> memref<64x128xf32, #tpu.memory_space<vmem>>
        %dma_start3A_295 = arith.constant 0 : i32
        %dma_start3A_296 = tpu.memref_slice %arg14[%and3A_174, %dma_start3A_295] : memref<4x64xi32, #tpu.memory_space<vmem>> -> memref<1x64xi32, #tpu.memory_space<vmem>>
        %dma_start3A_297 = tpu.memref_squeeze %dma_start3A_296 : memref<1x64xi32, #tpu.memory_space<vmem>> -> memref<64xi32, #tpu.memory_space<vmem>>
        %dma_start3A_298 = arith.constant 0 : i32
        %dma_start3A_299 = arith.constant 0 : i32
        %dma_start3A_300 = tpu.memref_slice %arg6[%dma_start3A_298, %dma_start3A_299] : memref<58192x128xf32, #tpu.memory_space<hbm>> -> memref<58192x128xf32, #tpu.memory_space<hbm>>
        tpu.enqueue_indirect_dma source(%dma_start3A_300 : memref<58192x128xf32, #tpu.memory_space<hbm>>) target(%dma_start3A_294 : memref<64x128xf32, #tpu.memory_space<vmem>>) offsets(%dma_start3A_297 : memref<64xi32, #tpu.memory_space<vmem>>) semaphore(%arg18 : memref<!tpu.dma_semaphore, #tpu.memory_space<semaphore_mem>>)
        %while3A_301 = arith.constant 0 : i32
        scf.yield %while3A_301 : i32
      }
      %while3A_165 = arith.constant 1 : i32
      %while3A_166 = scf.for %while3A_170 = %while3A_162 to %while3A_158 step %while3A_165 iter_args(%while3A_171 = %while3A_164) -> (i32)  : i32 {
        %add3A_172 = arith.addi %shift_right_logical3A_154, %while3A_170 : i32
        %and3A_173 = arith.constant 3 : i32
        %and3A_174 = arith.andi %add3A_172, %and3A_173 : i32
        %ge3A = arith.constant 3 : i32
        %ge3A_175 = arith.cmpi sge, %add3A_172, %ge3A : i32
        %convert_element_type3A_176 = arith.extui %ge3A_175 : i1 to i32
        %cond3A_177 = arith.constant 0 : i32
        %cond3A_178 = arith.cmpi ne, %convert_element_type3A_176, %cond3A_177 : i32
        scf.if %cond3A_178 {
          %sub3A_302 = arith.constant 3 : i32
          %sub3A_303 = arith.subi %add3A_172, %sub3A_302 : i32
          %and3A_304 = arith.constant 3 : i32
          %and3A_305 = arith.andi %sub3A_303, %and3A_304 : i32
          %dma_wait3A_306 = arith.constant 0 : i32
          %dma_wait3A_307 = arith.constant 0 : i32
          %dma_wait3A_308 = tpu.memref_slice %arg13[%and3A_305, %dma_wait3A_306, %dma_wait3A_307] : memref<4x64x128xf32, #tpu.memory_space<vmem>> -> memref<1x64x128xf32, #tpu.memory_space<vmem>>
          %dma_wait3A_309 = tpu.memref_squeeze %dma_wait3A_308 : memref<1x64x128xf32, #tpu.memory_space<vmem>> -> memref<64x128xf32, #tpu.memory_space<vmem>>
          %dma_wait3A_310 = arith.constant 0 : i32
          %dma_wait3A_311 = arith.constant 0 : i32
          %dma_wait3A_312 = tpu.memref_slice %arg6[%dma_wait3A_310, %dma_wait3A_311] : memref<58192x128xf32, #tpu.memory_space<hbm>> -> memref<64x128xf32, #tpu.memory_space<hbm>>
          %dma_wait3A_313 = arith.constant 0 : i32
          %dma_wait3A_314 = arith.constant 0 : i32
          %dma_wait3A_315 = tpu.memref_slice %arg13[%and3A_305, %dma_wait3A_313, %dma_wait3A_314] : memref<4x64x128xf32, #tpu.memory_space<vmem>> -> memref<1x64x128xf32, #tpu.memory_space<vmem>>
          %dma_wait3A_316 = tpu.memref_squeeze %dma_wait3A_315 : memref<1x64x128xf32, #tpu.memory_space<vmem>> -> memref<64x128xf32, #tpu.memory_space<vmem>>
          %dma_wait3A_317 = arith.constant 0 : i32
          %dma_wait3A_318 = arith.constant 0 : i32
          %dma_wait3A_319 = tpu.memref_slice %arg6[%dma_wait3A_317, %dma_wait3A_318] : memref<58192x128xf32, #tpu.memory_space<hbm>> -> memref<64x128xf32, #tpu.memory_space<hbm>>
          tpu.wait_dma2 semaphore(%arg18 : memref<!tpu.dma_semaphore, #tpu.memory_space<semaphore_mem>>) src(%dma_wait3A_319 : memref<64x128xf32, #tpu.memory_space<hbm>>) dst(%dma_wait3A_316 : memref<64x128xf32, #tpu.memory_space<vmem>>)
          "tpu.region"() ({
            %run_scoped3A = tpu.sem_alloc : memref<!tpu.dma_semaphore, #tpu.memory_space<semaphore_mem>>
            %dma_start3A_320 = arith.constant 0 : i32
            %dma_start3A_321 = arith.constant 0 : i32
            %dma_start3A_322 = tpu.memref_slice %arg13[%and3A_305, %dma_start3A_320, %dma_start3A_321] : memref<4x64x128xf32, #tpu.memory_space<vmem>> -> memref<1x64x128xf32, #tpu.memory_space<vmem>>
            %dma_start3A_323 = tpu.memref_squeeze %dma_start3A_322 : memref<1x64x128xf32, #tpu.memory_space<vmem>> -> memref<64x128xf32, #tpu.memory_space<vmem>>
            %dma_start3A_324 = arith.constant 0 : i32
            %dma_start3A_325 = tpu.memref_slice %arg15[%and3A_305, %dma_start3A_324] : memref<4x64xi32, #tpu.memory_space<vmem>> -> memref<1x64xi32, #tpu.memory_space<vmem>>
            %dma_start3A_326 = tpu.memref_squeeze %dma_start3A_325 : memref<1x64xi32, #tpu.memory_space<vmem>> -> memref<64xi32, #tpu.memory_space<vmem>>
            %dma_start3A_327 = arith.constant 0 : i32
            %dma_start3A_328 = arith.constant 0 : i32
            %dma_start3A_329 = tpu.memref_slice %arg17[%dma_start3A_327, %dma_start3A_328] : memref<4224x128xf32, #tpu.memory_space<vmem_shared>> -> memref<4224x128xf32, #tpu.memory_space<vmem_shared>>
            tpu.enqueue_indirect_dma source(%dma_start3A_323 : memref<64x128xf32, #tpu.memory_space<vmem>>) target(%dma_start3A_329 : memref<4224x128xf32, #tpu.memory_space<vmem_shared>>) offsets(%dma_start3A_326 : memref<64xi32, #tpu.memory_space<vmem>>) semaphore(%run_scoped3A : memref<!tpu.dma_semaphore, #tpu.memory_space<semaphore_mem>>) {add = true}
            %dma_wait3A_330 = arith.constant 0 : i32
            %dma_wait3A_331 = arith.constant 0 : i32
            %dma_wait3A_332 = tpu.memref_slice %arg13[%and3A_305, %dma_wait3A_330, %dma_wait3A_331] : memref<4x64x128xf32, #tpu.memory_space<vmem>> -> memref<1x64x128xf32, #tpu.memory_space<vmem>>
            %dma_wait3A_333 = tpu.memref_squeeze %dma_wait3A_332 : memref<1x64x128xf32, #tpu.memory_space<vmem>> -> memref<64x128xf32, #tpu.memory_space<vmem>>
            %dma_wait3A_334 = arith.constant 0 : i32
            %dma_wait3A_335 = tpu.memref_slice %arg15[%and3A_305, %dma_wait3A_334] : memref<4x64xi32, #tpu.memory_space<vmem>> -> memref<1x64xi32, #tpu.memory_space<vmem>>
            %dma_wait3A_336 = tpu.memref_squeeze %dma_wait3A_335 : memref<1x64xi32, #tpu.memory_space<vmem>> -> memref<64xi32, #tpu.memory_space<vmem>>
            %dma_wait3A_337 = arith.constant 0 : i32
            %dma_wait3A_338 = arith.constant 0 : i32
            %dma_wait3A_339 = tpu.memref_slice %arg17[%dma_wait3A_337, %dma_wait3A_338] : memref<4224x128xf32, #tpu.memory_space<vmem_shared>> -> memref<4224x128xf32, #tpu.memory_space<vmem_shared>>
            tpu.wait_indirect_dma semaphore(%run_scoped3A : memref<!tpu.dma_semaphore, #tpu.memory_space<semaphore_mem>>) src(%dma_wait3A_333 : memref<64x128xf32, #tpu.memory_space<vmem>>) dst(%dma_wait3A_339 : memref<4224x128xf32, #tpu.memory_space<vmem_shared>>)
            tpu.yield
          }) : () -> ()
        } else {
        }
        %mul3A_179 = arith.constant 64 : i32
        %mul3A_180 = arith.muli %while3A_170, %mul3A_179 : i32
        %add3A_181 = arith.addi %scan3A_110, %mul3A_180 : i32
        %and3A_182 = arith.constant 4095 : i32
        %and3A_183 = arith.andi %add3A_181, %and3A_182 : i32
        %scan3A_184 = arith.constant 0 : i32
        %scan3A_185 = arith.constant 0 : i32
        %mul3A_186 = arith.constant 16 : i32
        %mul3A_187 = arith.muli %scan3A_185, %mul3A_186 : i32
        %add3A_188 = arith.addi %and3A_183, %mul3A_187 : i32
        %get3A = arith.index_cast %add3A_188 : i32 to index
        %get3A_189 = tpu.vector_load %arg12[%get3A] {strides = array<i32>} : memref<4096xi32, #tpu.memory_space<vmem>>, vector<16xi32>,
        %and3A_190 = arith.constant 65535 : i32
        %and3A_191 = vector.broadcast %and3A_190 : i32 to vector<16xi32>
        %and3A_192 = arith.andi %get3A_189, %and3A_191 : vector<16xi32>
        %gather3A = tpu.vector_load_idx %arg9[%and3A_192] : memref<50016xi32, #tpu.memory_space<vmem>>[vector<16xi32>], vector<16xi32>,
        %and3A_193 = arith.constant 65535 : i32
        %and3A_194 = vector.broadcast %and3A_193 : i32 to vector<16xi32>
        %and3A_195 = arith.andi %gather3A, %and3A_194 : vector<16xi32>
        %mul3A_196 = arith.constant 16 : i32
        %mul3A_197 = arith.muli %scan3A_185, %mul3A_196 : i32
        %swap3A = arith.index_cast %and3A_174 : i32 to index
        %swap3A_198 = arith.index_cast %mul3A_197 : i32 to index
        %swap3A_199 = tpu.vector_load %arg14[%swap3A, %swap3A_198] {strides = array<i32>} : memref<4x64xi32, #tpu.memory_space<vmem>>, vector<16xi32>,
        tpu.vector_store %arg14[%swap3A, %swap3A_198], %and3A_195 {strides = array<i32>} : memref<4x64xi32, #tpu.memory_space<vmem>>, vector<16xi32>,
        %shift_right_logical3A_200 = arith.constant 16 : i32
        %shift_right_logical3A_201 = vector.broadcast %shift_right_logical3A_200 : i32 to vector<16xi32>
        %shift_right_logical3A_202 = arith.shrui %get3A_189, %shift_right_logical3A_201 : vector<16xi32>
        %mul3A_203 = arith.constant 16 : i32
        %mul3A_204 = arith.muli %scan3A_185, %mul3A_203 : i32
        %swap3A_205 = arith.index_cast %and3A_174 : i32 to index
        %swap3A_206 = arith.index_cast %mul3A_204 : i32 to index
        %swap3A_207 = tpu.vector_load %arg15[%swap3A_205, %swap3A_206] {strides = array<i32>} : memref<4x64xi32, #tpu.memory_space<vmem>>, vector<16xi32>,
        tpu.vector_store %arg15[%swap3A_205, %swap3A_206], %shift_right_logical3A_202 {strides = array<i32>} : memref<4x64xi32, #tpu.memory_space<vmem>>, vector<16xi32>,
        %scan3A_208 = arith.constant 0 : i32
        %scan3A_209 = arith.constant 1 : i32
        %mul3A_210 = arith.constant 16 : i32
        %mul3A_211 = arith.muli %scan3A_209, %mul3A_210 : i32
        %add3A_212 = arith.addi %and3A_183, %mul3A_211 : i32
        %get3A_213 = arith.index_cast %add3A_212 : i32 to index
        %get3A_214 = tpu.vector_load %arg12[%get3A_213] {strides = array<i32>} : memref<4096xi32, #tpu.memory_space<vmem>>, vector<16xi32>,
        %and3A_215 = arith.constant 65535 : i32
        %and3A_216 = vector.broadcast %and3A_215 : i32 to vector<16xi32>
        %and3A_217 = arith.andi %get3A_214, %and3A_216 : vector<16xi32>
        %gather3A_218 = tpu.vector_load_idx %arg9[%and3A_217] : memref<50016xi32, #tpu.memory_space<vmem>>[vector<16xi32>], vector<16xi32>,
        %and3A_219 = arith.constant 65535 : i32
        %and3A_220 = vector.broadcast %and3A_219 : i32 to vector<16xi32>
        %and3A_221 = arith.andi %gather3A_218, %and3A_220 : vector<16xi32>
        %mul3A_222 = arith.constant 16 : i32
        %mul3A_223 = arith.muli %scan3A_209, %mul3A_222 : i32
        %swap3A_224 = arith.index_cast %and3A_174 : i32 to index
        %swap3A_225 = arith.index_cast %mul3A_223 : i32 to index
        %swap3A_226 = tpu.vector_load %arg14[%swap3A_224, %swap3A_225] {strides = array<i32>} : memref<4x64xi32, #tpu.memory_space<vmem>>, vector<16xi32>,
        tpu.vector_store %arg14[%swap3A_224, %swap3A_225], %and3A_221 {strides = array<i32>} : memref<4x64xi32, #tpu.memory_space<vmem>>, vector<16xi32>,
        %shift_right_logical3A_227 = arith.constant 16 : i32
        %shift_right_logical3A_228 = vector.broadcast %shift_right_logical3A_227 : i32 to vector<16xi32>
        %shift_right_logical3A_229 = arith.shrui %get3A_214, %shift_right_logical3A_228 : vector<16xi32>
        %mul3A_230 = arith.constant 16 : i32
        %mul3A_231 = arith.muli %scan3A_209, %mul3A_230 : i32
        %swap3A_232 = arith.index_cast %and3A_174 : i32 to index
        %swap3A_233 = arith.index_cast %mul3A_231 : i32 to index
        %swap3A_234 = tpu.vector_load %arg15[%swap3A_232, %swap3A_233] {strides = array<i32>} : memref<4x64xi32, #tpu.memory_space<vmem>>, vector<16xi32>,
        tpu.vector_store %arg15[%swap3A_232, %swap3A_233], %shift_right_logical3A_229 {strides = array<i32>} : memref<4x64xi32, #tpu.memory_space<vmem>>, vector<16xi32>,
        %scan3A_235 = arith.constant 0 : i32
        %scan3A_236 = arith.constant 2 : i32
        %mul3A_237 = arith.constant 16 : i32
        %mul3A_238 = arith.muli %scan3A_236, %mul3A_237 : i32
        %add3A_239 = arith.addi %and3A_183, %mul3A_238 : i32
        %get3A_240 = arith.index_cast %add3A_239 : i32 to index
        %get3A_241 = tpu.vector_load %arg12[%get3A_240] {strides = array<i32>} : memref<4096xi32, #tpu.memory_space<vmem>>, vector<16xi32>,
        %and3A_242 = arith.constant 65535 : i32
        %and3A_243 = vector.broadcast %and3A_242 : i32 to vector<16xi32>
        %and3A_244 = arith.andi %get3A_241, %and3A_243 : vector<16xi32>
        %gather3A_245 = tpu.vector_load_idx %arg9[%and3A_244] : memref<50016xi32, #tpu.memory_space<vmem>>[vector<16xi32>], vector<16xi32>,
        %and3A_246 = arith.constant 65535 : i32
        %and3A_247 = vector.broadcast %and3A_246 : i32 to vector<16xi32>
        %and3A_248 = arith.andi %gather3A_245, %and3A_247 : vector<16xi32>
        %mul3A_249 = arith.constant 16 : i32
        %mul3A_250 = arith.muli %scan3A_236, %mul3A_249 : i32
        %swap3A_251 = arith.index_cast %and3A_174 : i32 to index
        %swap3A_252 = arith.index_cast %mul3A_250 : i32 to index
        %swap3A_253 = tpu.vector_load %arg14[%swap3A_251, %swap3A_252] {strides = array<i32>} : memref<4x64xi32, #tpu.memory_space<vmem>>, vector<16xi32>,
        tpu.vector_store %arg14[%swap3A_251, %swap3A_252], %and3A_248 {strides = array<i32>} : memref<4x64xi32, #tpu.memory_space<vmem>>, vector<16xi32>,
        %shift_right_logical3A_254 = arith.constant 16 : i32
        %shift_right_logical3A_255 = vector.broadcast %shift_right_logical3A_254 : i32 to vector<16xi32>
        %shift_right_logical3A_256 = arith.shrui %get3A_241, %shift_right_logical3A_255 : vector<16xi32>
        %mul3A_257 = arith.constant 16 : i32
        %mul3A_258 = arith.muli %scan3A_236, %mul3A_257 : i32
        %swap3A_259 = arith.index_cast %and3A_174 : i32 to index
        %swap3A_260 = arith.index_cast %mul3A_258 : i32 to index
        %swap3A_261 = tpu.vector_load %arg15[%swap3A_259, %swap3A_260] {strides = array<i32>} : memref<4x64xi32, #tpu.memory_space<vmem>>, vector<16xi32>,
        tpu.vector_store %arg15[%swap3A_259, %swap3A_260], %shift_right_logical3A_256 {strides = array<i32>} : memref<4x64xi32, #tpu.memory_space<vmem>>, vector<16xi32>,
        %scan3A_262 = arith.constant 0 : i32
        %scan3A_263 = arith.constant 3 : i32
        %mul3A_264 = arith.constant 16 : i32
        %mul3A_265 = arith.muli %scan3A_263, %mul3A_264 : i32
        %add3A_266 = arith.addi %and3A_183, %mul3A_265 : i32
        %get3A_267 = arith.index_cast %add3A_266 : i32 to index
        %get3A_268 = tpu.vector_load %arg12[%get3A_267] {strides = array<i32>} : memref<4096xi32, #tpu.memory_space<vmem>>, vector<16xi32>,
        %and3A_269 = arith.constant 65535 : i32
        %and3A_270 = vector.broadcast %and3A_269 : i32 to vector<16xi32>
        %and3A_271 = arith.andi %get3A_268, %and3A_270 : vector<16xi32>
        %gather3A_272 = tpu.vector_load_idx %arg9[%and3A_271] : memref<50016xi32, #tpu.memory_space<vmem>>[vector<16xi32>], vector<16xi32>,
        %and3A_273 = arith.constant 65535 : i32
        %and3A_274 = vector.broadcast %and3A_273 : i32 to vector<16xi32>
        %and3A_275 = arith.andi %gather3A_272, %and3A_274 : vector<16xi32>
        %mul3A_276 = arith.constant 16 : i32
        %mul3A_277 = arith.muli %scan3A_263, %mul3A_276 : i32
        %swap3A_278 = arith.index_cast %and3A_174 : i32 to index
        %swap3A_279 = arith.index_cast %mul3A_277 : i32 to index
        %swap3A_280 = tpu.vector_load %arg14[%swap3A_278, %swap3A_279] {strides = array<i32>} : memref<4x64xi32, #tpu.memory_space<vmem>>, vector<16xi32>,
        tpu.vector_store %arg14[%swap3A_278, %swap3A_279], %and3A_275 {strides = array<i32>} : memref<4x64xi32, #tpu.memory_space<vmem>>, vector<16xi32>,
        %shift_right_logical3A_281 = arith.constant 16 : i32
        %shift_right_logical3A_282 = vector.broadcast %shift_right_logical3A_281 : i32 to vector<16xi32>
        %shift_right_logical3A_283 = arith.shrui %get3A_268, %shift_right_logical3A_282 : vector<16xi32>
        %mul3A_284 = arith.constant 16 : i32
        %mul3A_285 = arith.muli %scan3A_263, %mul3A_284 : i32
        %swap3A_286 = arith.index_cast %and3A_174 : i32 to index
        %swap3A_287 = arith.index_cast %mul3A_285 : i32 to index
        %swap3A_288 = tpu.vector_load %arg15[%swap3A_286, %swap3A_287] {strides = array<i32>} : memref<4x64xi32, #tpu.memory_space<vmem>>, vector<16xi32>,
        tpu.vector_store %arg15[%swap3A_286, %swap3A_287], %shift_right_logical3A_283 {strides = array<i32>} : memref<4x64xi32, #tpu.memory_space<vmem>>, vector<16xi32>,
        %scan3A_289 = arith.constant 0 : i32
        %scan3A_290 = arith.constant 4 : i32
        %dma_start3A_291 = arith.constant 0 : i32
        %dma_start3A_292 = arith.constant 0 : i32
        %dma_start3A_293 = tpu.memref_slice %arg13[%and3A_174, %dma_start3A_291, %dma_start3A_292] : memref<4x64x128xf32, #tpu.memory_space<vmem>> -> memref<1x64x128xf32, #tpu.memory_space<vmem>>
        %dma_start3A_294 = tpu.memref_squeeze %dma_start3A_293 : memref<1x64x128xf32, #tpu.memory_space<vmem>> -> memref<64x128xf32, #tpu.memory_space<vmem>>
        %dma_start3A_295 = arith.constant 0 : i32
        %dma_start3A_296 = tpu.memref_slice %arg14[%and3A_174, %dma_start3A_295] : memref<4x64xi32, #tpu.memory_space<vmem>> -> memref<1x64xi32, #tpu.memory_space<vmem>>
        %dma_start3A_297 = tpu.memref_squeeze %dma_start3A_296 : memref<1x64xi32, #tpu.memory_space<vmem>> -> memref<64xi32, #tpu.memory_space<vmem>>
        %dma_start3A_298 = arith.constant 0 : i32
        %dma_start3A_299 = arith.constant 0 : i32
        %dma_start3A_300 = tpu.memref_slice %arg6[%dma_start3A_298, %dma_start3A_299] : memref<58192x128xf32, #tpu.memory_space<hbm>> -> memref<58192x128xf32, #tpu.memory_space<hbm>>
        tpu.enqueue_indirect_dma source(%dma_start3A_300 : memref<58192x128xf32, #tpu.memory_space<hbm>>) target(%dma_start3A_294 : memref<64x128xf32, #tpu.memory_space<vmem>>) offsets(%dma_start3A_297 : memref<64xi32, #tpu.memory_space<vmem>>) semaphore(%arg18 : memref<!tpu.dma_semaphore, #tpu.memory_space<semaphore_mem>>)
        %while3A_301 = arith.constant 0 : i32
        scf.yield %while3A_301 : i32
      }
      %mul3A_167 = arith.constant 64 : i32
      %mul3A_168 = arith.muli %shift_right_logical3A_152, %mul3A_167 : i32
      %add3A_169 = arith.addi %scan3A_110, %mul3A_168 : i32
      scf.yield %scan3A_140, %add3A_169 : vector<16xi32>, i32
    }
    %scan3A_46 = arith.constant 16 : i32
    %reduce_max3A = arith.constant true
    %reduce_max3A_47 = vector.broadcast %reduce_max3A : i1 to vector<16xi1>
    %reduce_max3A_48 = arith.constant -2147483648 : i32
    %reduce_max3A_49 = vector.broadcast %reduce_max3A_48 : i32 to vector<16xi32>
    %reduce_max3A_50 = arith.xori %scan3A_45#0, %reduce_max3A_49 : vector<16xi32>
    %reduce_max3A_51 = tpu.scan <max>, %reduce_max3A_50 masked %reduce_max3A_47 : vector<16xi32>, vector<16xi1> -> vector<16xi32>
    %reduce_max3A_52 = arith.xori %reduce_max3A_51, %reduce_max3A_49 : vector<16xi32>
    %reduce_max3A_53 = vector.extract %reduce_max3A_52[15] : i32 from vector<16xi32>
    %broadcast_in_dim3A_54 = arith.constant 268435456 : i32
    %broadcast_in_dim3A_55 = vector.broadcast %broadcast_in_dim3A_54 : i32 to vector<16xi32>
    %add3A_56 = arith.constant 63 : i32
    %add3A_57 = arith.addi %reduce_max3A_53, %add3A_56 : i32
    %and3A_58 = arith.constant -64 : i32
    %and3A_59 = arith.andi %add3A_57, %and3A_58 : i32
    %scan3A_60 = arith.constant 0 : i32
    %scan3A_61 = arith.constant 0 : i32
    %scan3A_62 = arith.constant 4 : i32
    %scan3A_63 = arith.addi %scan3A_61, %scan3A_62 : i32
    %scan3A_64 = arith.constant 1 : i32
    %scan3A_65 = scf.for %scan3A_108 = %scan3A_61 to %scan3A_63 step %scan3A_64 iter_args(%scan3A_109 = %scan3A_60) -> (i32)  : i32 {
      %mul3A_110 = arith.constant 16 : i32
      %mul3A_111 = arith.muli %scan3A_108, %mul3A_110 : i32
      %add3A_112 = arith.addi %reduce_max3A_53, %mul3A_111 : i32
      %add3A_113 = vector.broadcast %add3A_112 : i32 to vector<16xi32>
      %add3A_114 = arith.addi %add3A_113, %iota3A : vector<16xi32>
      %and3A_115 = arith.constant 4095 : i32
      %and3A_116 = vector.broadcast %and3A_115 : i32 to vector<16xi32>
      %and3A_117 = arith.andi %add3A_114, %and3A_116 : vector<16xi32>
      %lt3A = vector.broadcast %and3A_59 : i32 to vector<16xi32>
      %lt3A_118 = arith.cmpi slt, %add3A_114, %lt3A : vector<16xi32>
      tpu.vector_store_idx %arg12[%and3A_117], %broadcast_in_dim3A_55 masked %lt3A_118 : memref<4096xi32, #tpu.memory_space<vmem>>[vector<16xi32>], vector<16xi32>, vector<16xi1>
      %scan3A_119 = arith.constant 0 : i32
      scf.yield %scan3A_119 : i32
    }
    %scan3A_66 = arith.constant 4 : i32
    %sub3A = arith.subi %and3A_59, %scan3A_45#1 : i32
    %shift_right_logical3A = arith.constant 6 : i32
    %shift_right_logical3A_67 = arith.shrui %sub3A, %shift_right_logical3A : i32
    %shift_right_logical3A_68 = arith.constant 6 : i32
    %shift_right_logical3A_69 = arith.shrui %scan3A_45#1, %shift_right_logical3A_68 : i32
    %while3A = arith.constant 0 : i32
    %while3A_70 = arith.constant 0 : i32
    %while3A_71 = arith.subi %shift_right_logical3A_67, %while3A : i32
    %while3A_72 = arith.addi %while3A, %while3A_71 : i32
    %while3A_73 = arith.constant 1 : i32
    %while3A_74 = arith.divsi %while3A_71, %while3A_73 : i32
    %while3A_75 = arith.muli %while3A_74, %while3A_73 : i32
    %while3A_76 = arith.addi %while3A, %while3A_75 : i32
    %while3A_77 = arith.constant 1 : i32
    %while3A_78 = scf.for %while3A_108 = %while3A to %while3A_76 step %while3A_77 iter_args(%while3A_109 = %while3A_70) -> (i32)  : i32 {
      %add3A_110 = arith.addi %shift_right_logical3A_69, %while3A_108 : i32
      %and3A_111 = arith.constant 3 : i32
      %and3A_112 = arith.andi %add3A_110, %and3A_111 : i32
      %ge3A = arith.constant 3 : i32
      %ge3A_113 = arith.cmpi sge, %add3A_110, %ge3A : i32
      %convert_element_type3A = arith.extui %ge3A_113 : i1 to i32
      %cond3A = arith.constant 0 : i32
      %cond3A_114 = arith.cmpi ne, %convert_element_type3A, %cond3A : i32
      scf.if %cond3A_114 {
        %sub3A_238 = arith.constant 3 : i32
        %sub3A_239 = arith.subi %add3A_110, %sub3A_238 : i32
        %and3A_240 = arith.constant 3 : i32
        %and3A_241 = arith.andi %sub3A_239, %and3A_240 : i32
        %dma_wait3A = arith.constant 0 : i32
        %dma_wait3A_242 = arith.constant 0 : i32
        %dma_wait3A_243 = tpu.memref_slice %arg13[%and3A_241, %dma_wait3A, %dma_wait3A_242] : memref<4x64x128xf32, #tpu.memory_space<vmem>> -> memref<1x64x128xf32, #tpu.memory_space<vmem>>
        %dma_wait3A_244 = tpu.memref_squeeze %dma_wait3A_243 : memref<1x64x128xf32, #tpu.memory_space<vmem>> -> memref<64x128xf32, #tpu.memory_space<vmem>>
        %dma_wait3A_245 = arith.constant 0 : i32
        %dma_wait3A_246 = arith.constant 0 : i32
        %dma_wait3A_247 = tpu.memref_slice %arg6[%dma_wait3A_245, %dma_wait3A_246] : memref<58192x128xf32, #tpu.memory_space<hbm>> -> memref<64x128xf32, #tpu.memory_space<hbm>>
        %dma_wait3A_248 = arith.constant 0 : i32
        %dma_wait3A_249 = arith.constant 0 : i32
        %dma_wait3A_250 = tpu.memref_slice %arg13[%and3A_241, %dma_wait3A_248, %dma_wait3A_249] : memref<4x64x128xf32, #tpu.memory_space<vmem>> -> memref<1x64x128xf32, #tpu.memory_space<vmem>>
        %dma_wait3A_251 = tpu.memref_squeeze %dma_wait3A_250 : memref<1x64x128xf32, #tpu.memory_space<vmem>> -> memref<64x128xf32, #tpu.memory_space<vmem>>
        %dma_wait3A_252 = arith.constant 0 : i32
        %dma_wait3A_253 = arith.constant 0 : i32
        %dma_wait3A_254 = tpu.memref_slice %arg6[%dma_wait3A_252, %dma_wait3A_253] : memref<58192x128xf32, #tpu.memory_space<hbm>> -> memref<64x128xf32, #tpu.memory_space<hbm>>
        tpu.wait_dma2 semaphore(%arg18 : memref<!tpu.dma_semaphore, #tpu.memory_space<semaphore_mem>>) src(%dma_wait3A_254 : memref<64x128xf32, #tpu.memory_space<hbm>>) dst(%dma_wait3A_251 : memref<64x128xf32, #tpu.memory_space<vmem>>)
        "tpu.region"() ({
          %run_scoped3A = tpu.sem_alloc : memref<!tpu.dma_semaphore, #tpu.memory_space<semaphore_mem>>
          %dma_start3A_255 = arith.constant 0 : i32
          %dma_start3A_256 = arith.constant 0 : i32
          %dma_start3A_257 = tpu.memref_slice %arg13[%and3A_241, %dma_start3A_255, %dma_start3A_256] : memref<4x64x128xf32, #tpu.memory_space<vmem>> -> memref<1x64x128xf32, #tpu.memory_space<vmem>>
          %dma_start3A_258 = tpu.memref_squeeze %dma_start3A_257 : memref<1x64x128xf32, #tpu.memory_space<vmem>> -> memref<64x128xf32, #tpu.memory_space<vmem>>
          %dma_start3A_259 = arith.constant 0 : i32
          %dma_start3A_260 = tpu.memref_slice %arg15[%and3A_241, %dma_start3A_259] : memref<4x64xi32, #tpu.memory_space<vmem>> -> memref<1x64xi32, #tpu.memory_space<vmem>>
          %dma_start3A_261 = tpu.memref_squeeze %dma_start3A_260 : memref<1x64xi32, #tpu.memory_space<vmem>> -> memref<64xi32, #tpu.memory_space<vmem>>
          %dma_start3A_262 = arith.constant 0 : i32
          %dma_start3A_263 = arith.constant 0 : i32
          %dma_start3A_264 = tpu.memref_slice %arg17[%dma_start3A_262, %dma_start3A_263] : memref<4224x128xf32, #tpu.memory_space<vmem_shared>> -> memref<4224x128xf32, #tpu.memory_space<vmem_shared>>
          tpu.enqueue_indirect_dma source(%dma_start3A_258 : memref<64x128xf32, #tpu.memory_space<vmem>>) target(%dma_start3A_264 : memref<4224x128xf32, #tpu.memory_space<vmem_shared>>) offsets(%dma_start3A_261 : memref<64xi32, #tpu.memory_space<vmem>>) semaphore(%run_scoped3A : memref<!tpu.dma_semaphore, #tpu.memory_space<semaphore_mem>>) {add = true}
          %dma_wait3A_265 = arith.constant 0 : i32
          %dma_wait3A_266 = arith.constant 0 : i32
          %dma_wait3A_267 = tpu.memref_slice %arg13[%and3A_241, %dma_wait3A_265, %dma_wait3A_266] : memref<4x64x128xf32, #tpu.memory_space<vmem>> -> memref<1x64x128xf32, #tpu.memory_space<vmem>>
          %dma_wait3A_268 = tpu.memref_squeeze %dma_wait3A_267 : memref<1x64x128xf32, #tpu.memory_space<vmem>> -> memref<64x128xf32, #tpu.memory_space<vmem>>
          %dma_wait3A_269 = arith.constant 0 : i32
          %dma_wait3A_270 = tpu.memref_slice %arg15[%and3A_241, %dma_wait3A_269] : memref<4x64xi32, #tpu.memory_space<vmem>> -> memref<1x64xi32, #tpu.memory_space<vmem>>
          %dma_wait3A_271 = tpu.memref_squeeze %dma_wait3A_270 : memref<1x64xi32, #tpu.memory_space<vmem>> -> memref<64xi32, #tpu.memory_space<vmem>>
          %dma_wait3A_272 = arith.constant 0 : i32
          %dma_wait3A_273 = arith.constant 0 : i32
          %dma_wait3A_274 = tpu.memref_slice %arg17[%dma_wait3A_272, %dma_wait3A_273] : memref<4224x128xf32, #tpu.memory_space<vmem_shared>> -> memref<4224x128xf32, #tpu.memory_space<vmem_shared>>
          tpu.wait_indirect_dma semaphore(%run_scoped3A : memref<!tpu.dma_semaphore, #tpu.memory_space<semaphore_mem>>) src(%dma_wait3A_268 : memref<64x128xf32, #tpu.memory_space<vmem>>) dst(%dma_wait3A_274 : memref<4224x128xf32, #tpu.memory_space<vmem_shared>>)
          tpu.yield
        }) : () -> ()
      } else {
      }
      %mul3A_115 = arith.constant 64 : i32
      %mul3A_116 = arith.muli %while3A_108, %mul3A_115 : i32
      %add3A_117 = arith.addi %scan3A_45#1, %mul3A_116 : i32
      %and3A_118 = arith.constant 4095 : i32
      %and3A_119 = arith.andi %add3A_117, %and3A_118 : i32
      %scan3A_120 = arith.constant 0 : i32
      %scan3A_121 = arith.constant 0 : i32
      %mul3A_122 = arith.constant 16 : i32
      %mul3A_123 = arith.muli %scan3A_121, %mul3A_122 : i32
      %add3A_124 = arith.addi %and3A_119, %mul3A_123 : i32
      %get3A = arith.index_cast %add3A_124 : i32 to index
      %get3A_125 = tpu.vector_load %arg12[%get3A] {strides = array<i32>} : memref<4096xi32, #tpu.memory_space<vmem>>, vector<16xi32>,
      %and3A_126 = arith.constant 65535 : i32
      %and3A_127 = vector.broadcast %and3A_126 : i32 to vector<16xi32>
      %and3A_128 = arith.andi %get3A_125, %and3A_127 : vector<16xi32>
      %gather3A = tpu.vector_load_idx %arg9[%and3A_128] : memref<50016xi32, #tpu.memory_space<vmem>>[vector<16xi32>], vector<16xi32>,
      %and3A_129 = arith.constant 65535 : i32
      %and3A_130 = vector.broadcast %and3A_129 : i32 to vector<16xi32>
      %and3A_131 = arith.andi %gather3A, %and3A_130 : vector<16xi32>
      %mul3A_132 = arith.constant 16 : i32
      %mul3A_133 = arith.muli %scan3A_121, %mul3A_132 : i32
      %swap3A = arith.index_cast %and3A_112 : i32 to index
      %swap3A_134 = arith.index_cast %mul3A_133 : i32 to index
      %swap3A_135 = tpu.vector_load %arg14[%swap3A, %swap3A_134] {strides = array<i32>} : memref<4x64xi32, #tpu.memory_space<vmem>>, vector<16xi32>,
      tpu.vector_store %arg14[%swap3A, %swap3A_134], %and3A_131 {strides = array<i32>} : memref<4x64xi32, #tpu.memory_space<vmem>>, vector<16xi32>,
      %shift_right_logical3A_136 = arith.constant 16 : i32
      %shift_right_logical3A_137 = vector.broadcast %shift_right_logical3A_136 : i32 to vector<16xi32>
      %shift_right_logical3A_138 = arith.shrui %get3A_125, %shift_right_logical3A_137 : vector<16xi32>
      %mul3A_139 = arith.constant 16 : i32
      %mul3A_140 = arith.muli %scan3A_121, %mul3A_139 : i32
      %swap3A_141 = arith.index_cast %and3A_112 : i32 to index
      %swap3A_142 = arith.index_cast %mul3A_140 : i32 to index
      %swap3A_143 = tpu.vector_load %arg15[%swap3A_141, %swap3A_142] {strides = array<i32>} : memref<4x64xi32, #tpu.memory_space<vmem>>, vector<16xi32>,
      tpu.vector_store %arg15[%swap3A_141, %swap3A_142], %shift_right_logical3A_138 {strides = array<i32>} : memref<4x64xi32, #tpu.memory_space<vmem>>, vector<16xi32>,
      %scan3A_144 = arith.constant 0 : i32
      %scan3A_145 = arith.constant 1 : i32
      %mul3A_146 = arith.constant 16 : i32
      %mul3A_147 = arith.muli %scan3A_145, %mul3A_146 : i32
      %add3A_148 = arith.addi %and3A_119, %mul3A_147 : i32
      %get3A_149 = arith.index_cast %add3A_148 : i32 to index
      %get3A_150 = tpu.vector_load %arg12[%get3A_149] {strides = array<i32>} : memref<4096xi32, #tpu.memory_space<vmem>>, vector<16xi32>,
      %and3A_151 = arith.constant 65535 : i32
      %and3A_152 = vector.broadcast %and3A_151 : i32 to vector<16xi32>
      %and3A_153 = arith.andi %get3A_150, %and3A_152 : vector<16xi32>
      %gather3A_154 = tpu.vector_load_idx %arg9[%and3A_153] : memref<50016xi32, #tpu.memory_space<vmem>>[vector<16xi32>], vector<16xi32>,
      %and3A_155 = arith.constant 65535 : i32
      %and3A_156 = vector.broadcast %and3A_155 : i32 to vector<16xi32>
      %and3A_157 = arith.andi %gather3A_154, %and3A_156 : vector<16xi32>
      %mul3A_158 = arith.constant 16 : i32
      %mul3A_159 = arith.muli %scan3A_145, %mul3A_158 : i32
      %swap3A_160 = arith.index_cast %and3A_112 : i32 to index
      %swap3A_161 = arith.index_cast %mul3A_159 : i32 to index
      %swap3A_162 = tpu.vector_load %arg14[%swap3A_160, %swap3A_161] {strides = array<i32>} : memref<4x64xi32, #tpu.memory_space<vmem>>, vector<16xi32>,
      tpu.vector_store %arg14[%swap3A_160, %swap3A_161], %and3A_157 {strides = array<i32>} : memref<4x64xi32, #tpu.memory_space<vmem>>, vector<16xi32>,
      %shift_right_logical3A_163 = arith.constant 16 : i32
      %shift_right_logical3A_164 = vector.broadcast %shift_right_logical3A_163 : i32 to vector<16xi32>
      %shift_right_logical3A_165 = arith.shrui %get3A_150, %shift_right_logical3A_164 : vector<16xi32>
      %mul3A_166 = arith.constant 16 : i32
      %mul3A_167 = arith.muli %scan3A_145, %mul3A_166 : i32
      %swap3A_168 = arith.index_cast %and3A_112 : i32 to index
      %swap3A_169 = arith.index_cast %mul3A_167 : i32 to index
      %swap3A_170 = tpu.vector_load %arg15[%swap3A_168, %swap3A_169] {strides = array<i32>} : memref<4x64xi32, #tpu.memory_space<vmem>>, vector<16xi32>,
      tpu.vector_store %arg15[%swap3A_168, %swap3A_169], %shift_right_logical3A_165 {strides = array<i32>} : memref<4x64xi32, #tpu.memory_space<vmem>>, vector<16xi32>,
      %scan3A_171 = arith.constant 0 : i32
      %scan3A_172 = arith.constant 2 : i32
      %mul3A_173 = arith.constant 16 : i32
      %mul3A_174 = arith.muli %scan3A_172, %mul3A_173 : i32
      %add3A_175 = arith.addi %and3A_119, %mul3A_174 : i32
      %get3A_176 = arith.index_cast %add3A_175 : i32 to index
      %get3A_177 = tpu.vector_load %arg12[%get3A_176] {strides = array<i32>} : memref<4096xi32, #tpu.memory_space<vmem>>, vector<16xi32>,
      %and3A_178 = arith.constant 65535 : i32
      %and3A_179 = vector.broadcast %and3A_178 : i32 to vector<16xi32>
      %and3A_180 = arith.andi %get3A_177, %and3A_179 : vector<16xi32>
      %gather3A_181 = tpu.vector_load_idx %arg9[%and3A_180] : memref<50016xi32, #tpu.memory_space<vmem>>[vector<16xi32>], vector<16xi32>,
      %and3A_182 = arith.constant 65535 : i32
      %and3A_183 = vector.broadcast %and3A_182 : i32 to vector<16xi32>
      %and3A_184 = arith.andi %gather3A_181, %and3A_183 : vector<16xi32>
      %mul3A_185 = arith.constant 16 : i32
      %mul3A_186 = arith.muli %scan3A_172, %mul3A_185 : i32
      %swap3A_187 = arith.index_cast %and3A_112 : i32 to index
      %swap3A_188 = arith.index_cast %mul3A_186 : i32 to index
      %swap3A_189 = tpu.vector_load %arg14[%swap3A_187, %swap3A_188] {strides = array<i32>} : memref<4x64xi32, #tpu.memory_space<vmem>>, vector<16xi32>,
      tpu.vector_store %arg14[%swap3A_187, %swap3A_188], %and3A_184 {strides = array<i32>} : memref<4x64xi32, #tpu.memory_space<vmem>>, vector<16xi32>,
      %shift_right_logical3A_190 = arith.constant 16 : i32
      %shift_right_logical3A_191 = vector.broadcast %shift_right_logical3A_190 : i32 to vector<16xi32>
      %shift_right_logical3A_192 = arith.shrui %get3A_177, %shift_right_logical3A_191 : vector<16xi32>
      %mul3A_193 = arith.constant 16 : i32
      %mul3A_194 = arith.muli %scan3A_172, %mul3A_193 : i32
      %swap3A_195 = arith.index_cast %and3A_112 : i32 to index
      %swap3A_196 = arith.index_cast %mul3A_194 : i32 to index
      %swap3A_197 = tpu.vector_load %arg15[%swap3A_195, %swap3A_196] {strides = array<i32>} : memref<4x64xi32, #tpu.memory_space<vmem>>, vector<16xi32>,
      tpu.vector_store %arg15[%swap3A_195, %swap3A_196], %shift_right_logical3A_192 {strides = array<i32>} : memref<4x64xi32, #tpu.memory_space<vmem>>, vector<16xi32>,
      %scan3A_198 = arith.constant 0 : i32
      %scan3A_199 = arith.constant 3 : i32
      %mul3A_200 = arith.constant 16 : i32
      %mul3A_201 = arith.muli %scan3A_199, %mul3A_200 : i32
      %add3A_202 = arith.addi %and3A_119, %mul3A_201 : i32
      %get3A_203 = arith.index_cast %add3A_202 : i32 to index
      %get3A_204 = tpu.vector_load %arg12[%get3A_203] {strides = array<i32>} : memref<4096xi32, #tpu.memory_space<vmem>>, vector<16xi32>,
      %and3A_205 = arith.constant 65535 : i32
      %and3A_206 = vector.broadcast %and3A_205 : i32 to vector<16xi32>
      %and3A_207 = arith.andi %get3A_204, %and3A_206 : vector<16xi32>
      %gather3A_208 = tpu.vector_load_idx %arg9[%and3A_207] : memref<50016xi32, #tpu.memory_space<vmem>>[vector<16xi32>], vector<16xi32>,
      %and3A_209 = arith.constant 65535 : i32
      %and3A_210 = vector.broadcast %and3A_209 : i32 to vector<16xi32>
      %and3A_211 = arith.andi %gather3A_208, %and3A_210 : vector<16xi32>
      %mul3A_212 = arith.constant 16 : i32
      %mul3A_213 = arith.muli %scan3A_199, %mul3A_212 : i32
      %swap3A_214 = arith.index_cast %and3A_112 : i32 to index
      %swap3A_215 = arith.index_cast %mul3A_213 : i32 to index
      %swap3A_216 = tpu.vector_load %arg14[%swap3A_214, %swap3A_215] {strides = array<i32>} : memref<4x64xi32, #tpu.memory_space<vmem>>, vector<16xi32>,
      tpu.vector_store %arg14[%swap3A_214, %swap3A_215], %and3A_211 {strides = array<i32>} : memref<4x64xi32, #tpu.memory_space<vmem>>, vector<16xi32>,
      %shift_right_logical3A_217 = arith.constant 16 : i32
      %shift_right_logical3A_218 = vector.broadcast %shift_right_logical3A_217 : i32 to vector<16xi32>
      %shift_right_logical3A_219 = arith.shrui %get3A_204, %shift_right_logical3A_218 : vector<16xi32>
      %mul3A_220 = arith.constant 16 : i32
      %mul3A_221 = arith.muli %scan3A_199, %mul3A_220 : i32
      %swap3A_222 = arith.index_cast %and3A_112 : i32 to index
      %swap3A_223 = arith.index_cast %mul3A_221 : i32 to index
      %swap3A_224 = tpu.vector_load %arg15[%swap3A_222, %swap3A_223] {strides = array<i32>} : memref<4x64xi32, #tpu.memory_space<vmem>>, vector<16xi32>,
      tpu.vector_store %arg15[%swap3A_222, %swap3A_223], %shift_right_logical3A_219 {strides = array<i32>} : memref<4x64xi32, #tpu.memory_space<vmem>>, vector<16xi32>,
      %scan3A_225 = arith.constant 0 : i32
      %scan3A_226 = arith.constant 4 : i32
      %dma_start3A_227 = arith.constant 0 : i32
      %dma_start3A_228 = arith.constant 0 : i32
      %dma_start3A_229 = tpu.memref_slice %arg13[%and3A_112, %dma_start3A_227, %dma_start3A_228] : memref<4x64x128xf32, #tpu.memory_space<vmem>> -> memref<1x64x128xf32, #tpu.memory_space<vmem>>
      %dma_start3A_230 = tpu.memref_squeeze %dma_start3A_229 : memref<1x64x128xf32, #tpu.memory_space<vmem>> -> memref<64x128xf32, #tpu.memory_space<vmem>>
      %dma_start3A_231 = arith.constant 0 : i32
      %dma_start3A_232 = tpu.memref_slice %arg14[%and3A_112, %dma_start3A_231] : memref<4x64xi32, #tpu.memory_space<vmem>> -> memref<1x64xi32, #tpu.memory_space<vmem>>
      %dma_start3A_233 = tpu.memref_squeeze %dma_start3A_232 : memref<1x64xi32, #tpu.memory_space<vmem>> -> memref<64xi32, #tpu.memory_space<vmem>>
      %dma_start3A_234 = arith.constant 0 : i32
      %dma_start3A_235 = arith.constant 0 : i32
      %dma_start3A_236 = tpu.memref_slice %arg6[%dma_start3A_234, %dma_start3A_235] : memref<58192x128xf32, #tpu.memory_space<hbm>> -> memref<58192x128xf32, #tpu.memory_space<hbm>>
      tpu.enqueue_indirect_dma source(%dma_start3A_236 : memref<58192x128xf32, #tpu.memory_space<hbm>>) target(%dma_start3A_230 : memref<64x128xf32, #tpu.memory_space<vmem>>) offsets(%dma_start3A_233 : memref<64xi32, #tpu.memory_space<vmem>>) semaphore(%arg18 : memref<!tpu.dma_semaphore, #tpu.memory_space<semaphore_mem>>)
      %while3A_237 = arith.constant 0 : i32
      scf.yield %while3A_237 : i32
    }
    %while3A_79 = arith.constant 1 : i32
    %while3A_80 = scf.for %while3A_108 = %while3A_76 to %while3A_72 step %while3A_79 iter_args(%while3A_109 = %while3A_78) -> (i32)  : i32 {
      %add3A_110 = arith.addi %shift_right_logical3A_69, %while3A_108 : i32
      %and3A_111 = arith.constant 3 : i32
      %and3A_112 = arith.andi %add3A_110, %and3A_111 : i32
      %ge3A = arith.constant 3 : i32
      %ge3A_113 = arith.cmpi sge, %add3A_110, %ge3A : i32
      %convert_element_type3A = arith.extui %ge3A_113 : i1 to i32
      %cond3A = arith.constant 0 : i32
      %cond3A_114 = arith.cmpi ne, %convert_element_type3A, %cond3A : i32
      scf.if %cond3A_114 {
        %sub3A_238 = arith.constant 3 : i32
        %sub3A_239 = arith.subi %add3A_110, %sub3A_238 : i32
        %and3A_240 = arith.constant 3 : i32
        %and3A_241 = arith.andi %sub3A_239, %and3A_240 : i32
        %dma_wait3A = arith.constant 0 : i32
        %dma_wait3A_242 = arith.constant 0 : i32
        %dma_wait3A_243 = tpu.memref_slice %arg13[%and3A_241, %dma_wait3A, %dma_wait3A_242] : memref<4x64x128xf32, #tpu.memory_space<vmem>> -> memref<1x64x128xf32, #tpu.memory_space<vmem>>
        %dma_wait3A_244 = tpu.memref_squeeze %dma_wait3A_243 : memref<1x64x128xf32, #tpu.memory_space<vmem>> -> memref<64x128xf32, #tpu.memory_space<vmem>>
        %dma_wait3A_245 = arith.constant 0 : i32
        %dma_wait3A_246 = arith.constant 0 : i32
        %dma_wait3A_247 = tpu.memref_slice %arg6[%dma_wait3A_245, %dma_wait3A_246] : memref<58192x128xf32, #tpu.memory_space<hbm>> -> memref<64x128xf32, #tpu.memory_space<hbm>>
        %dma_wait3A_248 = arith.constant 0 : i32
        %dma_wait3A_249 = arith.constant 0 : i32
        %dma_wait3A_250 = tpu.memref_slice %arg13[%and3A_241, %dma_wait3A_248, %dma_wait3A_249] : memref<4x64x128xf32, #tpu.memory_space<vmem>> -> memref<1x64x128xf32, #tpu.memory_space<vmem>>
        %dma_wait3A_251 = tpu.memref_squeeze %dma_wait3A_250 : memref<1x64x128xf32, #tpu.memory_space<vmem>> -> memref<64x128xf32, #tpu.memory_space<vmem>>
        %dma_wait3A_252 = arith.constant 0 : i32
        %dma_wait3A_253 = arith.constant 0 : i32
        %dma_wait3A_254 = tpu.memref_slice %arg6[%dma_wait3A_252, %dma_wait3A_253] : memref<58192x128xf32, #tpu.memory_space<hbm>> -> memref<64x128xf32, #tpu.memory_space<hbm>>
        tpu.wait_dma2 semaphore(%arg18 : memref<!tpu.dma_semaphore, #tpu.memory_space<semaphore_mem>>) src(%dma_wait3A_254 : memref<64x128xf32, #tpu.memory_space<hbm>>) dst(%dma_wait3A_251 : memref<64x128xf32, #tpu.memory_space<vmem>>)
        "tpu.region"() ({
          %run_scoped3A = tpu.sem_alloc : memref<!tpu.dma_semaphore, #tpu.memory_space<semaphore_mem>>
          %dma_start3A_255 = arith.constant 0 : i32
          %dma_start3A_256 = arith.constant 0 : i32
          %dma_start3A_257 = tpu.memref_slice %arg13[%and3A_241, %dma_start3A_255, %dma_start3A_256] : memref<4x64x128xf32, #tpu.memory_space<vmem>> -> memref<1x64x128xf32, #tpu.memory_space<vmem>>
          %dma_start3A_258 = tpu.memref_squeeze %dma_start3A_257 : memref<1x64x128xf32, #tpu.memory_space<vmem>> -> memref<64x128xf32, #tpu.memory_space<vmem>>
          %dma_start3A_259 = arith.constant 0 : i32
          %dma_start3A_260 = tpu.memref_slice %arg15[%and3A_241, %dma_start3A_259] : memref<4x64xi32, #tpu.memory_space<vmem>> -> memref<1x64xi32, #tpu.memory_space<vmem>>
          %dma_start3A_261 = tpu.memref_squeeze %dma_start3A_260 : memref<1x64xi32, #tpu.memory_space<vmem>> -> memref<64xi32, #tpu.memory_space<vmem>>
          %dma_start3A_262 = arith.constant 0 : i32
          %dma_start3A_263 = arith.constant 0 : i32
          %dma_start3A_264 = tpu.memref_slice %arg17[%dma_start3A_262, %dma_start3A_263] : memref<4224x128xf32, #tpu.memory_space<vmem_shared>> -> memref<4224x128xf32, #tpu.memory_space<vmem_shared>>
          tpu.enqueue_indirect_dma source(%dma_start3A_258 : memref<64x128xf32, #tpu.memory_space<vmem>>) target(%dma_start3A_264 : memref<4224x128xf32, #tpu.memory_space<vmem_shared>>) offsets(%dma_start3A_261 : memref<64xi32, #tpu.memory_space<vmem>>) semaphore(%run_scoped3A : memref<!tpu.dma_semaphore, #tpu.memory_space<semaphore_mem>>) {add = true}
          %dma_wait3A_265 = arith.constant 0 : i32
          %dma_wait3A_266 = arith.constant 0 : i32
          %dma_wait3A_267 = tpu.memref_slice %arg13[%and3A_241, %dma_wait3A_265, %dma_wait3A_266] : memref<4x64x128xf32, #tpu.memory_space<vmem>> -> memref<1x64x128xf32, #tpu.memory_space<vmem>>
          %dma_wait3A_268 = tpu.memref_squeeze %dma_wait3A_267 : memref<1x64x128xf32, #tpu.memory_space<vmem>> -> memref<64x128xf32, #tpu.memory_space<vmem>>
          %dma_wait3A_269 = arith.constant 0 : i32
          %dma_wait3A_270 = tpu.memref_slice %arg15[%and3A_241, %dma_wait3A_269] : memref<4x64xi32, #tpu.memory_space<vmem>> -> memref<1x64xi32, #tpu.memory_space<vmem>>
          %dma_wait3A_271 = tpu.memref_squeeze %dma_wait3A_270 : memref<1x64xi32, #tpu.memory_space<vmem>> -> memref<64xi32, #tpu.memory_space<vmem>>
          %dma_wait3A_272 = arith.constant 0 : i32
          %dma_wait3A_273 = arith.constant 0 : i32
          %dma_wait3A_274 = tpu.memref_slice %arg17[%dma_wait3A_272, %dma_wait3A_273] : memref<4224x128xf32, #tpu.memory_space<vmem_shared>> -> memref<4224x128xf32, #tpu.memory_space<vmem_shared>>
          tpu.wait_indirect_dma semaphore(%run_scoped3A : memref<!tpu.dma_semaphore, #tpu.memory_space<semaphore_mem>>) src(%dma_wait3A_268 : memref<64x128xf32, #tpu.memory_space<vmem>>) dst(%dma_wait3A_274 : memref<4224x128xf32, #tpu.memory_space<vmem_shared>>)
          tpu.yield
        }) : () -> ()
      } else {
      }
      %mul3A_115 = arith.constant 64 : i32
      %mul3A_116 = arith.muli %while3A_108, %mul3A_115 : i32
      %add3A_117 = arith.addi %scan3A_45#1, %mul3A_116 : i32
      %and3A_118 = arith.constant 4095 : i32
      %and3A_119 = arith.andi %add3A_117, %and3A_118 : i32
      %scan3A_120 = arith.constant 0 : i32
      %scan3A_121 = arith.constant 0 : i32
      %mul3A_122 = arith.constant 16 : i32
      %mul3A_123 = arith.muli %scan3A_121, %mul3A_122 : i32
      %add3A_124 = arith.addi %and3A_119, %mul3A_123 : i32
      %get3A = arith.index_cast %add3A_124 : i32 to index
      %get3A_125 = tpu.vector_load %arg12[%get3A] {strides = array<i32>} : memref<4096xi32, #tpu.memory_space<vmem>>, vector<16xi32>,
      %and3A_126 = arith.constant 65535 : i32
      %and3A_127 = vector.broadcast %and3A_126 : i32 to vector<16xi32>
      %and3A_128 = arith.andi %get3A_125, %and3A_127 : vector<16xi32>
      %gather3A = tpu.vector_load_idx %arg9[%and3A_128] : memref<50016xi32, #tpu.memory_space<vmem>>[vector<16xi32>], vector<16xi32>,
      %and3A_129 = arith.constant 65535 : i32
      %and3A_130 = vector.broadcast %and3A_129 : i32 to vector<16xi32>
      %and3A_131 = arith.andi %gather3A, %and3A_130 : vector<16xi32>
      %mul3A_132 = arith.constant 16 : i32
      %mul3A_133 = arith.muli %scan3A_121, %mul3A_132 : i32
      %swap3A = arith.index_cast %and3A_112 : i32 to index
      %swap3A_134 = arith.index_cast %mul3A_133 : i32 to index
      %swap3A_135 = tpu.vector_load %arg14[%swap3A, %swap3A_134] {strides = array<i32>} : memref<4x64xi32, #tpu.memory_space<vmem>>, vector<16xi32>,
      tpu.vector_store %arg14[%swap3A, %swap3A_134], %and3A_131 {strides = array<i32>} : memref<4x64xi32, #tpu.memory_space<vmem>>, vector<16xi32>,
      %shift_right_logical3A_136 = arith.constant 16 : i32
      %shift_right_logical3A_137 = vector.broadcast %shift_right_logical3A_136 : i32 to vector<16xi32>
      %shift_right_logical3A_138 = arith.shrui %get3A_125, %shift_right_logical3A_137 : vector<16xi32>
      %mul3A_139 = arith.constant 16 : i32
      %mul3A_140 = arith.muli %scan3A_121, %mul3A_139 : i32
      %swap3A_141 = arith.index_cast %and3A_112 : i32 to index
      %swap3A_142 = arith.index_cast %mul3A_140 : i32 to index
      %swap3A_143 = tpu.vector_load %arg15[%swap3A_141, %swap3A_142] {strides = array<i32>} : memref<4x64xi32, #tpu.memory_space<vmem>>, vector<16xi32>,
      tpu.vector_store %arg15[%swap3A_141, %swap3A_142], %shift_right_logical3A_138 {strides = array<i32>} : memref<4x64xi32, #tpu.memory_space<vmem>>, vector<16xi32>,
      %scan3A_144 = arith.constant 0 : i32
      %scan3A_145 = arith.constant 1 : i32
      %mul3A_146 = arith.constant 16 : i32
      %mul3A_147 = arith.muli %scan3A_145, %mul3A_146 : i32
      %add3A_148 = arith.addi %and3A_119, %mul3A_147 : i32
      %get3A_149 = arith.index_cast %add3A_148 : i32 to index
      %get3A_150 = tpu.vector_load %arg12[%get3A_149] {strides = array<i32>} : memref<4096xi32, #tpu.memory_space<vmem>>, vector<16xi32>,
      %and3A_151 = arith.constant 65535 : i32
      %and3A_152 = vector.broadcast %and3A_151 : i32 to vector<16xi32>
      %and3A_153 = arith.andi %get3A_150, %and3A_152 : vector<16xi32>
      %gather3A_154 = tpu.vector_load_idx %arg9[%and3A_153] : memref<50016xi32, #tpu.memory_space<vmem>>[vector<16xi32>], vector<16xi32>,
      %and3A_155 = arith.constant 65535 : i32
      %and3A_156 = vector.broadcast %and3A_155 : i32 to vector<16xi32>
      %and3A_157 = arith.andi %gather3A_154, %and3A_156 : vector<16xi32>
      %mul3A_158 = arith.constant 16 : i32
      %mul3A_159 = arith.muli %scan3A_145, %mul3A_158 : i32
      %swap3A_160 = arith.index_cast %and3A_112 : i32 to index
      %swap3A_161 = arith.index_cast %mul3A_159 : i32 to index
      %swap3A_162 = tpu.vector_load %arg14[%swap3A_160, %swap3A_161] {strides = array<i32>} : memref<4x64xi32, #tpu.memory_space<vmem>>, vector<16xi32>,
      tpu.vector_store %arg14[%swap3A_160, %swap3A_161], %and3A_157 {strides = array<i32>} : memref<4x64xi32, #tpu.memory_space<vmem>>, vector<16xi32>,
      %shift_right_logical3A_163 = arith.constant 16 : i32
      %shift_right_logical3A_164 = vector.broadcast %shift_right_logical3A_163 : i32 to vector<16xi32>
      %shift_right_logical3A_165 = arith.shrui %get3A_150, %shift_right_logical3A_164 : vector<16xi32>
      %mul3A_166 = arith.constant 16 : i32
      %mul3A_167 = arith.muli %scan3A_145, %mul3A_166 : i32
      %swap3A_168 = arith.index_cast %and3A_112 : i32 to index
      %swap3A_169 = arith.index_cast %mul3A_167 : i32 to index
      %swap3A_170 = tpu.vector_load %arg15[%swap3A_168, %swap3A_169] {strides = array<i32>} : memref<4x64xi32, #tpu.memory_space<vmem>>, vector<16xi32>,
      tpu.vector_store %arg15[%swap3A_168, %swap3A_169], %shift_right_logical3A_165 {strides = array<i32>} : memref<4x64xi32, #tpu.memory_space<vmem>>, vector<16xi32>,
      %scan3A_171 = arith.constant 0 : i32
      %scan3A_172 = arith.constant 2 : i32
      %mul3A_173 = arith.constant 16 : i32
      %mul3A_174 = arith.muli %scan3A_172, %mul3A_173 : i32
      %add3A_175 = arith.addi %and3A_119, %mul3A_174 : i32
      %get3A_176 = arith.index_cast %add3A_175 : i32 to index
      %get3A_177 = tpu.vector_load %arg12[%get3A_176] {strides = array<i32>} : memref<4096xi32, #tpu.memory_space<vmem>>, vector<16xi32>,
      %and3A_178 = arith.constant 65535 : i32
      %and3A_179 = vector.broadcast %and3A_178 : i32 to vector<16xi32>
      %and3A_180 = arith.andi %get3A_177, %and3A_179 : vector<16xi32>
      %gather3A_181 = tpu.vector_load_idx %arg9[%and3A_180] : memref<50016xi32, #tpu.memory_space<vmem>>[vector<16xi32>], vector<16xi32>,
      %and3A_182 = arith.constant 65535 : i32
      %and3A_183 = vector.broadcast %and3A_182 : i32 to vector<16xi32>
      %and3A_184 = arith.andi %gather3A_181, %and3A_183 : vector<16xi32>
      %mul3A_185 = arith.constant 16 : i32
      %mul3A_186 = arith.muli %scan3A_172, %mul3A_185 : i32
      %swap3A_187 = arith.index_cast %and3A_112 : i32 to index
      %swap3A_188 = arith.index_cast %mul3A_186 : i32 to index
      %swap3A_189 = tpu.vector_load %arg14[%swap3A_187, %swap3A_188] {strides = array<i32>} : memref<4x64xi32, #tpu.memory_space<vmem>>, vector<16xi32>,
      tpu.vector_store %arg14[%swap3A_187, %swap3A_188], %and3A_184 {strides = array<i32>} : memref<4x64xi32, #tpu.memory_space<vmem>>, vector<16xi32>,
      %shift_right_logical3A_190 = arith.constant 16 : i32
      %shift_right_logical3A_191 = vector.broadcast %shift_right_logical3A_190 : i32 to vector<16xi32>
      %shift_right_logical3A_192 = arith.shrui %get3A_177, %shift_right_logical3A_191 : vector<16xi32>
      %mul3A_193 = arith.constant 16 : i32
      %mul3A_194 = arith.muli %scan3A_172, %mul3A_193 : i32
      %swap3A_195 = arith.index_cast %and3A_112 : i32 to index
      %swap3A_196 = arith.index_cast %mul3A_194 : i32 to index
      %swap3A_197 = tpu.vector_load %arg15[%swap3A_195, %swap3A_196] {strides = array<i32>} : memref<4x64xi32, #tpu.memory_space<vmem>>, vector<16xi32>,
      tpu.vector_store %arg15[%swap3A_195, %swap3A_196], %shift_right_logical3A_192 {strides = array<i32>} : memref<4x64xi32, #tpu.memory_space<vmem>>, vector<16xi32>,
      %scan3A_198 = arith.constant 0 : i32
      %scan3A_199 = arith.constant 3 : i32
      %mul3A_200 = arith.constant 16 : i32
      %mul3A_201 = arith.muli %scan3A_199, %mul3A_200 : i32
      %add3A_202 = arith.addi %and3A_119, %mul3A_201 : i32
      %get3A_203 = arith.index_cast %add3A_202 : i32 to index
      %get3A_204 = tpu.vector_load %arg12[%get3A_203] {strides = array<i32>} : memref<4096xi32, #tpu.memory_space<vmem>>, vector<16xi32>,
      %and3A_205 = arith.constant 65535 : i32
      %and3A_206 = vector.broadcast %and3A_205 : i32 to vector<16xi32>
      %and3A_207 = arith.andi %get3A_204, %and3A_206 : vector<16xi32>
      %gather3A_208 = tpu.vector_load_idx %arg9[%and3A_207] : memref<50016xi32, #tpu.memory_space<vmem>>[vector<16xi32>], vector<16xi32>,
      %and3A_209 = arith.constant 65535 : i32
      %and3A_210 = vector.broadcast %and3A_209 : i32 to vector<16xi32>
      %and3A_211 = arith.andi %gather3A_208, %and3A_210 : vector<16xi32>
      %mul3A_212 = arith.constant 16 : i32
      %mul3A_213 = arith.muli %scan3A_199, %mul3A_212 : i32
      %swap3A_214 = arith.index_cast %and3A_112 : i32 to index
      %swap3A_215 = arith.index_cast %mul3A_213 : i32 to index
      %swap3A_216 = tpu.vector_load %arg14[%swap3A_214, %swap3A_215] {strides = array<i32>} : memref<4x64xi32, #tpu.memory_space<vmem>>, vector<16xi32>,
      tpu.vector_store %arg14[%swap3A_214, %swap3A_215], %and3A_211 {strides = array<i32>} : memref<4x64xi32, #tpu.memory_space<vmem>>, vector<16xi32>,
      %shift_right_logical3A_217 = arith.constant 16 : i32
      %shift_right_logical3A_218 = vector.broadcast %shift_right_logical3A_217 : i32 to vector<16xi32>
      %shift_right_logical3A_219 = arith.shrui %get3A_204, %shift_right_logical3A_218 : vector<16xi32>
      %mul3A_220 = arith.constant 16 : i32
      %mul3A_221 = arith.muli %scan3A_199, %mul3A_220 : i32
      %swap3A_222 = arith.index_cast %and3A_112 : i32 to index
      %swap3A_223 = arith.index_cast %mul3A_221 : i32 to index
      %swap3A_224 = tpu.vector_load %arg15[%swap3A_222, %swap3A_223] {strides = array<i32>} : memref<4x64xi32, #tpu.memory_space<vmem>>, vector<16xi32>,
      tpu.vector_store %arg15[%swap3A_222, %swap3A_223], %shift_right_logical3A_219 {strides = array<i32>} : memref<4x64xi32, #tpu.memory_space<vmem>>, vector<16xi32>,
      %scan3A_225 = arith.constant 0 : i32
      %scan3A_226 = arith.constant 4 : i32
      %dma_start3A_227 = arith.constant 0 : i32
      %dma_start3A_228 = arith.constant 0 : i32
      %dma_start3A_229 = tpu.memref_slice %arg13[%and3A_112, %dma_start3A_227, %dma_start3A_228] : memref<4x64x128xf32, #tpu.memory_space<vmem>> -> memref<1x64x128xf32, #tpu.memory_space<vmem>>
      %dma_start3A_230 = tpu.memref_squeeze %dma_start3A_229 : memref<1x64x128xf32, #tpu.memory_space<vmem>> -> memref<64x128xf32, #tpu.memory_space<vmem>>
      %dma_start3A_231 = arith.constant 0 : i32
      %dma_start3A_232 = tpu.memref_slice %arg14[%and3A_112, %dma_start3A_231] : memref<4x64xi32, #tpu.memory_space<vmem>> -> memref<1x64xi32, #tpu.memory_space<vmem>>
      %dma_start3A_233 = tpu.memref_squeeze %dma_start3A_232 : memref<1x64xi32, #tpu.memory_space<vmem>> -> memref<64xi32, #tpu.memory_space<vmem>>
      %dma_start3A_234 = arith.constant 0 : i32
      %dma_start3A_235 = arith.constant 0 : i32
      %dma_start3A_236 = tpu.memref_slice %arg6[%dma_start3A_234, %dma_start3A_235] : memref<58192x128xf32, #tpu.memory_space<hbm>> -> memref<58192x128xf32, #tpu.memory_space<hbm>>
      tpu.enqueue_indirect_dma source(%dma_start3A_236 : memref<58192x128xf32, #tpu.memory_space<hbm>>) target(%dma_start3A_230 : memref<64x128xf32, #tpu.memory_space<vmem>>) offsets(%dma_start3A_233 : memref<64xi32, #tpu.memory_space<vmem>>) semaphore(%arg18 : memref<!tpu.dma_semaphore, #tpu.memory_space<semaphore_mem>>)
      %while3A_237 = arith.constant 0 : i32
      scf.yield %while3A_237 : i32
    }
    %mul3A_81 = arith.constant 64 : i32
    %mul3A_82 = arith.muli %shift_right_logical3A_67, %mul3A_81 : i32
    %add3A_83 = arith.addi %scan3A_45#1, %mul3A_82 : i32
    %shift_right_logical3A_84 = arith.constant 6 : i32
    %shift_right_logical3A_85 = arith.shrui %and3A_59, %shift_right_logical3A_84 : i32
    %sub3A_86 = arith.constant 3 : i32
    %sub3A_87 = arith.subi %shift_right_logical3A_85, %sub3A_86 : i32
    %max3A = arith.constant 0 : i32
    %max3A_88 = arith.maxsi %sub3A_87, %max3A : i32
    %while3A_89 = arith.constant 0 : i32
    %while3A_90 = arith.subi %shift_right_logical3A_85, %max3A_88 : i32
    %while3A_91 = arith.addi %max3A_88, %while3A_90 : i32
    %while3A_92 = arith.constant 1 : i32
    %while3A_93 = arith.divsi %while3A_90, %while3A_92 : i32
    %while3A_94 = arith.muli %while3A_93, %while3A_92 : i32
    %while3A_95 = arith.addi %max3A_88, %while3A_94 : i32
    %while3A_96 = arith.constant 1 : i32
    %while3A_97 = scf.for %while3A_108 = %max3A_88 to %while3A_95 step %while3A_96 iter_args(%while3A_109 = %while3A_89) -> (i32)  : i32 {
      %and3A_110 = arith.constant 3 : i32
      %and3A_111 = arith.andi %while3A_108, %and3A_110 : i32
      %dma_wait3A = arith.constant 0 : i32
      %dma_wait3A_112 = arith.constant 0 : i32
      %dma_wait3A_113 = tpu.memref_slice %arg13[%and3A_111, %dma_wait3A, %dma_wait3A_112] : memref<4x64x128xf32, #tpu.memory_space<vmem>> -> memref<1x64x128xf32, #tpu.memory_space<vmem>>
      %dma_wait3A_114 = tpu.memref_squeeze %dma_wait3A_113 : memref<1x64x128xf32, #tpu.memory_space<vmem>> -> memref<64x128xf32, #tpu.memory_space<vmem>>
      %dma_wait3A_115 = arith.constant 0 : i32
      %dma_wait3A_116 = arith.constant 0 : i32
      %dma_wait3A_117 = tpu.memref_slice %arg6[%dma_wait3A_115, %dma_wait3A_116] : memref<58192x128xf32, #tpu.memory_space<hbm>> -> memref<64x128xf32, #tpu.memory_space<hbm>>
      %dma_wait3A_118 = arith.constant 0 : i32
      %dma_wait3A_119 = arith.constant 0 : i32
      %dma_wait3A_120 = tpu.memref_slice %arg13[%and3A_111, %dma_wait3A_118, %dma_wait3A_119] : memref<4x64x128xf32, #tpu.memory_space<vmem>> -> memref<1x64x128xf32, #tpu.memory_space<vmem>>
      %dma_wait3A_121 = tpu.memref_squeeze %dma_wait3A_120 : memref<1x64x128xf32, #tpu.memory_space<vmem>> -> memref<64x128xf32, #tpu.memory_space<vmem>>
      %dma_wait3A_122 = arith.constant 0 : i32
      %dma_wait3A_123 = arith.constant 0 : i32
      %dma_wait3A_124 = tpu.memref_slice %arg6[%dma_wait3A_122, %dma_wait3A_123] : memref<58192x128xf32, #tpu.memory_space<hbm>> -> memref<64x128xf32, #tpu.memory_space<hbm>>
      tpu.wait_dma2 semaphore(%arg18 : memref<!tpu.dma_semaphore, #tpu.memory_space<semaphore_mem>>) src(%dma_wait3A_124 : memref<64x128xf32, #tpu.memory_space<hbm>>) dst(%dma_wait3A_121 : memref<64x128xf32, #tpu.memory_space<vmem>>)
      "tpu.region"() ({
        %run_scoped3A = tpu.sem_alloc : memref<!tpu.dma_semaphore, #tpu.memory_space<semaphore_mem>>
        %dma_start3A_126 = arith.constant 0 : i32
        %dma_start3A_127 = arith.constant 0 : i32
        %dma_start3A_128 = tpu.memref_slice %arg13[%and3A_111, %dma_start3A_126, %dma_start3A_127] : memref<4x64x128xf32, #tpu.memory_space<vmem>> -> memref<1x64x128xf32, #tpu.memory_space<vmem>>
        %dma_start3A_129 = tpu.memref_squeeze %dma_start3A_128 : memref<1x64x128xf32, #tpu.memory_space<vmem>> -> memref<64x128xf32, #tpu.memory_space<vmem>>
        %dma_start3A_130 = arith.constant 0 : i32
        %dma_start3A_131 = tpu.memref_slice %arg15[%and3A_111, %dma_start3A_130] : memref<4x64xi32, #tpu.memory_space<vmem>> -> memref<1x64xi32, #tpu.memory_space<vmem>>
        %dma_start3A_132 = tpu.memref_squeeze %dma_start3A_131 : memref<1x64xi32, #tpu.memory_space<vmem>> -> memref<64xi32, #tpu.memory_space<vmem>>
        %dma_start3A_133 = arith.constant 0 : i32
        %dma_start3A_134 = arith.constant 0 : i32
        %dma_start3A_135 = tpu.memref_slice %arg17[%dma_start3A_133, %dma_start3A_134] : memref<4224x128xf32, #tpu.memory_space<vmem_shared>> -> memref<4224x128xf32, #tpu.memory_space<vmem_shared>>
        tpu.enqueue_indirect_dma source(%dma_start3A_129 : memref<64x128xf32, #tpu.memory_space<vmem>>) target(%dma_start3A_135 : memref<4224x128xf32, #tpu.memory_space<vmem_shared>>) offsets(%dma_start3A_132 : memref<64xi32, #tpu.memory_space<vmem>>) semaphore(%run_scoped3A : memref<!tpu.dma_semaphore, #tpu.memory_space<semaphore_mem>>) {add = true}
        %dma_wait3A_136 = arith.constant 0 : i32
        %dma_wait3A_137 = arith.constant 0 : i32
        %dma_wait3A_138 = tpu.memref_slice %arg13[%and3A_111, %dma_wait3A_136, %dma_wait3A_137] : memref<4x64x128xf32, #tpu.memory_space<vmem>> -> memref<1x64x128xf32, #tpu.memory_space<vmem>>
        %dma_wait3A_139 = tpu.memref_squeeze %dma_wait3A_138 : memref<1x64x128xf32, #tpu.memory_space<vmem>> -> memref<64x128xf32, #tpu.memory_space<vmem>>
        %dma_wait3A_140 = arith.constant 0 : i32
        %dma_wait3A_141 = tpu.memref_slice %arg15[%and3A_111, %dma_wait3A_140] : memref<4x64xi32, #tpu.memory_space<vmem>> -> memref<1x64xi32, #tpu.memory_space<vmem>>
        %dma_wait3A_142 = tpu.memref_squeeze %dma_wait3A_141 : memref<1x64xi32, #tpu.memory_space<vmem>> -> memref<64xi32, #tpu.memory_space<vmem>>
        %dma_wait3A_143 = arith.constant 0 : i32
        %dma_wait3A_144 = arith.constant 0 : i32
        %dma_wait3A_145 = tpu.memref_slice %arg17[%dma_wait3A_143, %dma_wait3A_144] : memref<4224x128xf32, #tpu.memory_space<vmem_shared>> -> memref<4224x128xf32, #tpu.memory_space<vmem_shared>>
        tpu.wait_indirect_dma semaphore(%run_scoped3A : memref<!tpu.dma_semaphore, #tpu.memory_space<semaphore_mem>>) src(%dma_wait3A_139 : memref<64x128xf32, #tpu.memory_space<vmem>>) dst(%dma_wait3A_145 : memref<4224x128xf32, #tpu.memory_space<vmem_shared>>)
        tpu.yield
      }) : () -> ()
      %while3A_125 = arith.constant 0 : i32
      scf.yield %while3A_125 : i32
    }
    %while3A_98 = arith.constant 1 : i32
    %while3A_99 = scf.for %while3A_108 = %while3A_95 to %while3A_91 step %while3A_98 iter_args(%while3A_109 = %while3A_97) -> (i32)  : i32 {
      %and3A_110 = arith.constant 3 : i32
      %and3A_111 = arith.andi %while3A_108, %and3A_110 : i32
      %dma_wait3A = arith.constant 0 : i32
      %dma_wait3A_112 = arith.constant 0 : i32
      %dma_wait3A_113 = tpu.memref_slice %arg13[%and3A_111, %dma_wait3A, %dma_wait3A_112] : memref<4x64x128xf32, #tpu.memory_space<vmem>> -> memref<1x64x128xf32, #tpu.memory_space<vmem>>
      %dma_wait3A_114 = tpu.memref_squeeze %dma_wait3A_113 : memref<1x64x128xf32, #tpu.memory_space<vmem>> -> memref<64x128xf32, #tpu.memory_space<vmem>>
      %dma_wait3A_115 = arith.constant 0 : i32
      %dma_wait3A_116 = arith.constant 0 : i32
      %dma_wait3A_117 = tpu.memref_slice %arg6[%dma_wait3A_115, %dma_wait3A_116] : memref<58192x128xf32, #tpu.memory_space<hbm>> -> memref<64x128xf32, #tpu.memory_space<hbm>>
      %dma_wait3A_118 = arith.constant 0 : i32
      %dma_wait3A_119 = arith.constant 0 : i32
      %dma_wait3A_120 = tpu.memref_slice %arg13[%and3A_111, %dma_wait3A_118, %dma_wait3A_119] : memref<4x64x128xf32, #tpu.memory_space<vmem>> -> memref<1x64x128xf32, #tpu.memory_space<vmem>>
      %dma_wait3A_121 = tpu.memref_squeeze %dma_wait3A_120 : memref<1x64x128xf32, #tpu.memory_space<vmem>> -> memref<64x128xf32, #tpu.memory_space<vmem>>
      %dma_wait3A_122 = arith.constant 0 : i32
      %dma_wait3A_123 = arith.constant 0 : i32
      %dma_wait3A_124 = tpu.memref_slice %arg6[%dma_wait3A_122, %dma_wait3A_123] : memref<58192x128xf32, #tpu.memory_space<hbm>> -> memref<64x128xf32, #tpu.memory_space<hbm>>
      tpu.wait_dma2 semaphore(%arg18 : memref<!tpu.dma_semaphore, #tpu.memory_space<semaphore_mem>>) src(%dma_wait3A_124 : memref<64x128xf32, #tpu.memory_space<hbm>>) dst(%dma_wait3A_121 : memref<64x128xf32, #tpu.memory_space<vmem>>)
      "tpu.region"() ({
        %run_scoped3A = tpu.sem_alloc : memref<!tpu.dma_semaphore, #tpu.memory_space<semaphore_mem>>
        %dma_start3A_126 = arith.constant 0 : i32
        %dma_start3A_127 = arith.constant 0 : i32
        %dma_start3A_128 = tpu.memref_slice %arg13[%and3A_111, %dma_start3A_126, %dma_start3A_127] : memref<4x64x128xf32, #tpu.memory_space<vmem>> -> memref<1x64x128xf32, #tpu.memory_space<vmem>>
        %dma_start3A_129 = tpu.memref_squeeze %dma_start3A_128 : memref<1x64x128xf32, #tpu.memory_space<vmem>> -> memref<64x128xf32, #tpu.memory_space<vmem>>
        %dma_start3A_130 = arith.constant 0 : i32
        %dma_start3A_131 = tpu.memref_slice %arg15[%and3A_111, %dma_start3A_130] : memref<4x64xi32, #tpu.memory_space<vmem>> -> memref<1x64xi32, #tpu.memory_space<vmem>>
        %dma_start3A_132 = tpu.memref_squeeze %dma_start3A_131 : memref<1x64xi32, #tpu.memory_space<vmem>> -> memref<64xi32, #tpu.memory_space<vmem>>
        %dma_start3A_133 = arith.constant 0 : i32
        %dma_start3A_134 = arith.constant 0 : i32
        %dma_start3A_135 = tpu.memref_slice %arg17[%dma_start3A_133, %dma_start3A_134] : memref<4224x128xf32, #tpu.memory_space<vmem_shared>> -> memref<4224x128xf32, #tpu.memory_space<vmem_shared>>
        tpu.enqueue_indirect_dma source(%dma_start3A_129 : memref<64x128xf32, #tpu.memory_space<vmem>>) target(%dma_start3A_135 : memref<4224x128xf32, #tpu.memory_space<vmem_shared>>) offsets(%dma_start3A_132 : memref<64xi32, #tpu.memory_space<vmem>>) semaphore(%run_scoped3A : memref<!tpu.dma_semaphore, #tpu.memory_space<semaphore_mem>>) {add = true}
        %dma_wait3A_136 = arith.constant 0 : i32
        %dma_wait3A_137 = arith.constant 0 : i32
        %dma_wait3A_138 = tpu.memref_slice %arg13[%and3A_111, %dma_wait3A_136, %dma_wait3A_137] : memref<4x64x128xf32, #tpu.memory_space<vmem>> -> memref<1x64x128xf32, #tpu.memory_space<vmem>>
        %dma_wait3A_139 = tpu.memref_squeeze %dma_wait3A_138 : memref<1x64x128xf32, #tpu.memory_space<vmem>> -> memref<64x128xf32, #tpu.memory_space<vmem>>
        %dma_wait3A_140 = arith.constant 0 : i32
        %dma_wait3A_141 = tpu.memref_slice %arg15[%and3A_111, %dma_wait3A_140] : memref<4x64xi32, #tpu.memory_space<vmem>> -> memref<1x64xi32, #tpu.memory_space<vmem>>
        %dma_wait3A_142 = tpu.memref_squeeze %dma_wait3A_141 : memref<1x64xi32, #tpu.memory_space<vmem>> -> memref<64xi32, #tpu.memory_space<vmem>>
        %dma_wait3A_143 = arith.constant 0 : i32
        %dma_wait3A_144 = arith.constant 0 : i32
        %dma_wait3A_145 = tpu.memref_slice %arg17[%dma_wait3A_143, %dma_wait3A_144] : memref<4224x128xf32, #tpu.memory_space<vmem_shared>> -> memref<4224x128xf32, #tpu.memory_space<vmem_shared>>
        tpu.wait_indirect_dma semaphore(%run_scoped3A : memref<!tpu.dma_semaphore, #tpu.memory_space<semaphore_mem>>) src(%dma_wait3A_139 : memref<64x128xf32, #tpu.memory_space<vmem>>) dst(%dma_wait3A_145 : memref<4224x128xf32, #tpu.memory_space<vmem_shared>>)
        tpu.yield
      }) : () -> ()
      %while3A_125 = arith.constant 0 : i32
      scf.yield %while3A_125 : i32
    }
    %barrier3A_100 = arith.constant 0 : index
    tpu.barrier barrier_id(%barrier3A_100)
    %mul3A_101 = arith.constant 264 : i32
    %mul3A_102 = arith.muli %arg1, %mul3A_101 : i32
    %mul3A_103 = arith.constant 4224 : i32
    %mul3A_104 = arith.muli %arg0, %mul3A_103 : i32
    %mul3A_105 = arith.constant 264 : i32
    %mul3A_106 = arith.muli %arg1, %mul3A_105 : i32
    %add3A_107 = arith.addi %mul3A_104, %mul3A_106 : i32
    "tpu.region"() ({
      %run_scoped3A = tpu.sem_alloc : memref<!tpu.dma_semaphore, #tpu.memory_space<semaphore_mem>>
      %dma_start3A_108 = arith.constant 0 : i32
      %dma_start3A_109 = tpu.memref_slice %arg8[%add3A_107, %dma_start3A_108] : memref<8448x128xf32, #tpu.memory_space<hbm>> -> memref<264x128xf32, #tpu.memory_space<hbm>>
      %dma_start3A_110 = arith.constant 0 : i32
      %dma_start3A_111 = tpu.memref_slice %arg17[%mul3A_102, %dma_start3A_110] : memref<4224x128xf32, #tpu.memory_space<vmem_shared>> -> memref<264x128xf32, #tpu.memory_space<vmem_shared>>
      tpu.enqueue_dma source(%dma_start3A_111 : memref<264x128xf32, #tpu.memory_space<vmem_shared>>) target(%dma_start3A_109 : memref<264x128xf32, #tpu.memory_space<hbm>>) target_semaphore(%run_scoped3A : memref<!tpu.dma_semaphore, #tpu.memory_space<semaphore_mem>>)
      %dma_wait3A = arith.constant 0 : i32
      %dma_wait3A_112 = tpu.memref_slice %arg8[%add3A_107, %dma_wait3A] : memref<8448x128xf32, #tpu.memory_space<hbm>> -> memref<264x128xf32, #tpu.memory_space<hbm>>
      %dma_wait3A_113 = arith.constant 0 : i32
      %dma_wait3A_114 = tpu.memref_slice %arg17[%mul3A_102, %dma_wait3A_113] : memref<4224x128xf32, #tpu.memory_space<vmem_shared>> -> memref<264x128xf32, #tpu.memory_space<vmem_shared>>
      tpu.wait_dma2 semaphore(%run_scoped3A : memref<!tpu.dma_semaphore, #tpu.memory_space<semaphore_mem>>) src(%dma_wait3A_114 : memref<264x128xf32, #tpu.memory_space<vmem_shared>>) dst(%dma_wait3A_112 : memref<264x128xf32, #tpu.memory_space<hbm>>)
      tpu.yield
    }) : () -> ()
    return
  }
}

#map = affine_map<(d0, d1) -> (0)>
#map1 = affine_map<(d0, d1) -> (0, 0)>
module attributes {stable_mosaic.version = 14 : i64} {
  func.func @_comb_body(%arg0: i32, %arg1: i32, %arg2: memref<50016xi32, #tpu.memory_space<hbm>>, %arg3: memref<8192xi32, #tpu.memory_space<hbm>>, %arg4: memref<8448x128xf32, #tpu.memory_space<hbm>>, %arg5: memref<8192x128xf32, #tpu.memory_space<hbm>>, %arg6: memref<50016xi32, #tpu.memory_space<vmem>>, %arg7: memref<256xi32, #tpu.memory_space<vmem>>, %arg8: memref<4x64xi32, #tpu.memory_space<vmem>>, %arg9: memref<256x128xf32, #tpu.memory_space<vmem>>, %arg10: memref<!tpu.dma_semaphore, #tpu.memory_space<semaphore_mem>>) attributes {dimension_semantics = [#tpu.dimension_semantics<core_parallel>, #tpu.dimension_semantics<subcore_parallel>], iteration_bounds = array<i64: 2, 16>, scalar_prefetch = 0 : i64, scratch_operands = 5 : i64, tpu.core_type = #tpu.core_type<sc_vector_subcore>, window_params = [{transform_indices = #map}, {transform_indices = #map}, {transform_indices = #map1}, {transform_indices = #map1}]} {
    %mul3A = arith.constant 16 : i32
    %mul3A_0 = arith.muli %arg0, %mul3A : i32
    %add3A = arith.addi %mul3A_0, %arg1 : i32
    "tpu.region"() ({
      %run_scoped3A = tpu.sem_alloc : memref<!tpu.dma_semaphore, #tpu.memory_space<semaphore_mem>>
      tpu.enqueue_dma source(%arg2 : memref<50016xi32, #tpu.memory_space<hbm>>) target(%arg6 : memref<50016xi32, #tpu.memory_space<vmem>>) target_semaphore(%run_scoped3A : memref<!tpu.dma_semaphore, #tpu.memory_space<semaphore_mem>>)
      tpu.wait_dma2 semaphore(%run_scoped3A : memref<!tpu.dma_semaphore, #tpu.memory_space<semaphore_mem>>) src(%arg2 : memref<50016xi32, #tpu.memory_space<hbm>>) dst(%arg6 : memref<50016xi32, #tpu.memory_space<vmem>>)
      tpu.yield
    }) : () -> ()
    %mul3A_1 = arith.constant 256 : i32
    %mul3A_2 = arith.muli %add3A, %mul3A_1 : i32
    "tpu.region"() ({
      %run_scoped3A = tpu.sem_alloc : memref<!tpu.dma_semaphore, #tpu.memory_space<semaphore_mem>>
      %dma_start3A_55 = tpu.memref_slice %arg3[%mul3A_2] : memref<8192xi32, #tpu.memory_space<hbm>> -> memref<256xi32, #tpu.memory_space<hbm>>
      %dma_start3A_56 = tpu.memref_slice %arg3[%mul3A_2] : memref<8192xi32, #tpu.memory_space<hbm>> -> memref<256xi32, #tpu.memory_space<hbm>>
      tpu.enqueue_dma source(%dma_start3A_56 : memref<256xi32, #tpu.memory_space<hbm>>) target(%arg7 : memref<256xi32, #tpu.memory_space<vmem>>) target_semaphore(%run_scoped3A : memref<!tpu.dma_semaphore, #tpu.memory_space<semaphore_mem>>)
      %dma_wait3A_57 = tpu.memref_slice %arg3[%mul3A_2] : memref<8192xi32, #tpu.memory_space<hbm>> -> memref<256xi32, #tpu.memory_space<hbm>>
      %dma_wait3A_58 = tpu.memref_slice %arg3[%mul3A_2] : memref<8192xi32, #tpu.memory_space<hbm>> -> memref<256xi32, #tpu.memory_space<hbm>>
      tpu.wait_dma2 semaphore(%run_scoped3A : memref<!tpu.dma_semaphore, #tpu.memory_space<semaphore_mem>>) src(%dma_wait3A_58 : memref<256xi32, #tpu.memory_space<hbm>>) dst(%arg7 : memref<256xi32, #tpu.memory_space<vmem>>)
      tpu.yield
    }) : () -> ()
    %scan3A = arith.constant 0 : i32
    %scan3A_3 = arith.constant 0 : i32
    %scan3A_4 = arith.constant 16 : i32
    %scan3A_5 = arith.addi %scan3A_3, %scan3A_4 : i32
    %scan3A_6 = arith.constant 4 : i32
    %scan3A_7 = scf.for %scan3A_55 = %scan3A_3 to %scan3A_5 step %scan3A_6 iter_args(%scan3A_56 = %scan3A) -> (i32)  : i32 {
      %mul3A_57 = arith.constant 16 : i32
      %mul3A_58 = arith.muli %scan3A_55, %mul3A_57 : i32
      %get3A = arith.index_cast %mul3A_58 : i32 to index
      %get3A_59 = tpu.vector_load %arg7[%get3A] {strides = array<i32>} : memref<256xi32, #tpu.memory_space<vmem>>, vector<16xi32>,
      %gather3A = tpu.vector_load_idx %arg6[%get3A_59] : memref<50016xi32, #tpu.memory_space<vmem>>[vector<16xi32>], vector<16xi32>,
      %shift_right_logical3A = arith.constant 16 : i32
      %shift_right_logical3A_60 = vector.broadcast %shift_right_logical3A : i32 to vector<16xi32>
      %shift_right_logical3A_61 = arith.shrui %gather3A, %shift_right_logical3A_60 : vector<16xi32>
      %sub3A = arith.constant 1 : i32
      %sub3A_62 = vector.broadcast %sub3A : i32 to vector<16xi32>
      %sub3A_63 = arith.subi %shift_right_logical3A_61, %sub3A_62 : vector<16xi32>
      %shift_right_logical3A_64 = arith.constant 12 : i32
      %shift_right_logical3A_65 = vector.broadcast %shift_right_logical3A_64 : i32 to vector<16xi32>
      %shift_right_logical3A_66 = arith.shrui %sub3A_63, %shift_right_logical3A_65 : vector<16xi32>
      %mul3A_67 = arith.constant 128 : i32
      %mul3A_68 = vector.broadcast %mul3A_67 : i32 to vector<16xi32>
      %mul3A_69 = arith.muli %shift_right_logical3A_66, %mul3A_68 : vector<16xi32>
      %add3A_70 = arith.addi %sub3A_63, %mul3A_69 : vector<16xi32>
      %shift_right_arithmetic3A = arith.constant 2 : i32
      %shift_right_arithmetic3A_71 = arith.shrsi %scan3A_55, %shift_right_arithmetic3A : i32
      %and3A = arith.constant 3 : i32
      %and3A_72 = arith.andi %scan3A_55, %and3A : i32
      %mul3A_73 = arith.constant 16 : i32
      %mul3A_74 = arith.muli %and3A_72, %mul3A_73 : i32
      %swap3A = arith.index_cast %shift_right_arithmetic3A_71 : i32 to index
      %swap3A_75 = arith.index_cast %mul3A_74 : i32 to index
      %swap3A_76 = tpu.vector_load %arg8[%swap3A, %swap3A_75] {strides = array<i32>} : memref<4x64xi32, #tpu.memory_space<vmem>>, vector<16xi32>,
      tpu.vector_store %arg8[%swap3A, %swap3A_75], %add3A_70 {strides = array<i32>} : memref<4x64xi32, #tpu.memory_space<vmem>>, vector<16xi32>,
      %scan3A_77 = arith.constant 0 : i32
      %scan3A_78 = arith.constant 1 : i32
      %scan3A_79 = arith.addi %scan3A_55, %scan3A_78 : i32
      %mul3A_80 = arith.constant 16 : i32
      %mul3A_81 = arith.muli %scan3A_79, %mul3A_80 : i32
      %get3A_82 = arith.index_cast %mul3A_81 : i32 to index
      %get3A_83 = tpu.vector_load %arg7[%get3A_82] {strides = array<i32>} : memref<256xi32, #tpu.memory_space<vmem>>, vector<16xi32>,
      %gather3A_84 = tpu.vector_load_idx %arg6[%get3A_83] : memref<50016xi32, #tpu.memory_space<vmem>>[vector<16xi32>], vector<16xi32>,
      %shift_right_logical3A_85 = arith.constant 16 : i32
      %shift_right_logical3A_86 = vector.broadcast %shift_right_logical3A_85 : i32 to vector<16xi32>
      %shift_right_logical3A_87 = arith.shrui %gather3A_84, %shift_right_logical3A_86 : vector<16xi32>
      %sub3A_88 = arith.constant 1 : i32
      %sub3A_89 = vector.broadcast %sub3A_88 : i32 to vector<16xi32>
      %sub3A_90 = arith.subi %shift_right_logical3A_87, %sub3A_89 : vector<16xi32>
      %shift_right_logical3A_91 = arith.constant 12 : i32
      %shift_right_logical3A_92 = vector.broadcast %shift_right_logical3A_91 : i32 to vector<16xi32>
      %shift_right_logical3A_93 = arith.shrui %sub3A_90, %shift_right_logical3A_92 : vector<16xi32>
      %mul3A_94 = arith.constant 128 : i32
      %mul3A_95 = vector.broadcast %mul3A_94 : i32 to vector<16xi32>
      %mul3A_96 = arith.muli %shift_right_logical3A_93, %mul3A_95 : vector<16xi32>
      %add3A_97 = arith.addi %sub3A_90, %mul3A_96 : vector<16xi32>
      %shift_right_arithmetic3A_98 = arith.constant 2 : i32
      %shift_right_arithmetic3A_99 = arith.shrsi %scan3A_79, %shift_right_arithmetic3A_98 : i32
      %and3A_100 = arith.constant 3 : i32
      %and3A_101 = arith.andi %scan3A_79, %and3A_100 : i32
      %mul3A_102 = arith.constant 16 : i32
      %mul3A_103 = arith.muli %and3A_101, %mul3A_102 : i32
      %swap3A_104 = arith.index_cast %shift_right_arithmetic3A_99 : i32 to index
      %swap3A_105 = arith.index_cast %mul3A_103 : i32 to index
      %swap3A_106 = tpu.vector_load %arg8[%swap3A_104, %swap3A_105] {strides = array<i32>} : memref<4x64xi32, #tpu.memory_space<vmem>>, vector<16xi32>,
      tpu.vector_store %arg8[%swap3A_104, %swap3A_105], %add3A_97 {strides = array<i32>} : memref<4x64xi32, #tpu.memory_space<vmem>>, vector<16xi32>,
      %scan3A_107 = arith.constant 0 : i32
      %scan3A_108 = arith.constant 2 : i32
      %scan3A_109 = arith.addi %scan3A_55, %scan3A_108 : i32
      %mul3A_110 = arith.constant 16 : i32
      %mul3A_111 = arith.muli %scan3A_109, %mul3A_110 : i32
      %get3A_112 = arith.index_cast %mul3A_111 : i32 to index
      %get3A_113 = tpu.vector_load %arg7[%get3A_112] {strides = array<i32>} : memref<256xi32, #tpu.memory_space<vmem>>, vector<16xi32>,
      %gather3A_114 = tpu.vector_load_idx %arg6[%get3A_113] : memref<50016xi32, #tpu.memory_space<vmem>>[vector<16xi32>], vector<16xi32>,
      %shift_right_logical3A_115 = arith.constant 16 : i32
      %shift_right_logical3A_116 = vector.broadcast %shift_right_logical3A_115 : i32 to vector<16xi32>
      %shift_right_logical3A_117 = arith.shrui %gather3A_114, %shift_right_logical3A_116 : vector<16xi32>
      %sub3A_118 = arith.constant 1 : i32
      %sub3A_119 = vector.broadcast %sub3A_118 : i32 to vector<16xi32>
      %sub3A_120 = arith.subi %shift_right_logical3A_117, %sub3A_119 : vector<16xi32>
      %shift_right_logical3A_121 = arith.constant 12 : i32
      %shift_right_logical3A_122 = vector.broadcast %shift_right_logical3A_121 : i32 to vector<16xi32>
      %shift_right_logical3A_123 = arith.shrui %sub3A_120, %shift_right_logical3A_122 : vector<16xi32>
      %mul3A_124 = arith.constant 128 : i32
      %mul3A_125 = vector.broadcast %mul3A_124 : i32 to vector<16xi32>
      %mul3A_126 = arith.muli %shift_right_logical3A_123, %mul3A_125 : vector<16xi32>
      %add3A_127 = arith.addi %sub3A_120, %mul3A_126 : vector<16xi32>
      %shift_right_arithmetic3A_128 = arith.constant 2 : i32
      %shift_right_arithmetic3A_129 = arith.shrsi %scan3A_109, %shift_right_arithmetic3A_128 : i32
      %and3A_130 = arith.constant 3 : i32
      %and3A_131 = arith.andi %scan3A_109, %and3A_130 : i32
      %mul3A_132 = arith.constant 16 : i32
      %mul3A_133 = arith.muli %and3A_131, %mul3A_132 : i32
      %swap3A_134 = arith.index_cast %shift_right_arithmetic3A_129 : i32 to index
      %swap3A_135 = arith.index_cast %mul3A_133 : i32 to index
      %swap3A_136 = tpu.vector_load %arg8[%swap3A_134, %swap3A_135] {strides = array<i32>} : memref<4x64xi32, #tpu.memory_space<vmem>>, vector<16xi32>,
      tpu.vector_store %arg8[%swap3A_134, %swap3A_135], %add3A_127 {strides = array<i32>} : memref<4x64xi32, #tpu.memory_space<vmem>>, vector<16xi32>,
      %scan3A_137 = arith.constant 0 : i32
      %scan3A_138 = arith.constant 3 : i32
      %scan3A_139 = arith.addi %scan3A_55, %scan3A_138 : i32
      %mul3A_140 = arith.constant 16 : i32
      %mul3A_141 = arith.muli %scan3A_139, %mul3A_140 : i32
      %get3A_142 = arith.index_cast %mul3A_141 : i32 to index
      %get3A_143 = tpu.vector_load %arg7[%get3A_142] {strides = array<i32>} : memref<256xi32, #tpu.memory_space<vmem>>, vector<16xi32>,
      %gather3A_144 = tpu.vector_load_idx %arg6[%get3A_143] : memref<50016xi32, #tpu.memory_space<vmem>>[vector<16xi32>], vector<16xi32>,
      %shift_right_logical3A_145 = arith.constant 16 : i32
      %shift_right_logical3A_146 = vector.broadcast %shift_right_logical3A_145 : i32 to vector<16xi32>
      %shift_right_logical3A_147 = arith.shrui %gather3A_144, %shift_right_logical3A_146 : vector<16xi32>
      %sub3A_148 = arith.constant 1 : i32
      %sub3A_149 = vector.broadcast %sub3A_148 : i32 to vector<16xi32>
      %sub3A_150 = arith.subi %shift_right_logical3A_147, %sub3A_149 : vector<16xi32>
      %shift_right_logical3A_151 = arith.constant 12 : i32
      %shift_right_logical3A_152 = vector.broadcast %shift_right_logical3A_151 : i32 to vector<16xi32>
      %shift_right_logical3A_153 = arith.shrui %sub3A_150, %shift_right_logical3A_152 : vector<16xi32>
      %mul3A_154 = arith.constant 128 : i32
      %mul3A_155 = vector.broadcast %mul3A_154 : i32 to vector<16xi32>
      %mul3A_156 = arith.muli %shift_right_logical3A_153, %mul3A_155 : vector<16xi32>
      %add3A_157 = arith.addi %sub3A_150, %mul3A_156 : vector<16xi32>
      %shift_right_arithmetic3A_158 = arith.constant 2 : i32
      %shift_right_arithmetic3A_159 = arith.shrsi %scan3A_139, %shift_right_arithmetic3A_158 : i32
      %and3A_160 = arith.constant 3 : i32
      %and3A_161 = arith.andi %scan3A_139, %and3A_160 : i32
      %mul3A_162 = arith.constant 16 : i32
      %mul3A_163 = arith.muli %and3A_161, %mul3A_162 : i32
      %swap3A_164 = arith.index_cast %shift_right_arithmetic3A_159 : i32 to index
      %swap3A_165 = arith.index_cast %mul3A_163 : i32 to index
      %swap3A_166 = tpu.vector_load %arg8[%swap3A_164, %swap3A_165] {strides = array<i32>} : memref<4x64xi32, #tpu.memory_space<vmem>>, vector<16xi32>,
      tpu.vector_store %arg8[%swap3A_164, %swap3A_165], %add3A_157 {strides = array<i32>} : memref<4x64xi32, #tpu.memory_space<vmem>>, vector<16xi32>,
      %scan3A_167 = arith.constant 0 : i32
      scf.yield %scan3A_167 : i32
    }
    %scan3A_8 = arith.constant 16 : i32
    %dma_start3A = arith.constant 0 : i32
    %dma_start3A_9 = arith.constant 0 : i32
    %dma_start3A_10 = arith.constant 0 : i32
    %dma_start3A_11 = tpu.memref_slice %arg9[%dma_start3A_9, %dma_start3A_10] : memref<256x128xf32, #tpu.memory_space<vmem>> -> memref<64x128xf32, #tpu.memory_space<vmem>>
    %dma_start3A_12 = arith.constant 0 : i32
    %dma_start3A_13 = tpu.memref_slice %arg8[%dma_start3A, %dma_start3A_12] : memref<4x64xi32, #tpu.memory_space<vmem>> -> memref<1x64xi32, #tpu.memory_space<vmem>>
    %dma_start3A_14 = tpu.memref_squeeze %dma_start3A_13 : memref<1x64xi32, #tpu.memory_space<vmem>> -> memref<64xi32, #tpu.memory_space<vmem>>
    %dma_start3A_15 = arith.constant 0 : i32
    %dma_start3A_16 = arith.constant 0 : i32
    %dma_start3A_17 = tpu.memref_slice %arg4[%dma_start3A_15, %dma_start3A_16] : memref<8448x128xf32, #tpu.memory_space<hbm>> -> memref<8448x128xf32, #tpu.memory_space<hbm>>
    tpu.enqueue_indirect_dma source(%dma_start3A_17 : memref<8448x128xf32, #tpu.memory_space<hbm>>) target(%dma_start3A_11 : memref<64x128xf32, #tpu.memory_space<vmem>>) offsets(%dma_start3A_14 : memref<64xi32, #tpu.memory_space<vmem>>) semaphore(%arg10 : memref<!tpu.dma_semaphore, #tpu.memory_space<semaphore_mem>>)
    %dma_start3A_18 = arith.constant 1 : i32
    %dma_start3A_19 = arith.constant 64 : i32
    %dma_start3A_20 = arith.constant 0 : i32
    %dma_start3A_21 = tpu.memref_slice %arg9[%dma_start3A_19, %dma_start3A_20] : memref<256x128xf32, #tpu.memory_space<vmem>> -> memref<64x128xf32, #tpu.memory_space<vmem>>
    %dma_start3A_22 = arith.constant 0 : i32
    %dma_start3A_23 = tpu.memref_slice %arg8[%dma_start3A_18, %dma_start3A_22] : memref<4x64xi32, #tpu.memory_space<vmem>> -> memref<1x64xi32, #tpu.memory_space<vmem>>
    %dma_start3A_24 = tpu.memref_squeeze %dma_start3A_23 : memref<1x64xi32, #tpu.memory_space<vmem>> -> memref<64xi32, #tpu.memory_space<vmem>>
    %dma_start3A_25 = arith.constant 0 : i32
    %dma_start3A_26 = arith.constant 0 : i32
    %dma_start3A_27 = tpu.memref_slice %arg4[%dma_start3A_25, %dma_start3A_26] : memref<8448x128xf32, #tpu.memory_space<hbm>> -> memref<8448x128xf32, #tpu.memory_space<hbm>>
    tpu.enqueue_indirect_dma source(%dma_start3A_27 : memref<8448x128xf32, #tpu.memory_space<hbm>>) target(%dma_start3A_21 : memref<64x128xf32, #tpu.memory_space<vmem>>) offsets(%dma_start3A_24 : memref<64xi32, #tpu.memory_space<vmem>>) semaphore(%arg10 : memref<!tpu.dma_semaphore, #tpu.memory_space<semaphore_mem>>)
    %dma_start3A_28 = arith.constant 2 : i32
    %dma_start3A_29 = arith.constant 128 : i32
    %dma_start3A_30 = arith.constant 0 : i32
    %dma_start3A_31 = tpu.memref_slice %arg9[%dma_start3A_29, %dma_start3A_30] : memref<256x128xf32, #tpu.memory_space<vmem>> -> memref<64x128xf32, #tpu.memory_space<vmem>>
    %dma_start3A_32 = arith.constant 0 : i32
    %dma_start3A_33 = tpu.memref_slice %arg8[%dma_start3A_28, %dma_start3A_32] : memref<4x64xi32, #tpu.memory_space<vmem>> -> memref<1x64xi32, #tpu.memory_space<vmem>>
    %dma_start3A_34 = tpu.memref_squeeze %dma_start3A_33 : memref<1x64xi32, #tpu.memory_space<vmem>> -> memref<64xi32, #tpu.memory_space<vmem>>
    %dma_start3A_35 = arith.constant 0 : i32
    %dma_start3A_36 = arith.constant 0 : i32
    %dma_start3A_37 = tpu.memref_slice %arg4[%dma_start3A_35, %dma_start3A_36] : memref<8448x128xf32, #tpu.memory_space<hbm>> -> memref<8448x128xf32, #tpu.memory_space<hbm>>
    tpu.enqueue_indirect_dma source(%dma_start3A_37 : memref<8448x128xf32, #tpu.memory_space<hbm>>) target(%dma_start3A_31 : memref<64x128xf32, #tpu.memory_space<vmem>>) offsets(%dma_start3A_34 : memref<64xi32, #tpu.memory_space<vmem>>) semaphore(%arg10 : memref<!tpu.dma_semaphore, #tpu.memory_space<semaphore_mem>>)
    %dma_start3A_38 = arith.constant 3 : i32
    %dma_start3A_39 = arith.constant 192 : i32
    %dma_start3A_40 = arith.constant 0 : i32
    %dma_start3A_41 = tpu.memref_slice %arg9[%dma_start3A_39, %dma_start3A_40] : memref<256x128xf32, #tpu.memory_space<vmem>> -> memref<64x128xf32, #tpu.memory_space<vmem>>
    %dma_start3A_42 = arith.constant 0 : i32
    %dma_start3A_43 = tpu.memref_slice %arg8[%dma_start3A_38, %dma_start3A_42] : memref<4x64xi32, #tpu.memory_space<vmem>> -> memref<1x64xi32, #tpu.memory_space<vmem>>
    %dma_start3A_44 = tpu.memref_squeeze %dma_start3A_43 : memref<1x64xi32, #tpu.memory_space<vmem>> -> memref<64xi32, #tpu.memory_space<vmem>>
    %dma_start3A_45 = arith.constant 0 : i32
    %dma_start3A_46 = arith.constant 0 : i32
    %dma_start3A_47 = tpu.memref_slice %arg4[%dma_start3A_45, %dma_start3A_46] : memref<8448x128xf32, #tpu.memory_space<hbm>> -> memref<8448x128xf32, #tpu.memory_space<hbm>>
    tpu.enqueue_indirect_dma source(%dma_start3A_47 : memref<8448x128xf32, #tpu.memory_space<hbm>>) target(%dma_start3A_41 : memref<64x128xf32, #tpu.memory_space<vmem>>) offsets(%dma_start3A_44 : memref<64xi32, #tpu.memory_space<vmem>>) semaphore(%arg10 : memref<!tpu.dma_semaphore, #tpu.memory_space<semaphore_mem>>)
    %dma_wait3A = arith.constant 0 : i32
    %dma_wait3A_48 = arith.constant 0 : i32
    %dma_wait3A_49 = tpu.memref_slice %arg4[%dma_wait3A, %dma_wait3A_48] : memref<8448x128xf32, #tpu.memory_space<hbm>> -> memref<256x128xf32, #tpu.memory_space<hbm>>
    %dma_wait3A_50 = arith.constant 0 : i32
    %dma_wait3A_51 = arith.constant 0 : i32
    %dma_wait3A_52 = tpu.memref_slice %arg4[%dma_wait3A_50, %dma_wait3A_51] : memref<8448x128xf32, #tpu.memory_space<hbm>> -> memref<256x128xf32, #tpu.memory_space<hbm>>
    tpu.wait_dma2 semaphore(%arg10 : memref<!tpu.dma_semaphore, #tpu.memory_space<semaphore_mem>>) src(%dma_wait3A_52 : memref<256x128xf32, #tpu.memory_space<hbm>>) dst(%arg9 : memref<256x128xf32, #tpu.memory_space<vmem>>)
    %mul3A_53 = arith.constant 256 : i32
    %mul3A_54 = arith.muli %add3A, %mul3A_53 : i32
    "tpu.region"() ({
      %run_scoped3A = tpu.sem_alloc : memref<!tpu.dma_semaphore, #tpu.memory_space<semaphore_mem>>
      %dma_start3A_55 = arith.constant 0 : i32
      %dma_start3A_56 = tpu.memref_slice %arg5[%mul3A_54, %dma_start3A_55] : memref<8192x128xf32, #tpu.memory_space<hbm>> -> memref<256x128xf32, #tpu.memory_space<hbm>>
      %dma_start3A_57 = arith.constant 0 : i32
      %dma_start3A_58 = tpu.memref_slice %arg5[%mul3A_54, %dma_start3A_57] : memref<8192x128xf32, #tpu.memory_space<hbm>> -> memref<256x128xf32, #tpu.memory_space<hbm>>
      tpu.enqueue_dma source(%arg9 : memref<256x128xf32, #tpu.memory_space<vmem>>) target(%dma_start3A_58 : memref<256x128xf32, #tpu.memory_space<hbm>>) target_semaphore(%run_scoped3A : memref<!tpu.dma_semaphore, #tpu.memory_space<semaphore_mem>>)
      %dma_wait3A_59 = arith.constant 0 : i32
      %dma_wait3A_60 = tpu.memref_slice %arg5[%mul3A_54, %dma_wait3A_59] : memref<8192x128xf32, #tpu.memory_space<hbm>> -> memref<256x128xf32, #tpu.memory_space<hbm>>
      %dma_wait3A_61 = arith.constant 0 : i32
      %dma_wait3A_62 = tpu.memref_slice %arg5[%mul3A_54, %dma_wait3A_61] : memref<8192x128xf32, #tpu.memory_space<hbm>> -> memref<256x128xf32, #tpu.memory_space<hbm>>
      tpu.wait_dma2 semaphore(%run_scoped3A : memref<!tpu.dma_semaphore, #tpu.memory_space<semaphore_mem>>) src(%arg9 : memref<256x128xf32, #tpu.memory_space<vmem>>) dst(%dma_wait3A_62 : memref<256x128xf32, #tpu.memory_space<hbm>>)
      tpu.yield
    }) : () -> ()
    return
  }
}

module attributes {stable_mosaic.version = 14 : i64} {
  func.func @_drug_body(%arg0: memref<4096x128xf32, #tpu.memory_space<vmem>>, %arg1: memref<128x128xf32, #tpu.memory_space<vmem>>, %arg2: memref<1x128xf32, #tpu.memory_space<vmem>>, %arg3: memref<4096x128xf32, #tpu.memory_space<vmem>>) attributes {dimension_semantics = [], scalar_prefetch = 0 : i64, scratch_operands = 0 : i64, tpu.core_type = #tpu.core_type<tc>} {
    %get3A = arith.constant 0 : index
    %get3A_0 = arith.constant 0 : index
    %get3A_1 = vector.load %arg0[%get3A, %get3A_0] : memref<4096x128xf32, #tpu.memory_space<vmem>>, vector<4096x128xf32>
    %get3A_2 = arith.constant 0 : index
    %get3A_3 = arith.constant 0 : index
    %get3A_4 = vector.load %arg1[%get3A_2, %get3A_3] : memref<128x128xf32, #tpu.memory_space<vmem>>, vector<128x128xf32>
    %dot_general3A = arith.constant dense<0.000000e+00> : vector<4096x128xf32>
    %dot_general3A_5 = tpu.matmul %get3A_1, %get3A_4, %dot_general3A {dimension_numbers = #tpu.dot_dimension_numbers<[1], [0], [0], [1], [0, 0, 1, 1], [], []>, transpose_lhs_hint = false} : vector<4096x128xf32>, vector<128x128xf32>, vector<4096x128xf32> -> vector<4096x128xf32>
    %get3A_6 = arith.constant 0 : index
    %get3A_7 = arith.constant 0 : index
    %get3A_8 = vector.load %arg2[%get3A_6, %get3A_7] : memref<1x128xf32, #tpu.memory_space<vmem>>, vector<1x128xf32>
    %add3A = vector.broadcast %get3A_8 : vector<1x128xf32> to vector<4096x128xf32>
    %add3A_9 = arith.addf %dot_general3A_5, %add3A : vector<4096x128xf32>
    %swap3A = arith.constant 0 : index
    %swap3A_10 = arith.constant 0 : index
    %swap3A_11 = vector.load %arg3[%swap3A, %swap3A_10] : memref<4096x128xf32, #tpu.memory_space<vmem>>, vector<4096x128xf32>
    tpu.vector_store %arg3[%swap3A, %swap3A_10], %add3A_9 {strides = array<i32>} : memref<4096x128xf32, #tpu.memory_space<vmem>>, vector<4096x128xf32>,
    return
  }
}

module attributes {stable_mosaic.version = 14 : i64} {
  func.func @_left_body(%arg0: i32, %arg1: memref<512x128xf32, #tpu.memory_space<vmem>>, %arg2: memref<512x128xf32, #tpu.memory_space<vmem>>, %arg3: memref<256x1024xf32, #tpu.memory_space<vmem>>, %arg4: memref<1x1024xf32, #tpu.memory_space<vmem>>, %arg5: memref<1024x512xf32, #tpu.memory_space<vmem>>, %arg6: memref<1x512xf32, #tpu.memory_space<vmem>>, %arg7: memref<512x1xf32, #tpu.memory_space<vmem>>, %arg8: memref<1x1xf32, #tpu.memory_space<vmem>>, %arg9: memref<512x1xf32, #tpu.memory_space<vmem>>) attributes {dimension_semantics = [#tpu.dimension_semantics<arbitrary>], iteration_bounds = array<i64: 8>, scalar_prefetch = 0 : i64, scratch_operands = 0 : i64, tpu.core_type = #tpu.core_type<tc>, window_params = [{transform_indices = @transform_0, window_bounds = array<i64: 512, 128>}, {transform_indices = @transform_1, window_bounds = array<i64: 512, 128>}, {pipeline_mode = #tpu.pipeline_mode<synchronous>, transform_indices = @transform_2, window_bounds = array<i64: 256, 1024>}, {pipeline_mode = #tpu.pipeline_mode<synchronous>, transform_indices = @transform_3, window_bounds = array<i64: 1, 1024>}, {pipeline_mode = #tpu.pipeline_mode<synchronous>, transform_indices = @transform_4, window_bounds = array<i64: 1024, 512>}, {pipeline_mode = #tpu.pipeline_mode<synchronous>, transform_indices = @transform_5, window_bounds = array<i64: 1, 512>}, {pipeline_mode = #tpu.pipeline_mode<synchronous>, transform_indices = @transform_6, window_bounds = array<i64: 512, 1>}, {pipeline_mode = #tpu.pipeline_mode<synchronous>, transform_indices = @transform_7, window_bounds = array<i64: 1, 1>}, {transform_indices = @transform_8, window_bounds = array<i64: 512, 1>}]} {
    %get3A = arith.constant 0 : index
    %get3A_0 = arith.constant 0 : index
    %get3A_1 = vector.load %arg1[%get3A, %get3A_0] : memref<512x128xf32, #tpu.memory_space<vmem>>, vector<512x128xf32>
    %get3A_2 = arith.constant 0 : index
    %get3A_3 = arith.constant 0 : index
    %get3A_4 = vector.load %arg3[%get3A_2, %get3A_3] : memref<256x1024xf32, #tpu.memory_space<vmem>>, vector<128x1024xf32>
    %dot_general3A = arith.constant dense<0.000000e+00> : vector<512x1024xf32>
    %dot_general3A_5 = tpu.matmul %get3A_1, %get3A_4, %dot_general3A {dimension_numbers = #tpu.dot_dimension_numbers<[1], [0], [0], [1], [0, 0, 1, 1], [], []>, transpose_lhs_hint = false} : vector<512x128xf32>, vector<128x1024xf32>, vector<512x1024xf32> -> vector<512x1024xf32>
    %get3A_6 = arith.constant 0 : index
    %get3A_7 = arith.constant 0 : index
    %get3A_8 = vector.load %arg2[%get3A_6, %get3A_7] : memref<512x128xf32, #tpu.memory_space<vmem>>, vector<512x128xf32>
    %get3A_9 = arith.constant 128 : index
    %get3A_10 = arith.constant 0 : index
    %get3A_11 = vector.load %arg3[%get3A_9, %get3A_10] : memref<256x1024xf32, #tpu.memory_space<vmem>>, vector<128x1024xf32>
    %dot_general3A_12 = arith.constant dense<0.000000e+00> : vector<512x1024xf32>
    %dot_general3A_13 = tpu.matmul %get3A_8, %get3A_11, %dot_general3A_12 {dimension_numbers = #tpu.dot_dimension_numbers<[1], [0], [0], [1], [0, 0, 1, 1], [], []>, transpose_lhs_hint = false} : vector<512x128xf32>, vector<128x1024xf32>, vector<512x1024xf32> -> vector<512x1024xf32>
    %add3A = arith.addf %dot_general3A_5, %dot_general3A_13 : vector<512x1024xf32>
    %get3A_14 = arith.constant 0 : index
    %get3A_15 = arith.constant 0 : index
    %get3A_16 = vector.load %arg4[%get3A_14, %get3A_15] : memref<1x1024xf32, #tpu.memory_space<vmem>>, vector<1x1024xf32>
    %add3A_17 = vector.broadcast %get3A_16 : vector<1x1024xf32> to vector<512x1024xf32>
    %add3A_18 = arith.addf %add3A, %add3A_17 : vector<512x1024xf32>
    %max3A = arith.constant 0.000000e+00 : f32
    %max3A_19 = vector.broadcast %max3A : f32 to vector<512x1024xf32>
    %max3A_20 = arith.maximumf %add3A_18, %max3A_19 : vector<512x1024xf32>
    %get3A_21 = arith.constant 0 : index
    %get3A_22 = arith.constant 0 : index
    %get3A_23 = vector.load %arg5[%get3A_21, %get3A_22] : memref<1024x512xf32, #tpu.memory_space<vmem>>, vector<1024x512xf32>
    %dot_general3A_24 = arith.constant dense<0.000000e+00> : vector<512x512xf32>
    %dot_general3A_25 = tpu.matmul %max3A_20, %get3A_23, %dot_general3A_24 {dimension_numbers = #tpu.dot_dimension_numbers<[1], [0], [0], [1], [0, 0, 1, 1], [], []>, transpose_lhs_hint = false} : vector<512x1024xf32>, vector<1024x512xf32>, vector<512x512xf32> -> vector<512x512xf32>
    %get3A_26 = arith.constant 0 : index
    %get3A_27 = arith.constant 0 : index
    %get3A_28 = vector.load %arg6[%get3A_26, %get3A_27] : memref<1x512xf32, #tpu.memory_space<vmem>>, vector<1x512xf32>
    %add3A_29 = vector.broadcast %get3A_28 : vector<1x512xf32> to vector<512x512xf32>
    %add3A_30 = arith.addf %dot_general3A_25, %add3A_29 : vector<512x512xf32>
    %max3A_31 = arith.constant 0.000000e+00 : f32
    %max3A_32 = vector.broadcast %max3A_31 : f32 to vector<512x512xf32>
    %max3A_33 = arith.maximumf %add3A_30, %max3A_32 : vector<512x512xf32>
    %get3A_34 = arith.constant 0 : index
    %get3A_35 = arith.constant 0 : index
    %get3A_36 = vector.load %arg7[%get3A_34, %get3A_35] : memref<512x1xf32, #tpu.memory_space<vmem>>, vector<512x1xf32>
    %dot_general3A_37 = arith.constant dense<0.000000e+00> : vector<512x1xf32>
    %dot_general3A_38 = tpu.matmul %max3A_33, %get3A_36, %dot_general3A_37 {dimension_numbers = #tpu.dot_dimension_numbers<[1], [0], [0], [1], [0, 0, 1, 1], [], []>, transpose_lhs_hint = false} : vector<512x512xf32>, vector<512x1xf32>, vector<512x1xf32> -> vector<512x1xf32>
    %get3A_39 = arith.constant 0 : index
    %get3A_40 = arith.constant 0 : index
    %get3A_41 = vector.load %arg8[%get3A_39, %get3A_40] : memref<1x1xf32, #tpu.memory_space<vmem>>, vector<1x1xf32>
    %add3A_42 = vector.broadcast %get3A_41 : vector<1x1xf32> to vector<512x1xf32>
    %add3A_43 = arith.addf %dot_general3A_38, %add3A_42 : vector<512x1xf32>
    %swap3A = arith.constant 0 : index
    %swap3A_44 = arith.constant 0 : index
    %swap3A_45 = vector.load %arg9[%swap3A, %swap3A_44] : memref<512x1xf32, #tpu.memory_space<vmem>>, vector<512x1xf32>
    tpu.vector_store %arg9[%swap3A, %swap3A_44], %add3A_43 {strides = array<i32>} : memref<512x1xf32, #tpu.memory_space<vmem>>, vector<512x1xf32>,
    return
  }
  func.func @transform_0(%arg0: i32) -> (i32, i32) {
    %c0_i32 = arith.constant 0 : i32
    %c0_i32_0 = arith.constant 0 : i32
    return %arg0, %c0_i32 : i32, i32
  }
  func.func @transform_1(%arg0: i32) -> (i32, i32) {
    %c0_i32 = arith.constant 0 : i32
    %c0_i32_0 = arith.constant 0 : i32
    return %arg0, %c0_i32 : i32, i32
  }
  func.func @transform_2(%arg0: i32) -> (i32, i32) {
    %c0_i32 = arith.constant 0 : i32
    %c0_i32_0 = arith.constant 0 : i32
    %c0_i32_1 = arith.constant 0 : i32
    return %c0_i32, %c0_i32_0 : i32, i32
  }
  func.func @transform_3(%arg0: i32) -> (i32, i32) {
    %c0_i32 = arith.constant 0 : i32
    %c0_i32_0 = arith.constant 0 : i32
    %c0_i32_1 = arith.constant 0 : i32
    return %c0_i32, %c0_i32_0 : i32, i32
  }
  func.func @transform_4(%arg0: i32) -> (i32, i32) {
    %c0_i32 = arith.constant 0 : i32
    %c0_i32_0 = arith.constant 0 : i32
    %c0_i32_1 = arith.constant 0 : i32
    return %c0_i32, %c0_i32_0 : i32, i32
  }
  func.func @transform_5(%arg0: i32) -> (i32, i32) {
    %c0_i32 = arith.constant 0 : i32
    %c0_i32_0 = arith.constant 0 : i32
    %c0_i32_1 = arith.constant 0 : i32
    return %c0_i32, %c0_i32_0 : i32, i32
  }
  func.func @transform_6(%arg0: i32) -> (i32, i32) {
    %c0_i32 = arith.constant 0 : i32
    %c0_i32_0 = arith.constant 0 : i32
    %c0_i32_1 = arith.constant 0 : i32
    return %c0_i32, %c0_i32_0 : i32, i32
  }
  func.func @transform_7(%arg0: i32) -> (i32, i32) {
    %c0_i32 = arith.constant 0 : i32
    %c0_i32_0 = arith.constant 0 : i32
    %c0_i32_1 = arith.constant 0 : i32
    return %c0_i32, %c0_i32_0 : i32, i32
  }
  func.func @transform_8(%arg0: i32) -> (i32, i32) {
    %c0_i32 = arith.constant 0 : i32
    %c0_i32_0 = arith.constant 0 : i32
    return %arg0, %c0_i32 : i32, i32
  }
}

module attributes {stable_mosaic.version = 14 : i64} {
  func.func @_main_body(%arg0: i32, %arg1: memref<512x128xf32, #tpu.memory_space<vmem>>, %arg2: memref<512x128xf32, #tpu.memory_space<vmem>>, %arg3: memref<512x1xf32, #tpu.memory_space<vmem>>, %arg4: memref<128x1024xf32, #tpu.memory_space<vmem>>, %arg5: memref<1x1024xf32, #tpu.memory_space<vmem>>, %arg6: memref<2048x1024xf32, #tpu.memory_space<vmem>>, %arg7: memref<1x1024xf32, #tpu.memory_space<vmem>>, %arg8: memref<1024x512xf32, #tpu.memory_space<vmem>>, %arg9: memref<1x512xf32, #tpu.memory_space<vmem>>, %arg10: memref<512x1xf32, #tpu.memory_space<vmem>>, %arg11: memref<1x1xf32, #tpu.memory_space<vmem>>, %arg12: memref<2x1xf32, #tpu.memory_space<vmem>>, %arg13: memref<1x1xf32, #tpu.memory_space<vmem>>, %arg14: memref<512x1xf32, #tpu.memory_space<vmem>>) attributes {dimension_semantics = [#tpu.dimension_semantics<arbitrary>], iteration_bounds = array<i64: 8>, scalar_prefetch = 0 : i64, scratch_operands = 0 : i64, tpu.core_type = #tpu.core_type<tc>, window_params = [{transform_indices = @transform_0, window_bounds = array<i64: 512, 128>}, {transform_indices = @transform_1, window_bounds = array<i64: 512, 128>}, {transform_indices = @transform_2, window_bounds = array<i64: 512, 1>}, {pipeline_mode = #tpu.pipeline_mode<synchronous>, transform_indices = @transform_3, window_bounds = array<i64: 128, 1024>}, {pipeline_mode = #tpu.pipeline_mode<synchronous>, transform_indices = @transform_4, window_bounds = array<i64: 1, 1024>}, {pipeline_mode = #tpu.pipeline_mode<synchronous>, transform_indices = @transform_5, window_bounds = array<i64: 2048, 1024>}, {pipeline_mode = #tpu.pipeline_mode<synchronous>, transform_indices = @transform_6, window_bounds = array<i64: 1, 1024>}, {pipeline_mode = #tpu.pipeline_mode<synchronous>, transform_indices = @transform_7, window_bounds = array<i64: 1024, 512>}, {pipeline_mode = #tpu.pipeline_mode<synchronous>, transform_indices = @transform_8, window_bounds = array<i64: 1, 512>}, {pipeline_mode = #tpu.pipeline_mode<synchronous>, transform_indices = @transform_9, window_bounds = array<i64: 512, 1>}, {pipeline_mode = #tpu.pipeline_mode<synchronous>, transform_indices = @transform_10, window_bounds = array<i64: 1, 1>}, {pipeline_mode = #tpu.pipeline_mode<synchronous>, transform_indices = @transform_11, window_bounds = array<i64: 2, 1>}, {pipeline_mode = #tpu.pipeline_mode<synchronous>, transform_indices = @transform_12, window_bounds = array<i64: 1, 1>}, {transform_indices = @transform_13, window_bounds = array<i64: 512, 1>}]} {
    %get3A = arith.constant 0 : index
    %get3A_0 = arith.constant 0 : index
    %get3A_1 = vector.load %arg1[%get3A, %get3A_0] : memref<512x128xf32, #tpu.memory_space<vmem>>, vector<512x128xf32>
    %get3A_2 = arith.constant 0 : index
    %get3A_3 = arith.constant 0 : index
    %get3A_4 = vector.load %arg4[%get3A_2, %get3A_3] : memref<128x1024xf32, #tpu.memory_space<vmem>>, vector<128x1024xf32>
    %dot_general3A = arith.constant dense<0.000000e+00> : vector<512x1024xf32>
    %dot_general3A_5 = tpu.matmul %get3A_1, %get3A_4, %dot_general3A {dimension_numbers = #tpu.dot_dimension_numbers<[1], [0], [0], [1], [0, 0, 1, 1], [], []>, transpose_lhs_hint = false} : vector<512x128xf32>, vector<128x1024xf32>, vector<512x1024xf32> -> vector<512x1024xf32>
    %get3A_6 = arith.constant 0 : index
    %get3A_7 = arith.constant 0 : index
    %get3A_8 = vector.load %arg5[%get3A_6, %get3A_7] : memref<1x1024xf32, #tpu.memory_space<vmem>>, vector<1x1024xf32>
    %add3A = vector.broadcast %get3A_8 : vector<1x1024xf32> to vector<512x1024xf32>
    %add3A_9 = arith.addf %dot_general3A_5, %add3A : vector<512x1024xf32>
    %max3A = arith.constant 0.000000e+00 : f32
    %max3A_10 = vector.broadcast %max3A : f32 to vector<512x1024xf32>
    %max3A_11 = arith.maximumf %add3A_9, %max3A_10 : vector<512x1024xf32>
    %get3A_12 = arith.constant 0 : index
    %get3A_13 = arith.constant 0 : index
    %get3A_14 = vector.load %arg2[%get3A_12, %get3A_13] : memref<512x128xf32, #tpu.memory_space<vmem>>, vector<512x128xf32>
    %get3A_15 = arith.constant 0 : index
    %get3A_16 = arith.constant 0 : index
    %get3A_17 = vector.load %arg4[%get3A_15, %get3A_16] : memref<128x1024xf32, #tpu.memory_space<vmem>>, vector<128x1024xf32>
    %dot_general3A_18 = arith.constant dense<0.000000e+00> : vector<512x1024xf32>
    %dot_general3A_19 = tpu.matmul %get3A_14, %get3A_17, %dot_general3A_18 {dimension_numbers = #tpu.dot_dimension_numbers<[1], [0], [0], [1], [0, 0, 1, 1], [], []>, transpose_lhs_hint = false} : vector<512x128xf32>, vector<128x1024xf32>, vector<512x1024xf32> -> vector<512x1024xf32>
    %get3A_20 = arith.constant 0 : index
    %get3A_21 = arith.constant 0 : index
    %get3A_22 = vector.load %arg5[%get3A_20, %get3A_21] : memref<1x1024xf32, #tpu.memory_space<vmem>>, vector<1x1024xf32>
    %add3A_23 = vector.broadcast %get3A_22 : vector<1x1024xf32> to vector<512x1024xf32>
    %add3A_24 = arith.addf %dot_general3A_19, %add3A_23 : vector<512x1024xf32>
    %max3A_25 = arith.constant 0.000000e+00 : f32
    %max3A_26 = vector.broadcast %max3A_25 : f32 to vector<512x1024xf32>
    %max3A_27 = arith.maximumf %add3A_24, %max3A_26 : vector<512x1024xf32>
    %get3A_28 = arith.constant 0 : index
    %get3A_29 = arith.constant 0 : index
    %get3A_30 = vector.load %arg6[%get3A_28, %get3A_29] : memref<2048x1024xf32, #tpu.memory_space<vmem>>, vector<1024x1024xf32>
    %dot_general3A_31 = arith.constant dense<0.000000e+00> : vector<512x1024xf32>
    %dot_general3A_32 = tpu.matmul %max3A_11, %get3A_30, %dot_general3A_31 {dimension_numbers = #tpu.dot_dimension_numbers<[1], [0], [0], [1], [0, 0, 1, 1], [], []>, transpose_lhs_hint = false} : vector<512x1024xf32>, vector<1024x1024xf32>, vector<512x1024xf32> -> vector<512x1024xf32>
    %get3A_33 = arith.constant 1024 : index
    %get3A_34 = arith.constant 0 : index
    %get3A_35 = vector.load %arg6[%get3A_33, %get3A_34] : memref<2048x1024xf32, #tpu.memory_space<vmem>>, vector<1024x1024xf32>
    %dot_general3A_36 = arith.constant dense<0.000000e+00> : vector<512x1024xf32>
    %dot_general3A_37 = tpu.matmul %max3A_27, %get3A_35, %dot_general3A_36 {dimension_numbers = #tpu.dot_dimension_numbers<[1], [0], [0], [1], [0, 0, 1, 1], [], []>, transpose_lhs_hint = false} : vector<512x1024xf32>, vector<1024x1024xf32>, vector<512x1024xf32> -> vector<512x1024xf32>
    %add3A_38 = arith.addf %dot_general3A_32, %dot_general3A_37 : vector<512x1024xf32>
    %get3A_39 = arith.constant 0 : index
    %get3A_40 = arith.constant 0 : index
    %get3A_41 = vector.load %arg7[%get3A_39, %get3A_40] : memref<1x1024xf32, #tpu.memory_space<vmem>>, vector<1x1024xf32>
    %add3A_42 = vector.broadcast %get3A_41 : vector<1x1024xf32> to vector<512x1024xf32>
    %add3A_43 = arith.addf %add3A_38, %add3A_42 : vector<512x1024xf32>
    %max3A_44 = arith.constant 0.000000e+00 : f32
    %max3A_45 = vector.broadcast %max3A_44 : f32 to vector<512x1024xf32>
    %max3A_46 = arith.maximumf %add3A_43, %max3A_45 : vector<512x1024xf32>
    %get3A_47 = arith.constant 0 : index
    %get3A_48 = arith.constant 0 : index
    %get3A_49 = vector.load %arg8[%get3A_47, %get3A_48] : memref<1024x512xf32, #tpu.memory_space<vmem>>, vector<1024x512xf32>
    %dot_general3A_50 = arith.constant dense<0.000000e+00> : vector<512x512xf32>
    %dot_general3A_51 = tpu.matmul %max3A_46, %get3A_49, %dot_general3A_50 {dimension_numbers = #tpu.dot_dimension_numbers<[1], [0], [0], [1], [0, 0, 1, 1], [], []>, transpose_lhs_hint = false} : vector<512x1024xf32>, vector<1024x512xf32>, vector<512x512xf32> -> vector<512x512xf32>
    %get3A_52 = arith.constant 0 : index
    %get3A_53 = arith.constant 0 : index
    %get3A_54 = vector.load %arg9[%get3A_52, %get3A_53] : memref<1x512xf32, #tpu.memory_space<vmem>>, vector<1x512xf32>
    %add3A_55 = vector.broadcast %get3A_54 : vector<1x512xf32> to vector<512x512xf32>
    %add3A_56 = arith.addf %dot_general3A_51, %add3A_55 : vector<512x512xf32>
    %max3A_57 = arith.constant 0.000000e+00 : f32
    %max3A_58 = vector.broadcast %max3A_57 : f32 to vector<512x512xf32>
    %max3A_59 = arith.maximumf %add3A_56, %max3A_58 : vector<512x512xf32>
    %get3A_60 = arith.constant 0 : index
    %get3A_61 = arith.constant 0 : index
    %get3A_62 = vector.load %arg10[%get3A_60, %get3A_61] : memref<512x1xf32, #tpu.memory_space<vmem>>, vector<512x1xf32>
    %dot_general3A_63 = arith.constant dense<0.000000e+00> : vector<512x1xf32>
    %dot_general3A_64 = tpu.matmul %max3A_59, %get3A_62, %dot_general3A_63 {dimension_numbers = #tpu.dot_dimension_numbers<[1], [0], [0], [1], [0, 0, 1, 1], [], []>, transpose_lhs_hint = false} : vector<512x512xf32>, vector<512x1xf32>, vector<512x1xf32> -> vector<512x1xf32>
    %get3A_65 = arith.constant 0 : index
    %get3A_66 = arith.constant 0 : index
    %get3A_67 = vector.load %arg11[%get3A_65, %get3A_66] : memref<1x1xf32, #tpu.memory_space<vmem>>, vector<1x1xf32>
    %add3A_68 = vector.broadcast %get3A_67 : vector<1x1xf32> to vector<512x1xf32>
    %add3A_69 = arith.addf %dot_general3A_64, %add3A_68 : vector<512x1xf32>
    %get3A_70 = arith.constant 0 : index
    %get3A_71 = arith.constant 0 : index
    %get3A_72 = vector.load %arg3[%get3A_70, %get3A_71] : memref<512x1xf32, #tpu.memory_space<vmem>>, vector<512x1xf32>
    %get3A_73 = arith.constant 0 : index
    %get3A_74 = arith.constant 0 : index
    %get3A_75 = vector.load %arg12[%get3A_73, %get3A_74] : memref<2x1xf32, #tpu.memory_space<vmem>>, vector<1x1xf32>
    %get3A_76 = vector.extract %get3A_75[0, 0] : f32 from vector<1x1xf32>
    %mul3A = vector.broadcast %get3A_76 : f32 to vector<512x1xf32>
    %mul3A_77 = arith.mulf %get3A_72, %mul3A : vector<512x1xf32>
    %get3A_78 = arith.constant 1 : index
    %get3A_79 = arith.constant 0 : index
    %get3A_80 = vector.load %arg12[%get3A_78, %get3A_79] : memref<2x1xf32, #tpu.memory_space<vmem>>, vector<1x1xf32>
    %get3A_81 = vector.extract %get3A_80[0, 0] : f32 from vector<1x1xf32>
    %mul3A_82 = vector.broadcast %get3A_81 : f32 to vector<512x1xf32>
    %mul3A_83 = arith.mulf %add3A_69, %mul3A_82 : vector<512x1xf32>
    %add3A_84 = arith.addf %mul3A_77, %mul3A_83 : vector<512x1xf32>
    %get3A_85 = arith.constant 0 : index
    %get3A_86 = arith.constant 0 : index
    %get3A_87 = vector.load %arg13[%get3A_85, %get3A_86] : memref<1x1xf32, #tpu.memory_space<vmem>>, vector<1x1xf32>
    %get3A_88 = vector.extract %get3A_87[0, 0] : f32 from vector<1x1xf32>
    %add3A_89 = vector.broadcast %get3A_88 : f32 to vector<512x1xf32>
    %add3A_90 = arith.addf %add3A_84, %add3A_89 : vector<512x1xf32>
    %swap3A = arith.constant 0 : index
    %swap3A_91 = arith.constant 0 : index
    %swap3A_92 = vector.load %arg14[%swap3A, %swap3A_91] : memref<512x1xf32, #tpu.memory_space<vmem>>, vector<512x1xf32>
    tpu.vector_store %arg14[%swap3A, %swap3A_91], %add3A_90 {strides = array<i32>} : memref<512x1xf32, #tpu.memory_space<vmem>>, vector<512x1xf32>,
    return
  }
  func.func @transform_0(%arg0: i32) -> (i32, i32) {
    %c0_i32 = arith.constant 0 : i32
    %c0_i32_0 = arith.constant 0 : i32
    return %arg0, %c0_i32 : i32, i32
  }
  func.func @transform_1(%arg0: i32) -> (i32, i32) {
    %add3A = arith.constant 8 : i32
    %add3A_0 = arith.addi %arg0, %add3A : i32
    %c0_i32 = arith.constant 0 : i32
    %c0_i32_1 = arith.constant 0 : i32
    return %add3A_0, %c0_i32 : i32, i32
  }
  func.func @transform_2(%arg0: i32) -> (i32, i32) {
    %c0_i32 = arith.constant 0 : i32
    %c0_i32_0 = arith.constant 0 : i32
    return %arg0, %c0_i32 : i32, i32
  }
  func.func @transform_3(%arg0: i32) -> (i32, i32) {
    %c0_i32 = arith.constant 0 : i32
    %c0_i32_0 = arith.constant 0 : i32
    %c0_i32_1 = arith.constant 0 : i32
    return %c0_i32, %c0_i32_0 : i32, i32
  }
  func.func @transform_4(%arg0: i32) -> (i32, i32) {
    %c0_i32 = arith.constant 0 : i32
    %c0_i32_0 = arith.constant 0 : i32
    %c0_i32_1 = arith.constant 0 : i32
    return %c0_i32, %c0_i32_0 : i32, i32
  }
  func.func @transform_5(%arg0: i32) -> (i32, i32) {
    %c0_i32 = arith.constant 0 : i32
    %c0_i32_0 = arith.constant 0 : i32
    %c0_i32_1 = arith.constant 0 : i32
    return %c0_i32, %c0_i32_0 : i32, i32
  }
  func.func @transform_6(%arg0: i32) -> (i32, i32) {
    %c0_i32 = arith.constant 0 : i32
    %c0_i32_0 = arith.constant 0 : i32
    %c0_i32_1 = arith.constant 0 : i32
    return %c0_i32, %c0_i32_0 : i32, i32
  }
  func.func @transform_7(%arg0: i32) -> (i32, i32) {
    %c0_i32 = arith.constant 0 : i32
    %c0_i32_0 = arith.constant 0 : i32
    %c0_i32_1 = arith.constant 0 : i32
    return %c0_i32, %c0_i32_0 : i32, i32
  }
  func.func @transform_8(%arg0: i32) -> (i32, i32) {
    %c0_i32 = arith.constant 0 : i32
    %c0_i32_0 = arith.constant 0 : i32
    %c0_i32_1 = arith.constant 0 : i32
    return %c0_i32, %c0_i32_0 : i32, i32
  }
  func.func @transform_9(%arg0: i32) -> (i32, i32) {
    %c0_i32 = arith.constant 0 : i32
    %c0_i32_0 = arith.constant 0 : i32
    %c0_i32_1 = arith.constant 0 : i32
    return %c0_i32, %c0_i32_0 : i32, i32
  }
  func.func @transform_10(%arg0: i32) -> (i32, i32) {
    %c0_i32 = arith.constant 0 : i32
    %c0_i32_0 = arith.constant 0 : i32
    %c0_i32_1 = arith.constant 0 : i32
    return %c0_i32, %c0_i32_0 : i32, i32
  }
  func.func @transform_11(%arg0: i32) -> (i32, i32) {
    %c0_i32 = arith.constant 0 : i32
    %c0_i32_0 = arith.constant 0 : i32
    %c0_i32_1 = arith.constant 0 : i32
    return %c0_i32, %c0_i32_0 : i32, i32
  }
  func.func @transform_12(%arg0: i32) -> (i32, i32) {
    %c0_i32 = arith.constant 0 : i32
    %c0_i32_0 = arith.constant 0 : i32
    %c0_i32_1 = arith.constant 0 : i32
    return %c0_i32, %c0_i32_0 : i32, i32
  }
  func.func @transform_13(%arg0: i32) -> (i32, i32) {
    %c0_i32 = arith.constant 0 : i32
    %c0_i32_0 = arith.constant 0 : i32
    return %arg0, %c0_i32 : i32, i32
  }
}

</mosaic_0001>

<sc_bundles>
// kernel: gather_offload_async_start
scs
__scs_entry_jumppad:
0x0: {  	(pc) =	sbr.rel $0x88, $3  }
0x1: {  	(tag) =	ssettag $0x0;
	lr =	simm.s32 $0x1  }
0x2: {  	[smem:$0x3F89] =	sst lr;
	_ =	strace $0xD0000000  }
0x3: {  	_ = 	snop  }
0x4: {  	_ = 	snop  }
0x5: {  	_ = 	snop  }
0x6: {  	_ = 	snop  }
0x7: {  	_ = 	snop  }
__scs_overlays_trampoline_lowered:
0x8: {  	[smem:$0x3F98] =	sst s0  }
0x9: {  	[smem:$0x3F99] =	sst s1  }
0xa: {  	[smem:$0x3F9A] =	sst s2  }
0xb: {  	[smem:$0x3F9B] =	sst s3  }
0xc: {  	[smem:$0x3F9C] =	sst s4  }
0xd: {  	[smem:$0x3F9D] =	sst s5  }
0xe: {  	[smem:$0x3F9E] =	sst s6  }
0xf: {  	[smem:$0x3F9F] =	sst s7  }
0x10: {  	[smem:$0x3FA0] =	sst s8  }
0x11: {  	[smem:$0x3FA1] =	sst s9;
	s0 =	simm.s32 @!p0 $0x0  }
0x12: {  	s1 =	sld [smem:$0x3F87];
	s0 =	simm.s32 @p0 $0x1  }
0x13: {  	[smem:$0x3FA2] =	sst s0;
	s0 =	simm.s32 @!p1 $0x0  }
0x14: {  	s2 =	sld [smem:$0x3F86];
	s0 =	simm.s32 @p1 $0x1  }
0x15: {  	[smem:$0x3FA3] =	sst s0;
	s0 =	simm.s32 @!p2 $0x0  }
0x16: {  	s3 =	sld [smem:$0x3FDB];
	s0 =	simm.s32 @p2 $0x1  }
0x17: {  	s4 =	simm.s32 $0x1BF5;
	[smem:$0x3FA5] =	sst s0  }
0x18: {  	s0 =	sld [smem:$0x3F88];
	_ =	swait.ge [sflag:s4], $0x0  }
0x19: {  	s7 =	sld [smem:$0x3F89]  }
0x1a: {  	s8 =	sadd.s32 $0xFFFFE003, lr  }
0x1b: {  	s9 =	sadd.s32 $0xFFFFFEF7, lr;
	s5 =	simm.s32 $0xFFFFFFFF;
	p2 =	slt.u32 s8, $0xFFFFF086  }
0x1c: {  	p1 =	slt.u32 s9, $0xF7A;
	s5 =	simm.s32 @!p2 $0x0  }
0x1d: {  	s5 =	simm.s32 @p1 $0x1;
	p0 =	seq.s32 s7, s2  }
0x1e: {  	s7 =	smul.u32 @!p0 $0xF7A, s2;
	p2 =	seq.s32 @!p0 s5, $0x0  }
0x1f: {  	s9 =	smul.u32 $0xF7A, s1;
	s8 =	simm.s32 @!p0 $0x1BF5;
	p2 =	por !p2, p0  }
0x20: {  	[sflag:s8] =	ssyncset.s32 @!p0 $0xFFFFF086;
	s6 =	sadd.s32 @!p0 s3, s7;
	s7 =	simm.s32 @!p0 $0x108  }
0x21: {  	s3 =	sadd.s32 s3, s9;
	s6 =	sadd.s32 @!p0 $0x88, s6;
	s7 =	simm.s32 @p2 $0x1082  }
0x22: {  	[simem:s7], [sflag:s8] =	dma.local @!p0 [hbm:s6], $0xF7A  }
0x23: {  	s9 =	sor.u32 $0xD0000000, s2;
	s6 =	simm.s32 $0x108;
	_ =	swait.ge @!p0 [sflag:s8], $0x0  }
0x24: {  	s3 =	sadd.s32 $0x88, s3;
	s6 =	simm.s32 @!p1 $0x1082;
	[sflag:s4] =	ssyncset.s32 $0xFFFFF086  }
0x25: {  	[simem:s6], [sflag:s4] =	dma.local [hbm:s3], $0xF7A  }
0x26: {  	[smem:$0x3F89] =	sst s1;
	(tag) =	ssettag s2;
	_ =	strace s9  }
0x27: {  	s1 =	sld [smem:$0x3F99]  }
0x28: {  	s2 =	sld [smem:$0x3F9A]  }
0x29: {  	s4 =	sld [smem:$0x3F9C]  }
0x2a: {  	p0 =	seq.s32 s5, $0x0;
	s5 =	sld [smem:$0x3F9D]  }
0x2b: {  	s6 =	sld [smem:$0x3F9E]  }
0x2c: {  	s7 =	sld [smem:$0x3F9F]  }
0x2d: {  	s3 =	simm.s32 $0x108;
	s8 =	sld [smem:$0x3FA0]  }
0x2e: {  	s3 =	simm.s32 @!p0 $0x1082;
	s9 =	sld [smem:$0x3FA1]  }
0x2f: {  	lr =	sadd.s32 s0, s3;
	s0 =	sld [smem:$0x3F98]  }
0x30: {  	s3 =	sld [smem:$0x3F9B]  }
0x31: {  	[smem:$0x3FA4] =	sst s10  }
0x32: {  	s10 =	sld [smem:$0x3FA2];
	_ =	sdelay $0x3  }
0x33: {  	p0 =	seq.s32 s10, $0x1;
	s10 =	sld [smem:$0x3FA4];
	_ =	sdelay $0x3  }
0x34: {  	[smem:$0x3FA4] =	sst s10  }
0x35: {  	s10 =	sld [smem:$0x3FA3];
	_ =	sdelay $0x3  }
0x36: {  	p1 =	seq.s32 s10, $0x1;
	s10 =	sld [smem:$0x3FA4];
	_ =	sdelay $0x3  }
0x37: {  	[smem:$0x3FA4] =	sst s10  }
0x38: {  	s10 =	sld [smem:$0x3FA5]  }
0x39: {  	_ = 	snop;
	(pc) =	sbr.ind lr, $3  }
0x3a: {  	_ = 	snop  }
0x3b: {  	_ = 	snop  }
0x3c: {  	p2 =	seq.s32 s10, $0x1;
	s10 =	sld [smem:$0x3FA4]  }
0x3d: {  	_ =	shalt  }
0x3e: {  	_ =	shalt  }
0x3f: {  	_ =	shalt  }
0x40: {  	_ =	shalt  }
0x41: {  	_ =	shalt  }
0x42: {  	_ =	shalt  }
0x43: {  	_ =	shalt  }
0x44: {  	_ =	shalt  }
0x45: {  	_ =	shalt  }
0x46: {  	_ =	shalt  }
0x47: {  	_ =	shalt  }
0x48: {  	_ =	shalt  }
0x49: {  	_ =	shalt  }
0x4a: {  	_ =	shalt  }
0x4b: {  	_ =	shalt  }
0x4c: {  	_ =	shalt  }
0x4d: {  	_ =	shalt  }
0x4e: {  	_ =	shalt  }
0x4f: {  	_ =	shalt  }
0x50: {  	_ =	shalt  }
0x51: {  	_ =	shalt  }
0x52: {  	_ =	shalt  }
0x53: {  	_ =	shalt  }
0x54: {  	_ =	shalt  }
0x55: {  	_ =	shalt  }
0x56: {  	_ =	shalt  }
0x57: {  	_ =	shalt  }
0x58: {  	_ =	shalt  }
0x59: {  	_ =	shalt  }
0x5a: {  	_ =	shalt  }
0x5b: {  	_ =	shalt  }
0x5c: {  	_ =	shalt  }
0x5d: {  	_ =	shalt  }
0x5e: {  	_ =	shalt  }
0x5f: {  	_ =	shalt  }
0x60: {  	_ =	shalt  }
0x61: {  	_ =	shalt  }
0x62: {  	_ =	shalt  }
0x63: {  	_ =	shalt  }
0x64: {  	_ =	shalt  }
0x65: {  	_ =	shalt  }
0x66: {  	_ =	shalt  }
0x67: {  	_ =	shalt  }
0x68: {  	_ =	shalt  }
0x69: {  	_ =	shalt  }
0x6a: {  	_ =	shalt  }
0x6b: {  	_ =	shalt  }
0x6c: {  	_ =	shalt  }
0x6d: {  	_ =	shalt  }
0x6e: {  	_ =	shalt  }
0x6f: {  	_ =	shalt  }
0x70: {  	_ =	shalt  }
0x71: {  	_ =	shalt  }
0x72: {  	_ =	shalt  }
0x73: {  	_ =	shalt  }
0x74: {  	_ =	shalt  }
0x75: {  	_ =	shalt  }
0x76: {  	_ =	shalt  }
0x77: {  	_ =	shalt  }
0x78: {  	_ =	shalt  }
0x79: {  	_ =	shalt  }
0x7a: {  	_ =	shalt  }
0x7b: {  	_ =	shalt  }
0x7c: {  	_ =	shalt  }
0x7d: {  	_ =	shalt  }
0x7e: {  	_ =	shalt  }
0x7f: {  	_ =	shalt  }
0x80: {  	_ =	shalt  }
0x81: {  	_ =	shalt  }
0x82: {  	_ =	shalt  }
0x83: {  	_ =	shalt  }
0x84: {  	_ =	shalt  }
0x85: {  	_ =	shalt  }
0x86: {  	_ =	shalt  }
0x87: {  	_ =	shalt  }
.Lfunc_end0:
.L_simem_size_0:
called_computation_lowered:
.L_overlay_start_0:
0x88: {  	s2 =	sld [smem:$0x3FD9]  }
0x89: {  	s3 =	sld [smem:$0x3FFE];
	_ =	sdelay $0x1  }
0x8a: {  	s1 =	srdreg.scid  }
0x8b: {  	s0 =	sand.u32 $0x1, s1  }
0x8c: {  	s17 =	sshll.u32 s0, $0xA;
	s2 =	sadd.s32 s3, s2  }
0x8d: {  	s2 =	sadd.s32 s2, s17  }
0x8e: {  	[smem:$0x3FB0] =	sst s2  }
0x8f: {  	_ = 	snop  }
0x90: {  	s2 =	sld [smem:$0x3FC3]  }
0x91: {  	s18 =	sld [smem:$0x3FD0];
	(tm) =	ssettm $0x1  }
0x92: {  	s4 =	sld [smem:$0x3FFB];
	_ =	sdelay $0x3  }
0x93: {  	_ =	strace s4  }
0x94: {  	s4 =	sld [smem:$0x3FFC];
	_ =	sdelay $0x3  }
0x95: {  	_ =	strace s4  }
0x96: {  	s4 =	sld [smem:$0x3FFD];
	_ =	sdelay $0x3  }
0x97: {  	_ =	strace s4  }
0x98: {  	_ =	strace $0x8FFFFFFF  }
0x99: {  	s19 =	sld [smem:$0x3FDB];
	_ =	sdelay $0x1  }
0x9a: {  	s5 =	simm.s32 $_scs_section_size  }
0x9b: {  	s6 =	simm.s32 $_size__tile_overlayer_lowered;
	s7 =	simm.s32 $_tile_overlayer_lowered  }
0x9c: {  	s22 =	simm.s32 $0x1BFF;
	s21 =	sshll.u32 s7, $0x1;
	s4 =	sadd.s32 s5, s19  }
0x9d: {  	s8 =	simm.s32 $0x0;
	s20 =	sshll.u32 s6, $0x1;
	s6 =	sadd.s32 s21, s4  }
0x9e: {  	[timem:s8], [sflag:s22] =	dma.local [hbm:s6], s20  }
0x9f: {  	_ =	swait.ge [sflag:s22], s20  }
0xa0: {  	s5 =	ssub.s32 $0x0, s20;
	[sflag:s22] =	ssyncset.done $0x0  }
0xa1: {  	[sflag:s22] =	ssyncadd.s32 s5;
	_ =	sdelay $0x1  }
0xa2: {  	s23 =	simm.s32 $0x1B8B  }
0xa3: {  	_ =	swait.ge [sflag:s23], $0x1  }
0xa4: {  	[sflag:s23] =	ssyncset.done $0x0  }
0xa5: {  	s25 =	simm.s32 $0x1B8E;
	s24 =	sld [smem:$0x3FFE];
	[sflag:s23] =	ssyncadd.s32 $0xFFFFFFFF  }
0xa6: {  	s26 =	simm.s32 $execute0_lowered;
	[smem:$0x3FD2] =	sst s25  }
0xa7: {  	s6 =	sshll.u32 s26, $0x1;
	_ =	strace $0x80000046;
	[dreg:$0x1] =	wrdreg $0xFFFFFFFF  }
0xa8: {  	s28 =	simm.s32 $_size_execute0_lowered;
	s4 =	sadd.s32 s4, s6;
	[dreg:$0x0] =	wrdreg $0x0  }
0xa9: {  	s6 =	sshll.u32 s28, $0x1;
	[dreg:$0x2] =	wrdreg s4  }
0xaa: {  	[dreg:$0x3] =	wrdreg s6  }
0xab: {  	[dreg:$0x4] =	wrdreg $0xC0  }
0xac: {  	_ =	task [dreg:s8], $0x5FFFF  }
0xad: {  	[dreg:$0x1] =	wrdreg $0xFFFFFFFF  }
0xae: {  	[dreg:$0x0] =	wrdreg $0x60  }
0xaf: {  	[dreg:$0x2] =	wrdreg s2  }
0xb0: {  	[dreg:$0x3] =	wrdreg s18  }
0xb1: {  	[dreg:$0x4] =	wrdreg s24  }
0xb2: {  	[dreg:$0x5] =	wrdreg $0x9  }
0xb3: {  	_ =	task.clear_ibuf [dreg:s8], $0x6FFFF;
	_ =	strace $0x90000046  }
0xb4: {  	s29 =	simm.s32 $0x9;
	_ =	strace $0x80000048  }
0xb5: {  	_ =	swait.ge [sflag:s29], $0x1  }
0xb6: {  	[sflag:s29] =	ssyncadd.s32 $0xFFFFFFFF  }
0xb7: {  	_ =	strace $0x90000048  }
0xb8: {  	_ =	sfence  }
0xb9: {  	s30 =	sld [smem:$0x0];
	_ =	sdelay $0x2  }
0xba: {  	s31 =	sshll.u32 s1, $0xD;
	s1 =	sshrl.u32 s1, $0x2  }
0xbb: {  	s3 =	sand.u32 $0x4000, s31;
	s1 =	sadd.s32 s1, s30  }
0xbc: {  	s0 =	sor.u32 s3, s0;
	s1 =	sshll.u32 s1, $0x11  }
0xbd: {  	s0 =	sor.u32 s1, s0  }
0xbe: {  	s0 =	sadd.s32 $0x8F2B, s0  }
0xbf: {  	[sflag:s0] =	ssyncadd.remote.s32 $0x1  }
0xc0: {  	_ =	sfence.sel $0xFFFF  }
0xc1: {  	[dreg:$0x0] =	wrdreg $0xFFFFFFFF;
	(pc) =	sbr.abs _section_cstart, $3  }
0xc2: {  	[dreg:$0x1] =	wrdreg $0xFFFFFFFF  }
0xc3: {  	_ =	task.clear_ibuf [dreg:s8], $0x2FFFF;
	_ =	strace $0x9FFFFFFF  }
0xc4: {  	(tm) =	ssettm $0x7FFFFFFF  }
0xc5: {  	_ =	shalt  }
tec
execute0_lowered:
.L_overlay_start_1:
0x0: {  	(tag) =	ssettag $0x1  }
0x1: {  	s2 =	rddreg [dreg:$0x0]  }
0x2: {  	s3 =	rddreg [dreg:$0x1]  }
0x3: {  	s7 =	rddreg [dreg:$0x2]  }
0x4: {  	s0 =	rddreg [dreg:$0x3];
	s1 =	srdreg.scid;
	_ =	strace $0x80000047  }
0x5: {  	s4 =	simm.s32 $0x1;
	s9 =	simm.s32 $0x3;
	s5 =	sshll.u32 s1, $0x4  }
.Ltmp0:
0x6: {  	s1 =	stileid.u32;
	s5 =	sand.u32 $0x10, s5;
	(pc) =	sbr.rel .LBB2_1-.Ltmp0, $4  }
0x7: {  	s12 =	simm.s32 $0x0;
	s10 =	simm.s32 $0x0;
	s6 =	sor.u32 s1, s5  }
0x8: {  	[sflag:s4] =	ssyncpa.u1 $0x0;
	s5 =	simm.s32 $0x2;
	s6 =	sshll.u32 s6, $0x7  }
0x9: {  	s7 =	sadd.s32 $0x27E00, s7;
	[sflag:s5] =	ssyncpa.u1 $0x0;
	s8 =	sadd.s32 $0x80, s6  }
0xa: {  	vm0 =	vmmov $0xff;
	vm1 =	vcmask $0x3F20;
	[sflag:s9] =	ssyncpa.u1 $0x0;
	s9 =	simm.s32 $0x80;
	s11 =	smov.u32 s6  }
.LBB2_9:
0xb: {  	p0 =	seq.s32 s10, $0x2  }
.Ltmp1:
0xc: {  	_ = 	snop;
	(pc) =	sbr.rel @p0 .LBB2_11-.Ltmp1, $1  }
0xd: {  	_ =	sdelay $0x3  }
.LBB2_10:
0xe: {  	s12 =	sadd.s32 $0x80, s11  }
0xf: {  	s13 =	smov.u32 s6;
	p0 =	slt.s32 s12, s8  }
0x10: {  	s13 =	smov.u32 @p0 s12  }
0x11: {  	s10 =	sadd.s32 $0x1, s10;
	s12 =	smov.u32 s11;
	s11 =	smov.u32 s13  }
.LBB2_1:
0x12: {  	p0 =	sne.s32 s10, $0x0  }
.Ltmp2:
0x13: {  	_ = 	snop;
	(pc) =	sbr.rel @!p0 .LBB2_2-.Ltmp2, $1  }
0x14: {  	_ =	sdelay $0x3  }
0x15: {  	s13 =	sand.u32 $0x1, s10  }
0x16: {  	p0 =	seq.s32 s13, $0x0  }
.Ltmp3:
0x17: {  	_ = 	snop;
	(pc) =	sbr.rel @p0 .LBB2_9-.Ltmp3, $1  }
0x18: {  	_ =	sdelay $0x3  }
0x19: {  	_ =	swait.ge [sflag:s5], $0x80  }
0x1a: {  	[sflag:s5] =	ssyncset.done $0x0  }
0x1b: {  	s13 =	simm.s32 $0x0;
	[sflag:s5] =	ssyncadd.s32 $0xFFFFFF80  }
0x1c: {  	v0 =	vld.msk [tilespmem:s13+$0x80 ss:$0x1], $0xffff;
	_ =	sdelay $0x4  }
0x1d: {  	vm2 =	vgt.s32 v0, $0x0  }
0x1e: {  	v0 =	vnsel vm2, $0x0, v0  }
0x1f: {  	v0 =	vmin.u32 v0, $0x61A7  }
0x20: {  	v0 =	vshll.u32 v0, $0x4;
	_ =	sdelay $0x3  }
0x21: {  	s13 =	simm.s32 $0x4100  }
0x22: {  	[tilespmem:s13], [sflag:$0x1] =	stream.indirect_vreg.gather [hbm:s2], $0x80, v0, vm0, $0x38;
	[tilespmem:$0x8100] =	vst v63  }
0x23: {  	s14 =	simm.s32 $0x4500;
	s31 =	simm.s32 $0x10  }
0x24: {  	[tilespmem:s14], [sflag:$0x1] =	stream.indirect_vreg.gather [hbm:s2], $0x80, v0, vm1, $0x38;
	[tilespmem:$0x8100] =	vst v63  }
0x25: {  	s14 =	simm.s32 $0x80;
	v0 =	vld.msk [tilespmem:s31+$0x80 ss:$0x1], $0xffff  }
.LBB2_5:
0x26: {  	p0 =	sne.s32 s14, $0x1C0;
	_ =	sdelay $0x4  }
0x27: {  	vm2 =	vgt.s32 v0, $0x0  }
0x28: {  	v0 =	vnsel vm2, $0x0, v0  }
0x29: {  	v0 =	vmin.u32 v0, $0x61A7  }
0x2a: {  	v0 =	vshll.u32 v0, $0x4;
	_ =	sdelay $0x3  }
.Ltmp4:
0x2b: {  	s13 =	sadd.s32 $0x800, s13;
	(pc) =	sbr.rel @p0 .LBB2_5-.Ltmp4, $4  }
0x2c: {  	[tilespmem:s13], [sflag:$0x1] =	stream.indirect_vreg.gather [hbm:s2], $0x80, v0, vm0, $0x38;
	[tilespmem:$0x8100] =	vst v63  }
0x2d: {  	s15 =	sshra.s32 s14, $0x2;
	s16 =	sadd.s32 $0x400, s13  }
0x2e: {  	[tilespmem:s16], [sflag:$0x1] =	stream.indirect_vreg.gather [hbm:s2], $0x80, v0, vm1, $0x38;
	[tilespmem:$0x8100] =	vst v63  }
0x2f: {  	s14 =	sadd.s32 $0x40, s14;
	v0 =	vld.msk [tilespmem:s15+$0x80 ss:$0x1], $0xffff  }
0x30: {  	_ =	sdelay $0x3  }
0x31: {  	vm2 =	vgt.s32 v0, $0x0  }
0x32: {  	v0 =	vnsel vm2, $0x0, v0  }
0x33: {  	v0 =	vmin.u32 v0, $0x61A7  }
0x34: {  	v0 =	vshll.u32 v0, $0x4;
	_ =	sdelay $0x3  }
0x35: {  	s13 =	sadd.s32 $0x800, s13  }
0x36: {  	[tilespmem:s13], [sflag:$0x1] =	stream.indirect_vreg.gather [hbm:s2], $0x80, v0, vm0, $0x38;
	[tilespmem:$0x8100] =	vst v63  }
0x37: {  	s13 =	sadd.s32 $0x400, s13  }
0x38: {  	[tilespmem:s13], [sflag:$0x1] =	stream.indirect_vreg.gather [hbm:s2], $0x80, v0, vm1, $0x38;
	[tilespmem:$0x8100] =	vst v63  }
0x39: {  	s12 =	sshll.u32 s12, $0x4;
	s14 =	simm.s32 $0x80;
	_ =	swait.ge [sflag:s4], $0x4000  }
0x3a: {  	s15 =	simm.s32 $0x4500;
	s12 =	sadd.s32 s12, s7;
	[sflag:s4] =	ssyncset.done $0x0  }
0x3b: {  	s16 =	sadd.s32 $0x0, s12;
	s13 =	simm.s32 $0x4100;
	[sflag:s4] =	ssyncadd.s32 $0xFFFFC000  }
.LBB2_7:
0x3c: {  	[hbm:s16] =	stream.linear.scatter [tilespmem:s13], [sflag:$0x3], $0x400, $0x38;
	[tilespmem:$0x8100] =	vst v63  }
0x3d: {  	s16 =	smov.u32 s14;
	s13 =	smov.u32 s15;
	p0 =	sne.s32 s14, $0x780  }
.Ltmp5:
0x3e: {  	s14 =	sadd.s32 $0x80, s14;
	(pc) =	sbr.rel @p0 .LBB2_7-.Ltmp5, $2  }
0x3f: {  	_ =	sdelay $0x2  }
0x40: {  	s15 =	sadd.s32 $0x400, s15;
	s16 =	sadd.s32 s16, s12  }
.Ltmp6:
0x41: {  	(pc) =	sbr.rel .LBB2_9-.Ltmp6, $2  }
0x42: {  	_ =	sdelay $0x2  }
0x43: {  	[hbm:s16] =	stream.linear.scatter [tilespmem:s13], [sflag:$0x3], $0x400, $0x38;
	[tilespmem:$0x8100] =	vst v63  }
.LBB2_2:
.Ltmp7:
0x44: {  	(pc) =	sbr.rel .LBB2_10-.Ltmp7, $4  }
0x45: {  	_ = 	snop  }
0x46: {  	s12 =	sshrl.u32 s11, $0x3  }
0x47: {  	s13 =	sand.u32 $0x7, s11;
	s12 =	sadd.s32 s3, s12  }
0x48: {  	[tilespmem:s9], [sflag:$0x2] =	stream.linear.gather [hbm4b:s12+s13], $0x80, $0x38;
	[tilespmem:$0x8100] =	vst v63  }
.LBB2_11:
0x49: {  	s2 =	simm.s32 $0x3  }
0x4a: {  	_ =	swait.ge [sflag:s2], $0x4000  }
0x4b: {  	[sflag:s2] =	ssyncset.done $0x0  }
0x4c: {  	[sflag:s2] =	ssyncadd.s32 $0xFFFFC000  }
0x4d: {  	_ =	sfence.sel $0x180000  }
0x4e: {  	s3 =	simm.s32 $0x2;
	[bflag:$0x0] =	sbarrier.arrive $0xFFFF  }
0x4f: {  	[sflag:s3] =	ssyncpa.u1 $0x1  }
0x50: {  	s31 =	simm.s32 $0x1;
	[sflag:s2] =	ssyncpa.u1 $0x1  }
0x51: {  	[sflag:s31] =	ssyncpa.u1 $0x1  }
0x52: {  	p0 =	sne.s32 s1, $0x0;
	_ =	strace $0x90000047  }
0x53: {  	s0 =	sadd.s32 @!p0 $0x100000, s0;
	[bflag:$0x2] =	sbarrier.arrive $0xFFFF  }
0x54: {  	[sflag:s0] =	ssyncadd.tile.s32 @!p0 $0x1;
	_ =	shalt  }
.Lfunc_end2:
_tile_overlayer_lowered:
.L_overlay_start_2:
0x55: {  	(tag) =	ssettag $0x2  }
0x56: {  	s0 =	rddreg [dreg:$0x0];
	s2 =	stileid.u32  }
0x57: {  	s1 =	rddreg [dreg:$0x1];
	p0 =	sne.s32 s2, $0x0  }
0x58: {  	s3 =	rddreg [dreg:$0x2];
	[bflag:$0x3] =	sbarrier.arrive $0xFFFF;
	s2 =	simm.s32 @!p0 $0x1C01  }
0x59: {  	[timem:s3], [sflag:s2] =	dma.local @!p0 [hbm:s0], s1  }
0x5a: {  	s0 =	simm.s32 @!p0 $0x1  }
0x5b: {  	_ =	swait.ge @!p0 [sflag:s0], s1  }
0x5c: {  	s1 =	ssub.s32 @!p0 $0x0, s1;
	[sflag:s0] =	ssyncset.done @!p0 $0x0  }
0x5d: {  	[sflag:s0] =	ssyncadd.s32 @!p0 s1  }
0x5e: {  	[bflag:$0x3] =	sbarrier.arrive $0xFFFF  }
0x5f: {  	_ =	shalt  }

// kernel: kernel.10.cloned.1.call-start
scs
__scs_entry_jumppad:
0x0: {  	(pc) =	sbr.rel $0x88, $3  }
0x1: {  	(tag) =	ssettag $0x0;
	lr =	simm.s32 $0x1  }
0x2: {  	[smem:$0x3F89] =	sst lr;
	_ =	strace $0xD0000000  }
0x3: {  	_ = 	snop  }
0x4: {  	_ = 	snop  }
0x5: {  	_ = 	snop  }
0x6: {  	_ = 	snop  }
0x7: {  	_ = 	snop  }
__scs_overlays_trampoline_lowered:
0x8: {  	[smem:$0x3F98] =	sst s0  }
0x9: {  	[smem:$0x3F99] =	sst s1  }
0xa: {  	[smem:$0x3F9A] =	sst s2  }
0xb: {  	[smem:$0x3F9B] =	sst s3  }
0xc: {  	[smem:$0x3F9C] =	sst s4  }
0xd: {  	[smem:$0x3F9D] =	sst s5  }
0xe: {  	[smem:$0x3F9E] =	sst s6  }
0xf: {  	[smem:$0x3F9F] =	sst s7  }
0x10: {  	[smem:$0x3FA0] =	sst s8  }
0x11: {  	[smem:$0x3FA1] =	sst s9;
	s0 =	simm.s32 @!p0 $0x0  }
0x12: {  	s1 =	sld [smem:$0x3F87];
	s0 =	simm.s32 @p0 $0x1  }
0x13: {  	[smem:$0x3FA2] =	sst s0;
	s0 =	simm.s32 @!p1 $0x0  }
0x14: {  	s2 =	sld [smem:$0x3F86];
	s0 =	simm.s32 @p1 $0x1  }
0x15: {  	[smem:$0x3FA3] =	sst s0;
	s0 =	simm.s32 @!p2 $0x0  }
0x16: {  	s3 =	sld [smem:$0x3FDB];
	s0 =	simm.s32 @p2 $0x1  }
0x17: {  	s4 =	simm.s32 $0x1BF5;
	[smem:$0x3FA5] =	sst s0  }
0x18: {  	s0 =	sld [smem:$0x3F88];
	_ =	swait.ge [sflag:s4], $0x0  }
0x19: {  	s7 =	sld [smem:$0x3F89]  }
0x1a: {  	s8 =	sadd.s32 $0xFFFFE003, lr  }
0x1b: {  	s9 =	sadd.s32 $0xFFFFFEF7, lr;
	s5 =	simm.s32 $0xFFFFFFFF;
	p2 =	slt.u32 s8, $0xFFFFF086  }
0x1c: {  	p1 =	slt.u32 s9, $0xF7A;
	s5 =	simm.s32 @!p2 $0x0  }
0x1d: {  	s5 =	simm.s32 @p1 $0x1;
	p0 =	seq.s32 s7, s2  }
0x1e: {  	s7 =	smul.u32 @!p0 $0xF7A, s2;
	p2 =	seq.s32 @!p0 s5, $0x0  }
0x1f: {  	s9 =	smul.u32 $0xF7A, s1;
	s8 =	simm.s32 @!p0 $0x1BF5;
	p2 =	por !p2, p0  }
0x20: {  	[sflag:s8] =	ssyncset.s32 @!p0 $0xFFFFF086;
	s6 =	sadd.s32 @!p0 s3, s7;
	s7 =	simm.s32 @!p0 $0x108  }
0x21: {  	s3 =	sadd.s32 s3, s9;
	s6 =	sadd.s32 @!p0 $0x88, s6;
	s7 =	simm.s32 @p2 $0x1082  }
0x22: {  	[simem:s7], [sflag:s8] =	dma.local @!p0 [hbm:s6], $0xF7A  }
0x23: {  	s9 =	sor.u32 $0xD0000000, s2;
	s6 =	simm.s32 $0x108;
	_ =	swait.ge @!p0 [sflag:s8], $0x0  }
0x24: {  	s3 =	sadd.s32 $0x88, s3;
	s6 =	simm.s32 @!p1 $0x1082;
	[sflag:s4] =	ssyncset.s32 $0xFFFFF086  }
0x25: {  	[simem:s6], [sflag:s4] =	dma.local [hbm:s3], $0xF7A  }
0x26: {  	[smem:$0x3F89] =	sst s1;
	(tag) =	ssettag s2;
	_ =	strace s9  }
0x27: {  	s1 =	sld [smem:$0x3F99]  }
0x28: {  	s2 =	sld [smem:$0x3F9A]  }
0x29: {  	s4 =	sld [smem:$0x3F9C]  }
0x2a: {  	p0 =	seq.s32 s5, $0x0;
	s5 =	sld [smem:$0x3F9D]  }
0x2b: {  	s6 =	sld [smem:$0x3F9E]  }
0x2c: {  	s7 =	sld [smem:$0x3F9F]  }
0x2d: {  	s3 =	simm.s32 $0x108;
	s8 =	sld [smem:$0x3FA0]  }
0x2e: {  	s3 =	simm.s32 @!p0 $0x1082;
	s9 =	sld [smem:$0x3FA1]  }
0x2f: {  	lr =	sadd.s32 s0, s3;
	s0 =	sld [smem:$0x3F98]  }
0x30: {  	s3 =	sld [smem:$0x3F9B]  }
0x31: {  	[smem:$0x3FA4] =	sst s10  }
0x32: {  	s10 =	sld [smem:$0x3FA2];
	_ =	sdelay $0x3  }
0x33: {  	p0 =	seq.s32 s10, $0x1;
	s10 =	sld [smem:$0x3FA4];
	_ =	sdelay $0x3  }
0x34: {  	[smem:$0x3FA4] =	sst s10  }
0x35: {  	s10 =	sld [smem:$0x3FA3];
	_ =	sdelay $0x3  }
0x36: {  	p1 =	seq.s32 s10, $0x1;
	s10 =	sld [smem:$0x3FA4];
	_ =	sdelay $0x3  }
0x37: {  	[smem:$0x3FA4] =	sst s10  }
0x38: {  	s10 =	sld [smem:$0x3FA5]  }
0x39: {  	_ = 	snop;
	(pc) =	sbr.ind lr, $3  }
0x3a: {  	_ = 	snop  }
0x3b: {  	_ = 	snop  }
0x3c: {  	p2 =	seq.s32 s10, $0x1;
	s10 =	sld [smem:$0x3FA4]  }
0x3d: {  	_ =	shalt  }
0x3e: {  	_ =	shalt  }
0x3f: {  	_ =	shalt  }
0x40: {  	_ =	shalt  }
0x41: {  	_ =	shalt  }
0x42: {  	_ =	shalt  }
0x43: {  	_ =	shalt  }
0x44: {  	_ =	shalt  }
0x45: {  	_ =	shalt  }
0x46: {  	_ =	shalt  }
0x47: {  	_ =	shalt  }
0x48: {  	_ =	shalt  }
0x49: {  	_ =	shalt  }
0x4a: {  	_ =	shalt  }
0x4b: {  	_ =	shalt  }
0x4c: {  	_ =	shalt  }
0x4d: {  	_ =	shalt  }
0x4e: {  	_ =	shalt  }
0x4f: {  	_ =	shalt  }
0x50: {  	_ =	shalt  }
0x51: {  	_ =	shalt  }
0x52: {  	_ =	shalt  }
0x53: {  	_ =	shalt  }
0x54: {  	_ =	shalt  }
0x55: {  	_ =	shalt  }
0x56: {  	_ =	shalt  }
0x57: {  	_ =	shalt  }
0x58: {  	_ =	shalt  }
0x59: {  	_ =	shalt  }
0x5a: {  	_ =	shalt  }
0x5b: {  	_ =	shalt  }
0x5c: {  	_ =	shalt  }
0x5d: {  	_ =	shalt  }
0x5e: {  	_ =	shalt  }
0x5f: {  	_ =	shalt  }
0x60: {  	_ =	shalt  }
0x61: {  	_ =	shalt  }
0x62: {  	_ =	shalt  }
0x63: {  	_ =	shalt  }
0x64: {  	_ =	shalt  }
0x65: {  	_ =	shalt  }
0x66: {  	_ =	shalt  }
0x67: {  	_ =	shalt  }
0x68: {  	_ =	shalt  }
0x69: {  	_ =	shalt  }
0x6a: {  	_ =	shalt  }
0x6b: {  	_ =	shalt  }
0x6c: {  	_ =	shalt  }
0x6d: {  	_ =	shalt  }
0x6e: {  	_ =	shalt  }
0x6f: {  	_ =	shalt  }
0x70: {  	_ =	shalt  }
0x71: {  	_ =	shalt  }
0x72: {  	_ =	shalt  }
0x73: {  	_ =	shalt  }
0x74: {  	_ =	shalt  }
0x75: {  	_ =	shalt  }
0x76: {  	_ =	shalt  }
0x77: {  	_ =	shalt  }
0x78: {  	_ =	shalt  }
0x79: {  	_ =	shalt  }
0x7a: {  	_ =	shalt  }
0x7b: {  	_ =	shalt  }
0x7c: {  	_ =	shalt  }
0x7d: {  	_ =	shalt  }
0x7e: {  	_ =	shalt  }
0x7f: {  	_ =	shalt  }
0x80: {  	_ =	shalt  }
0x81: {  	_ =	shalt  }
0x82: {  	_ =	shalt  }
0x83: {  	_ =	shalt  }
0x84: {  	_ =	shalt  }
0x85: {  	_ =	shalt  }
0x86: {  	_ =	shalt  }
0x87: {  	_ =	shalt  }
.Lfunc_end0:
.L_simem_size_0:
called_computation.2_lowered:
.L_overlay_start_0:
0x88: {  	s2 =	sld [smem:$0x3FD9]  }
0x89: {  	s3 =	sld [smem:$0x3FFE];
	_ =	sdelay $0x1  }
0x8a: {  	s1 =	srdreg.scid  }
0x8b: {  	s0 =	sand.u32 $0x1, s1  }
0x8c: {  	s16 =	sshll.u32 s0, $0xA;
	s2 =	sadd.s32 s3, s2  }
0x8d: {  	s2 =	sadd.s32 s2, s16  }
0x8e: {  	[smem:$0x3FB0] =	sst s2  }
0x8f: {  	_ = 	snop  }
0x90: {  	(tm) =	ssettm $0x1  }
0x91: {  	s17 =	sld [smem:$0x3FFB];
	_ =	sdelay $0x3  }
0x92: {  	_ =	strace s17  }
0x93: {  	s2 =	sld [smem:$0x3FFC];
	_ =	sdelay $0x3  }
0x94: {  	_ =	strace s2  }
0x95: {  	s2 =	sld [smem:$0x3FFD];
	_ =	sdelay $0x3  }
0x96: {  	_ =	strace s2  }
0x97: {  	_ =	strace $0x8FFFFFFF  }
0x98: {  	s18 =	sld [smem:$0x3FDB];
	_ =	sdelay $0x1  }
0x99: {  	s19 =	simm.s32 $_scs_section_size  }
0x9a: {  	s4 =	simm.s32 $_size__tile_overlayer_lowered;
	s5 =	simm.s32 $_tile_overlayer_lowered  }
0x9b: {  	s22 =	simm.s32 $0x1BFF;
	s21 =	sshll.u32 s5, $0x1;
	s2 =	sadd.s32 s19, s18  }
0x9c: {  	s6 =	simm.s32 $0x0;
	s20 =	sshll.u32 s4, $0x1;
	s4 =	sadd.s32 s21, s2  }
0x9d: {  	[timem:s6], [sflag:s22] =	dma.local [hbm:s4], s20  }
0x9e: {  	_ =	swait.ge [sflag:s22], s20  }
0x9f: {  	s3 =	ssub.s32 $0x0, s20;
	[sflag:s22] =	ssyncset.done $0x0  }
0xa0: {  	[sflag:s22] =	ssyncadd.s32 s3;
	_ =	sdelay $0x1  }
0xa1: {  	s23 =	simm.s32 $0x1B8B  }
0xa2: {  	_ =	swait.ge [sflag:s23], $0x1  }
0xa3: {  	[sflag:s23] =	ssyncset.done $0x0  }
0xa4: {  	s25 =	simm.s32 $0x1B8E;
	s24 =	sld [smem:$0x3FFE];
	[sflag:s23] =	ssyncadd.s32 $0xFFFFFFFF  }
0xa5: {  	s26 =	simm.s32 $execute0_lowered;
	[smem:$0x3FD2] =	sst s25  }
0xa6: {  	s4 =	sshll.u32 s26, $0x1;
	_ =	strace $0x8000004C;
	[dreg:$0x1] =	wrdreg $0xFFFFFFFF  }
0xa7: {  	s28 =	simm.s32 $_size_execute0_lowered;
	s2 =	sadd.s32 s2, s4;
	[dreg:$0x0] =	wrdreg $0x0  }
0xa8: {  	s4 =	sshll.u32 s28, $0x1;
	[dreg:$0x2] =	wrdreg s2  }
0xa9: {  	[dreg:$0x3] =	wrdreg s4  }
0xaa: {  	[dreg:$0x4] =	wrdreg $0xC0  }
0xab: {  	_ =	task [dreg:s6], $0x5FFFF  }
0xac: {  	[dreg:$0x1] =	wrdreg $0xFFFFFFFF  }
0xad: {  	[dreg:$0x0] =	wrdreg $0x60  }
0xae: {  	[dreg:$0x2] =	wrdreg s24  }
0xaf: {  	[dreg:$0x3] =	wrdreg $0x9  }
0xb0: {  	_ =	task.clear_ibuf [dreg:s6], $0x4FFFF;
	_ =	strace $0x9000004C  }
0xb1: {  	s29 =	simm.s32 $0x9;
	_ =	strace $0x8000004E  }
0xb2: {  	_ =	swait.ge [sflag:s29], $0x1  }
0xb3: {  	[sflag:s29] =	ssyncadd.s32 $0xFFFFFFFF  }
0xb4: {  	_ =	strace $0x9000004E  }
0xb5: {  	_ =	sfence  }
0xb6: {  	s30 =	sld [smem:$0x0];
	_ =	sdelay $0x2  }
0xb7: {  	s31 =	sshll.u32 s1, $0xD;
	s1 =	sshrl.u32 s1, $0x2  }
0xb8: {  	s3 =	sand.u32 $0x4000, s31;
	s1 =	sadd.s32 s1, s30  }
0xb9: {  	s0 =	sor.u32 s3, s0;
	s1 =	sshll.u32 s1, $0x11  }
0xba: {  	s0 =	sor.u32 s1, s0  }
0xbb: {  	s0 =	sadd.s32 $0x8F2B, s0  }
0xbc: {  	[sflag:s0] =	ssyncadd.remote.s32 $0x1  }
0xbd: {  	_ =	sfence.sel $0xFFFF  }
0xbe: {  	[dreg:$0x0] =	wrdreg $0xFFFFFFFF;
	(pc) =	sbr.abs _section_cstart, $3  }
0xbf: {  	[dreg:$0x1] =	wrdreg $0xFFFFFFFF  }
0xc0: {  	_ =	task.clear_ibuf [dreg:s6], $0x2FFFF;
	_ =	strace $0x9FFFFFFF  }
0xc1: {  	(tm) =	ssettm $0x7FFFFFFF  }
tec
execute0_lowered:
.L_overlay_start_1:
0x0: {  	(tag) =	ssettag $0x1  }
0x1: {  	s18 =	rddreg [dreg:$0x0]  }
0x2: {  	s0 =	rddreg [dreg:$0x1];
	s2 =	simm.s32 $0x0;
	s3 =	srdreg.scid  }
0x3: {  	s1 =	stileid.u32;
	[smem:$0x7FF] =	sst s2;
	s13 =	sand.u32 $0x1, s3  }
0x4: {  	s5 =	sshll.u32 s1, $0x8;
	s3 =	sadd.s32 $0x3200, s18;
	s4 =	sshll.u32 s13, $0xC  }
0x5: {  	_ =	strace $0x8000004D;
	s19 =	sor.u32 s5, s4;
	s4 =	simm.s32 $0x2  }
0x6: {  	[tilespmem:s2], [sflag:$0x2] =	stream.linear.gather [hbm4b:s3+s2], $0xC380, $0x38;
	[tilespmem:$0x14680] =	vst v63  }
0x7: {  	s5 =	sshrl.u32 s19, $0x3;
	_ =	swait.ge [sflag:s4], $0xC380  }
0x8: {  	s5 =	sadd.s32 s5, s18;
	[sflag:s4] =	ssyncset.done $0x0  }
0x9: {  	s6 =	simm.s32 $0xC380;
	s5 =	sadd.s32 $0x37E00, s5;
	[sflag:s4] =	ssyncadd.s32 $0xFFFF3C80  }
0xa: {  	[tilespmem:s6], [sflag:$0x2] =	stream.linear.gather [hbm4b:s5+s2], $0x100, $0x38;
	[tilespmem:$0x14680] =	vst v63  }
0xb: {  	_ =	swait.ge [sflag:s4], $0x100  }
0xc: {  	[sflag:s4] =	ssyncset.done $0x0  }
0xd: {  	[sflag:s4] =	ssyncadd.s32 $0xFFFFFF00  }
0xe: {  	v0 =	vld [tilespmem:$0xC380];
	_ =	sdelay $0x7  }
0xf: {  	v0 =	vld.idx.msk [tilespmem:v0+s2+$0x0], $0xffff;
	_ =	sdelay $0x2  }
0x10: {  	v1 =	vld [tilespmem:$0xC390];
	_ =	sdelay $0x1  }
0x11: {  	v0 =	vshrl.u32 v0, $0x10  }
0x12: {  	v0 =	vadd.s32 $0xFFFFFFFF, v0  }
0x13: {  	v2 =	vshrl.u32 v0, $0x5  }
0x14: {  	v2 =	vand.u32 $0x7FFFF80, v2  }
0x15: {  	v0 =	vadd.s32 v0, v2  }
0x16: {  	[tilespmem:$0xC480] =	vst v0  }
0x17: {  	v0 =	vld.idx.msk [tilespmem:v1+s2+$0x0], $0xffff;
	_ =	sdelay $0x2  }
0x18: {  	v35 =	vld [tilespmem:$0xC3A0];
	_ =	sdelay $0x1  }
0x19: {  	v0 =	vshrl.u32 v0, $0x10  }
0x1a: {  	v0 =	vadd.s32 $0xFFFFFFFF, v0  }
0x1b: {  	v36 =	vshrl.u32 v0, $0x5  }
0x1c: {  	v2 =	vand.u32 $0x7FFFF80, v36  }
0x1d: {  	v0 =	vadd.s32 v0, v2  }
0x1e: {  	[tilespmem:$0xC490] =	vst v0  }
0x1f: {  	v0 =	vld.idx.msk [tilespmem:v35+s2+$0x0], $0xffff;
	_ =	sdelay $0x2  }
0x20: {  	v37 =	vld [tilespmem:$0xC3B0];
	_ =	sdelay $0x1  }
0x21: {  	v0 =	vshrl.u32 v0, $0x10  }
0x22: {  	v0 =	vadd.s32 $0xFFFFFFFF, v0  }
0x23: {  	v38 =	vshrl.u32 v0, $0x5  }
0x24: {  	v2 =	vand.u32 $0x7FFFF80, v38  }
0x25: {  	v0 =	vadd.s32 v0, v2  }
0x26: {  	[tilespmem:$0xC4A0] =	vst v0  }
0x27: {  	v0 =	vld.idx.msk [tilespmem:v37+s2+$0x0], $0xffff;
	_ =	sdelay $0x2  }
0x28: {  	v39 =	vld [tilespmem:$0xC3C0];
	_ =	sdelay $0x1  }
0x29: {  	v0 =	vshrl.u32 v0, $0x10  }
0x2a: {  	v0 =	vadd.s32 $0xFFFFFFFF, v0  }
0x2b: {  	v40 =	vshrl.u32 v0, $0x5  }
0x2c: {  	v2 =	vand.u32 $0x7FFFF80, v40  }
0x2d: {  	v0 =	vadd.s32 v0, v2  }
0x2e: {  	[tilespmem:$0xC4B0] =	vst v0  }
0x2f: {  	v0 =	vld.idx.msk [tilespmem:v39+s2+$0x0], $0xffff;
	_ =	sdelay $0x2  }
0x30: {  	v41 =	vld [tilespmem:$0xC3D0];
	_ =	sdelay $0x1  }
0x31: {  	v0 =	vshrl.u32 v0, $0x10  }
0x32: {  	v0 =	vadd.s32 $0xFFFFFFFF, v0  }
0x33: {  	v42 =	vshrl.u32 v0, $0x5  }
0x34: {  	v2 =	vand.u32 $0x7FFFF80, v42  }
0x35: {  	v0 =	vadd.s32 v0, v2  }
0x36: {  	[tilespmem:$0xC500] =	vst v0  }
0x37: {  	v0 =	vld.idx.msk [tilespmem:v41+s2+$0x0], $0xffff;
	_ =	sdelay $0x2  }
0x38: {  	v43 =	vld [tilespmem:$0xC3E0];
	_ =	sdelay $0x1  }
0x39: {  	v0 =	vshrl.u32 v0, $0x10  }
0x3a: {  	v0 =	vadd.s32 $0xFFFFFFFF, v0  }
0x3b: {  	v44 =	vshrl.u32 v0, $0x5  }
0x3c: {  	v2 =	vand.u32 $0x7FFFF80, v44  }
0x3d: {  	v0 =	vadd.s32 v0, v2  }
0x3e: {  	[tilespmem:$0xC510] =	vst v0  }
0x3f: {  	v0 =	vld.idx.msk [tilespmem:v43+s2+$0x0], $0xffff;
	_ =	sdelay $0x2  }
0x40: {  	v45 =	vld [tilespmem:$0xC3F0];
	_ =	sdelay $0x1  }
0x41: {  	v0 =	vshrl.u32 v0, $0x10  }
0x42: {  	v0 =	vadd.s32 $0xFFFFFFFF, v0  }
0x43: {  	v46 =	vshrl.u32 v0, $0x5  }
0x44: {  	v2 =	vand.u32 $0x7FFFF80, v46  }
0x45: {  	v0 =	vadd.s32 v0, v2  }
0x46: {  	[tilespmem:$0xC520] =	vst v0  }
0x47: {  	v0 =	vld.idx.msk [tilespmem:v45+s2+$0x0], $0xffff;
	_ =	sdelay $0x2  }
0x48: {  	v47 =	vld [tilespmem:$0xC400];
	_ =	sdelay $0x1  }
0x49: {  	v0 =	vshrl.u32 v0, $0x10  }
0x4a: {  	v0 =	vadd.s32 $0xFFFFFFFF, v0  }
0x4b: {  	v48 =	vshrl.u32 v0, $0x5  }
0x4c: {  	v2 =	vand.u32 $0x7FFFF80, v48  }
0x4d: {  	v0 =	vadd.s32 v0, v2  }
0x4e: {  	[tilespmem:$0xC530] =	vst v0  }
0x4f: {  	v0 =	vld.idx.msk [tilespmem:v47+s2+$0x0], $0xffff;
	_ =	sdelay $0x2  }
0x50: {  	v49 =	vld [tilespmem:$0xC410];
	_ =	sdelay $0x1  }
0x51: {  	v0 =	vshrl.u32 v0, $0x10  }
0x52: {  	v0 =	vadd.s32 $0xFFFFFFFF, v0  }
0x53: {  	v50 =	vshrl.u32 v0, $0x5  }
0x54: {  	v2 =	vand.u32 $0x7FFFF80, v50  }
0x55: {  	v0 =	vadd.s32 v0, v2  }
0x56: {  	[tilespmem:$0xC580] =	vst v0  }
0x57: {  	v0 =	vld.idx.msk [tilespmem:v49+s2+$0x0], $0xffff;
	_ =	sdelay $0x2  }
0x58: {  	v51 =	vld [tilespmem:$0xC420];
	_ =	sdelay $0x1  }
0x59: {  	v0 =	vshrl.u32 v0, $0x10  }
0x5a: {  	v0 =	vadd.s32 $0xFFFFFFFF, v0  }
0x5b: {  	v52 =	vshrl.u32 v0, $0x5  }
0x5c: {  	v2 =	vand.u32 $0x7FFFF80, v52  }
0x5d: {  	v0 =	vadd.s32 v0, v2  }
0x5e: {  	[tilespmem:$0xC590] =	vst v0  }
0x5f: {  	v0 =	vld.idx.msk [tilespmem:v51+s2+$0x0], $0xffff;
	_ =	sdelay $0x2  }
0x60: {  	v53 =	vld [tilespmem:$0xC430];
	_ =	sdelay $0x1  }
0x61: {  	v0 =	vshrl.u32 v0, $0x10  }
0x62: {  	v0 =	vadd.s32 $0xFFFFFFFF, v0  }
0x63: {  	v54 =	vshrl.u32 v0, $0x5  }
0x64: {  	v2 =	vand.u32 $0x7FFFF80, v54  }
0x65: {  	v0 =	vadd.s32 v0, v2  }
0x66: {  	[tilespmem:$0xC5A0] =	vst v0  }
0x67: {  	v0 =	vld.idx.msk [tilespmem:v53+s2+$0x0], $0xffff;
	_ =	sdelay $0x2  }
0x68: {  	v55 =	vld [tilespmem:$0xC440];
	_ =	sdelay $0x1  }
0x69: {  	v0 =	vshrl.u32 v0, $0x10  }
0x6a: {  	v0 =	vadd.s32 $0xFFFFFFFF, v0  }
0x6b: {  	v56 =	vshrl.u32 v0, $0x5  }
0x6c: {  	v2 =	vand.u32 $0x7FFFF80, v56  }
0x6d: {  	v0 =	vadd.s32 v0, v2  }
0x6e: {  	[tilespmem:$0xC5B0] =	vst v0  }
0x6f: {  	v0 =	vld.idx.msk [tilespmem:v55+s2+$0x0], $0xffff;
	_ =	sdelay $0x2  }
0x70: {  	v57 =	vld [tilespmem:$0xC450];
	_ =	sdelay $0x1  }
0x71: {  	v0 =	vshrl.u32 v0, $0x10  }
0x72: {  	v0 =	vadd.s32 $0xFFFFFFFF, v0  }
0x73: {  	v58 =	vshrl.u32 v0, $0x5  }
0x74: {  	v2 =	vand.u32 $0x7FFFF80, v58  }
0x75: {  	v0 =	vadd.s32 v0, v2  }
0x76: {  	[tilespmem:$0xC600] =	vst v0  }
0x77: {  	v0 =	vld.idx.msk [tilespmem:v57+s2+$0x0], $0xffff;
	_ =	sdelay $0x2  }
0x78: {  	v59 =	vld [tilespmem:$0xC460];
	_ =	sdelay $0x1  }
0x79: {  	v0 =	vshrl.u32 v0, $0x10  }
0x7a: {  	v0 =	vadd.s32 $0xFFFFFFFF, v0  }
0x7b: {  	v60 =	vshrl.u32 v0, $0x5  }
0x7c: {  	v2 =	vand.u32 $0x7FFFF80, v60  }
0x7d: {  	v0 =	vadd.s32 v0, v2  }
0x7e: {  	[tilespmem:$0xC610] =	vst v0  }
0x7f: {  	v0 =	vld.idx.msk [tilespmem:v59+s2+$0x0], $0xffff;
	_ =	sdelay $0x2  }
0x80: {  	v61 =	vld [tilespmem:$0xC470];
	_ =	sdelay $0x1  }
0x81: {  	v0 =	vshrl.u32 v0, $0x10  }
0x82: {  	v0 =	vadd.s32 $0xFFFFFFFF, v0  }
0x83: {  	v62 =	vshrl.u32 v0, $0x5  }
0x84: {  	v2 =	vand.u32 $0x7FFFF80, v62  }
0x85: {  	v0 =	vadd.s32 v0, v2  }
0x86: {  	[tilespmem:$0xC620] =	vst v0  }
0x87: {  	v0 =	vld.idx.msk [tilespmem:v61+s2+$0x0], $0xffff;
	_ =	sdelay $0x4  }
0x88: {  	v0 =	vshrl.u32 v0, $0x10  }
0x89: {  	v0 =	vadd.s32 $0xFFFFFFFF, v0  }
0x8a: {  	v63 =	vshrl.u32 v0, $0x5  }
0x8b: {  	s8 =	simm.s32 $0x40;
	s9 =	simm.s32 $0xC480;
	v1 =	vand.u32 $0x7FFFF80, v63  }
0x8c: {  	s10 =	simm.s32 $0xC680;
	s11 =	simm.s32 $0xC500;
	s12 =	simm.s32 $0xE680;
	v0 =	vadd.s32 v0, v1  }
0x8d: {  	s14 =	simm.s32 $0x10680;
	s7 =	sadd.s32 $0x11B800, s18;
	s20 =	ssub.s32 $0x2, s13;
	[tilespmem:$0xC630] =	vst v0  }
0x8e: {  	[tilespmem:s10], [sflag:$0x1] =	stream.indirect.gather [hbm4b:s7+s8], $0x80, s9, s8, $0xb8;
	[tilespmem:$0x14680] =	vst v63  }
0x8f: {  	s15 =	simm.s32 $0xC600;
	s16 =	simm.s32 $0x12680;
	s21 =	sshrl.u32 s20, $0x1  }
0x90: {  	[tilespmem:s12], [sflag:$0x1] =	stream.indirect.gather [hbm4b:s7+s8], $0x80, s11, s8, $0xb8;
	[tilespmem:$0x14680] =	vst v63  }
0x91: {  	s13 =	simm.s32 $0xC580;
	s19 =	sshll.u32 s19, $0x4;
	s31 =	ssub.s32 s20, s21  }
0x92: {  	[tilespmem:s14], [sflag:$0x1] =	stream.indirect.gather [hbm4b:s7+s8], $0x80, s13, s8, $0xb8;
	[tilespmem:$0x14680] =	vst v63  }
0x93: {  	s17 =	simm.s32 $0x1;
	s18 =	sadd.s32 s19, s18;
	s19 =	smax.u32 s31, $0x1  }
0x94: {  	[tilespmem:s16], [sflag:$0x1] =	stream.indirect.gather [hbm4b:s7+s8], $0x80, s15, s8, $0xb8;
	[tilespmem:$0x14680] =	vst v63  }
0x95: {  	p0 =	sne.s32 s19, $0x1;
	_ =	swait.ge [sflag:s17], $0x8000  }
.Ltmp0:
0x96: {  	[sflag:s17] =	ssyncset.done $0x0;
	(pc) =	sbr.rel @!p0 .LBB2_2-.Ltmp0, $4  }
0x97: {  	s18 =	sadd.s32 $0x4C00, s18;
	[sflag:s17] =	ssyncadd.s32 $0xFFFF8000  }
0x98: {  	[hbm4b:s18+s2] =	stream.linear.scatter [tilespmem:s10], [sflag:$0x2], $0x8000, $0x38;
	[tilespmem:$0x14680] =	vst v63  }
0x99: {  	_ =	swait.ge [sflag:s4], $0x8000  }
0x9a: {  	s19 =	sadd.s32 $0xFFFFFFFF, s19;
	[sflag:s4] =	ssyncset.done $0x0  }
.LBB2_1:
0x9b: {  	p0 =	sne.s32 s19, $0x1;
	s19 =	sadd.s32 $0xFFFFFFFF, s19;
	[sflag:s4] =	ssyncadd.s32 $0xFFFF8000  }
0x9c: {  	[tilespmem:s2], [sflag:$0x2] =	stream.linear.gather [hbm4b:s3+s2], $0xC380, $0x38;
	[tilespmem:$0x14680] =	vst v63  }
0x9d: {  	_ =	swait.ge [sflag:s4], $0xC380  }
0x9e: {  	[sflag:s4] =	ssyncset.done $0x0  }
0x9f: {  	[sflag:s4] =	ssyncadd.s32 $0xFFFF3C80  }
0xa0: {  	[tilespmem:s6], [sflag:$0x2] =	stream.linear.gather [hbm4b:s5+s2], $0x100, $0x38;
	[tilespmem:$0x14680] =	vst v63  }
0xa1: {  	_ =	swait.ge [sflag:s4], $0x100  }
0xa2: {  	[sflag:s4] =	ssyncset.done $0x0  }
0xa3: {  	[sflag:s4] =	ssyncadd.s32 $0xFFFFFF00  }
0xa4: {  	v0 =	vld [tilespmem:$0xC380];
	_ =	sdelay $0x7  }
0xa5: {  	v0 =	vld.idx.msk [tilespmem:v0+s2+$0x0], $0xffff;
	_ =	sdelay $0x3  }
0xa6: {  	v1 =	vld [tilespmem:$0xC390];
	_ =	sdelay $0x1  }
0xa7: {  	v0 =	vshrl.u32 v0, $0x10  }
0xa8: {  	v0 =	vadd.s32 $0xFFFFFFFF, v0  }
0xa9: {  	v2 =	vshrl.u32 v0, $0x5  }
0xaa: {  	v2 =	vand.u32 $0x7FFFF80, v2  }
0xab: {  	v0 =	vadd.s32 v0, v2  }
0xac: {  	[tilespmem:$0xC480] =	vst v0  }
0xad: {  	v0 =	vld.idx.msk [tilespmem:v1+s2+$0x0], $0xffff;
	_ =	sdelay $0x3  }
0xae: {  	v1 =	vld [tilespmem:$0xC3A0];
	_ =	sdelay $0x1  }
0xaf: {  	v0 =	vshrl.u32 v0, $0x10  }
0xb0: {  	v0 =	vadd.s32 $0xFFFFFFFF, v0  }
0xb1: {  	v2 =	vshrl.u32 v0, $0x5  }
0xb2: {  	v2 =	vand.u32 $0x7FFFF80, v2  }
0xb3: {  	v0 =	vadd.s32 v0, v2  }
0xb4: {  	[tilespmem:$0xC490] =	vst v0  }
0xb5: {  	v0 =	vld.idx.msk [tilespmem:v1+s2+$0x0], $0xffff;
	_ =	sdelay $0x3  }
0xb6: {  	v1 =	vld [tilespmem:$0xC3B0];
	_ =	sdelay $0x1  }
0xb7: {  	v0 =	vshrl.u32 v0, $0x10  }
0xb8: {  	v0 =	vadd.s32 $0xFFFFFFFF, v0  }
0xb9: {  	v2 =	vshrl.u32 v0, $0x5  }
0xba: {  	v2 =	vand.u32 $0x7FFFF80, v2  }
0xbb: {  	v0 =	vadd.s32 v0, v2  }
0xbc: {  	[tilespmem:$0xC4A0] =	vst v0  }
0xbd: {  	v0 =	vld.idx.msk [tilespmem:v1+s2+$0x0], $0xffff;
	_ =	sdelay $0x3  }
0xbe: {  	v1 =	vld [tilespmem:$0xC3C0];
	_ =	sdelay $0x1  }
0xbf: {  	v0 =	vshrl.u32 v0, $0x10  }
0xc0: {  	v0 =	vadd.s32 $0xFFFFFFFF, v0  }
0xc1: {  	v2 =	vshrl.u32 v0, $0x5  }
0xc2: {  	v2 =	vand.u32 $0x7FFFF80, v2  }
0xc3: {  	v0 =	vadd.s32 v0, v2  }
0xc4: {  	[tilespmem:$0xC4B0] =	vst v0  }
0xc5: {  	v0 =	vld.idx.msk [tilespmem:v1+s2+$0x0], $0xffff;
	_ =	sdelay $0x3  }
0xc6: {  	v1 =	vld [tilespmem:$0xC3D0];
	_ =	sdelay $0x1  }
0xc7: {  	v0 =	vshrl.u32 v0, $0x10  }
0xc8: {  	v0 =	vadd.s32 $0xFFFFFFFF, v0  }
0xc9: {  	v2 =	vshrl.u32 v0, $0x5  }
0xca: {  	v2 =	vand.u32 $0x7FFFF80, v2  }
0xcb: {  	v0 =	vadd.s32 v0, v2  }
0xcc: {  	[tilespmem:$0xC500] =	vst v0  }
0xcd: {  	v0 =	vld.idx.msk [tilespmem:v1+s2+$0x0], $0xffff;
	_ =	sdelay $0x3  }
0xce: {  	v1 =	vld [tilespmem:$0xC3E0];
	_ =	sdelay $0x1  }
0xcf: {  	v0 =	vshrl.u32 v0, $0x10  }
0xd0: {  	v0 =	vadd.s32 $0xFFFFFFFF, v0  }
0xd1: {  	v2 =	vshrl.u32 v0, $0x5  }
0xd2: {  	v2 =	vand.u32 $0x7FFFF80, v2  }
0xd3: {  	v0 =	vadd.s32 v0, v2  }
0xd4: {  	[tilespmem:$0xC510] =	vst v0  }
0xd5: {  	v0 =	vld.idx.msk [tilespmem:v1+s2+$0x0], $0xffff;
	_ =	sdelay $0x3  }
0xd6: {  	v1 =	vld [tilespmem:$0xC3F0];
	_ =	sdelay $0x1  }
0xd7: {  	v0 =	vshrl.u32 v0, $0x10  }
0xd8: {  	v0 =	vadd.s32 $0xFFFFFFFF, v0  }
0xd9: {  	v2 =	vshrl.u32 v0, $0x5  }
0xda: {  	v2 =	vand.u32 $0x7FFFF80, v2  }
0xdb: {  	v0 =	vadd.s32 v0, v2  }
0xdc: {  	[tilespmem:$0xC520] =	vst v0  }
0xdd: {  	v0 =	vld.idx.msk [tilespmem:v1+s2+$0x0], $0xffff;
	_ =	sdelay $0x3  }
0xde: {  	v1 =	vld [tilespmem:$0xC400];
	_ =	sdelay $0x1  }
0xdf: {  	v0 =	vshrl.u32 v0, $0x10  }
0xe0: {  	v0 =	vadd.s32 $0xFFFFFFFF, v0  }
0xe1: {  	v2 =	vshrl.u32 v0, $0x5  }
0xe2: {  	v2 =	vand.u32 $0x7FFFF80, v2  }
0xe3: {  	v0 =	vadd.s32 v0, v2  }
0xe4: {  	[tilespmem:$0xC530] =	vst v0  }
0xe5: {  	v0 =	vld.idx.msk [tilespmem:v1+s2+$0x0], $0xffff;
	_ =	sdelay $0x3  }
0xe6: {  	v1 =	vld [tilespmem:$0xC410];
	_ =	sdelay $0x1  }
0xe7: {  	v0 =	vshrl.u32 v0, $0x10  }
0xe8: {  	v0 =	vadd.s32 $0xFFFFFFFF, v0  }
0xe9: {  	v2 =	vshrl.u32 v0, $0x5  }
0xea: {  	v2 =	vand.u32 $0x7FFFF80, v2  }
0xeb: {  	v0 =	vadd.s32 v0, v2  }
0xec: {  	[tilespmem:$0xC580] =	vst v0  }
0xed: {  	v0 =	vld.idx.msk [tilespmem:v1+s2+$0x0], $0xffff;
	_ =	sdelay $0x3  }
0xee: {  	v1 =	vld [tilespmem:$0xC420];
	_ =	sdelay $0x1  }
0xef: {  	v0 =	vshrl.u32 v0, $0x10  }
0xf0: {  	v0 =	vadd.s32 $0xFFFFFFFF, v0  }
0xf1: {  	v2 =	vshrl.u32 v0, $0x5  }
0xf2: {  	v2 =	vand.u32 $0x7FFFF80, v2  }
0xf3: {  	v0 =	vadd.s32 v0, v2  }
0xf4: {  	[tilespmem:$0xC590] =	vst v0  }
0xf5: {  	v0 =	vld.idx.msk [tilespmem:v1+s2+$0x0], $0xffff;
	_ =	sdelay $0x3  }
0xf6: {  	v1 =	vld [tilespmem:$0xC430];
	_ =	sdelay $0x1  }
0xf7: {  	v0 =	vshrl.u32 v0, $0x10  }
0xf8: {  	v0 =	vadd.s32 $0xFFFFFFFF, v0  }
0xf9: {  	v2 =	vshrl.u32 v0, $0x5  }
0xfa: {  	v2 =	vand.u32 $0x7FFFF80, v2  }
0xfb: {  	v0 =	vadd.s32 v0, v2  }
0xfc: {  	[tilespmem:$0xC5A0] =	vst v0  }
0xfd: {  	v0 =	vld.idx.msk [tilespmem:v1+s2+$0x0], $0xffff;
	_ =	sdelay $0x3  }
0xfe: {  	v1 =	vld [tilespmem:$0xC440];
	_ =	sdelay $0x1  }
0xff: {  	v0 =	vshrl.u32 v0, $0x10  }
0x100: {  	v0 =	vadd.s32 $0xFFFFFFFF, v0  }
0x101: {  	v2 =	vshrl.u32 v0, $0x5  }
0x102: {  	v2 =	vand.u32 $0x7FFFF80, v2  }
0x103: {  	v0 =	vadd.s32 v0, v2  }
0x104: {  	[tilespmem:$0xC5B0] =	vst v0  }
0x105: {  	v0 =	vld.idx.msk [tilespmem:v1+s2+$0x0], $0xffff;
	_ =	sdelay $0x3  }
0x106: {  	v1 =	vld [tilespmem:$0xC450];
	_ =	sdelay $0x1  }
0x107: {  	v0 =	vshrl.u32 v0, $0x10  }
0x108: {  	v0 =	vadd.s32 $0xFFFFFFFF, v0  }
0x109: {  	v2 =	vshrl.u32 v0, $0x5  }
0x10a: {  	v2 =	vand.u32 $0x7FFFF80, v2  }
0x10b: {  	v0 =	vadd.s32 v0, v2  }
0x10c: {  	[tilespmem:$0xC600] =	vst v0  }
0x10d: {  	v0 =	vld.idx.msk [tilespmem:v1+s2+$0x0], $0xffff;
	_ =	sdelay $0x3  }
0x10e: {  	v1 =	vld [tilespmem:$0xC460];
	_ =	sdelay $0x1  }
0x10f: {  	v0 =	vshrl.u32 v0, $0x10  }
0x110: {  	v0 =	vadd.s32 $0xFFFFFFFF, v0  }
0x111: {  	v2 =	vshrl.u32 v0, $0x5  }
0x112: {  	v2 =	vand.u32 $0x7FFFF80, v2  }
0x113: {  	v0 =	vadd.s32 v0, v2  }
0x114: {  	[tilespmem:$0xC610] =	vst v0  }
0x115: {  	v0 =	vld.idx.msk [tilespmem:v1+s2+$0x0], $0xffff;
	_ =	sdelay $0x3  }
0x116: {  	v1 =	vld [tilespmem:$0xC470];
	_ =	sdelay $0x1  }
0x117: {  	v0 =	vshrl.u32 v0, $0x10  }
0x118: {  	v0 =	vadd.s32 $0xFFFFFFFF, v0  }
0x119: {  	v2 =	vshrl.u32 v0, $0x5  }
0x11a: {  	v2 =	vand.u32 $0x7FFFF80, v2  }
0x11b: {  	v0 =	vadd.s32 v0, v2  }
0x11c: {  	[tilespmem:$0xC620] =	vst v0  }
0x11d: {  	v0 =	vld.idx.msk [tilespmem:v1+s2+$0x0], $0xffff;
	_ =	sdelay $0x5  }
0x11e: {  	v0 =	vshrl.u32 v0, $0x10  }
0x11f: {  	v0 =	vadd.s32 $0xFFFFFFFF, v0  }
0x120: {  	v1 =	vshrl.u32 v0, $0x5  }
0x121: {  	v1 =	vand.u32 $0x7FFFF80, v1  }
0x122: {  	v0 =	vadd.s32 v0, v1  }
0x123: {  	[tilespmem:$0xC630] =	vst v0  }
0x124: {  	[tilespmem:s10], [sflag:$0x1] =	stream.indirect.gather [hbm4b:s7+s8], $0x80, s9, s8, $0xb8;
	[tilespmem:$0x14680] =	vst v63  }
0x125: {  	_ = 	snop  }
0x126: {  	[tilespmem:s12], [sflag:$0x1] =	stream.indirect.gather [hbm4b:s7+s8], $0x80, s11, s8, $0xb8;
	[tilespmem:$0x14680] =	vst v63  }
0x127: {  	_ = 	snop  }
0x128: {  	[tilespmem:s14], [sflag:$0x1] =	stream.indirect.gather [hbm4b:s7+s8], $0x80, s13, s8, $0xb8;
	[tilespmem:$0x14680] =	vst v63  }
0x129: {  	_ = 	snop  }
0x12a: {  	[tilespmem:s16], [sflag:$0x1] =	stream.indirect.gather [hbm4b:s7+s8], $0x80, s15, s8, $0xb8;
	[tilespmem:$0x14680] =	vst v63  }
0x12b: {  	_ =	swait.ge [sflag:s17], $0x8000  }
.Ltmp1:
0x12c: {  	[sflag:s17] =	ssyncset.done $0x0;
	(pc) =	sbr.rel @p0 .LBB2_1-.Ltmp1, $4  }
0x12d: {  	[sflag:s17] =	ssyncadd.s32 $0xFFFF8000  }
0x12e: {  	[hbm4b:s18+s2] =	stream.linear.scatter [tilespmem:s10], [sflag:$0x2], $0x8000, $0x38;
	[tilespmem:$0x14680] =	vst v63  }
0x12f: {  	_ =	swait.ge [sflag:s4], $0x8000  }
0x130: {  	[sflag:s4] =	ssyncset.done $0x0  }
.LBB2_2:
0x131: {  	[sflag:s4] =	ssyncadd.s32 $0xFFFF8000  }
0x132: {  	_ =	sfence.sel $0x180000  }
0x133: {  	[bflag:$0x0] =	sbarrier.arrive $0xFFFF  }
0x134: {  	p0 =	sne.s32 s1, $0x0;
	_ =	strace $0x9000004D  }
0x135: {  	s0 =	sadd.s32 @!p0 $0x100000, s0;
	[bflag:$0x2] =	sbarrier.arrive $0xFFFF  }
0x136: {  	[sflag:s0] =	ssyncadd.tile.s32 @!p0 $0x1;
	_ =	shalt  }
.Lfunc_end2:
_tile_overlayer_lowered:
.L_overlay_start_2:
0x137: {  	(tag) =	ssettag $0x2  }
0x138: {  	s0 =	rddreg [dreg:$0x0];
	s2 =	stileid.u32  }
0x139: {  	s1 =	rddreg [dreg:$0x1];
	p0 =	sne.s32 s2, $0x0  }
0x13a: {  	s3 =	rddreg [dreg:$0x2];
	[bflag:$0x3] =	sbarrier.arrive $0xFFFF;
	s2 =	simm.s32 @!p0 $0x1C02  }
0x13b: {  	[timem:s3], [sflag:s2] =	dma.local @!p0 [hbm:s0], s1  }
0x13c: {  	s0 =	simm.s32 @!p0 $0x2  }
0x13d: {  	_ =	swait.ge @!p0 [sflag:s0], s1  }
0x13e: {  	s1 =	ssub.s32 @!p0 $0x0, s1;
	[sflag:s0] =	ssyncset.done @!p0 $0x0  }
0x13f: {  	[sflag:s0] =	ssyncadd.s32 @!p0 s1  }
0x140: {  	[bflag:$0x3] =	sbarrier.arrive $0xFFFF  }
0x141: {  	_ =	shalt  }

// kernel: kernel.7.cloned.1.call-start
scs
__scs_entry_jumppad:
0x0: {  	(pc) =	sbr.rel $0x88, $3  }
0x1: {  	(tag) =	ssettag $0x0;
	lr =	simm.s32 $0x1  }
0x2: {  	[smem:$0x3F89] =	sst lr;
	_ =	strace $0xD0000000  }
0x3: {  	_ = 	snop  }
0x4: {  	_ = 	snop  }
0x5: {  	_ = 	snop  }
0x6: {  	_ = 	snop  }
0x7: {  	_ = 	snop  }
__scs_overlays_trampoline_lowered:
0x8: {  	[smem:$0x3F98] =	sst s0  }
0x9: {  	[smem:$0x3F99] =	sst s1  }
0xa: {  	[smem:$0x3F9A] =	sst s2  }
0xb: {  	[smem:$0x3F9B] =	sst s3  }
0xc: {  	[smem:$0x3F9C] =	sst s4  }
0xd: {  	[smem:$0x3F9D] =	sst s5  }
0xe: {  	[smem:$0x3F9E] =	sst s6  }
0xf: {  	[smem:$0x3F9F] =	sst s7  }
0x10: {  	[smem:$0x3FA0] =	sst s8  }
0x11: {  	[smem:$0x3FA1] =	sst s9;
	s0 =	simm.s32 @!p0 $0x0  }
0x12: {  	s1 =	sld [smem:$0x3F87];
	s0 =	simm.s32 @p0 $0x1  }
0x13: {  	[smem:$0x3FA2] =	sst s0;
	s0 =	simm.s32 @!p1 $0x0  }
0x14: {  	s2 =	sld [smem:$0x3F86];
	s0 =	simm.s32 @p1 $0x1  }
0x15: {  	[smem:$0x3FA3] =	sst s0;
	s0 =	simm.s32 @!p2 $0x0  }
0x16: {  	s3 =	sld [smem:$0x3FDB];
	s0 =	simm.s32 @p2 $0x1  }
0x17: {  	s4 =	simm.s32 $0x1BF5;
	[smem:$0x3FA5] =	sst s0  }
0x18: {  	s0 =	sld [smem:$0x3F88];
	_ =	swait.ge [sflag:s4], $0x0  }
0x19: {  	s7 =	sld [smem:$0x3F89]  }
0x1a: {  	s8 =	sadd.s32 $0xFFFFE003, lr  }
0x1b: {  	s9 =	sadd.s32 $0xFFFFFEF7, lr;
	s5 =	simm.s32 $0xFFFFFFFF;
	p2 =	slt.u32 s8, $0xFFFFF086  }
0x1c: {  	p1 =	slt.u32 s9, $0xF7A;
	s5 =	simm.s32 @!p2 $0x0  }
0x1d: {  	s5 =	simm.s32 @p1 $0x1;
	p0 =	seq.s32 s7, s2  }
0x1e: {  	s7 =	smul.u32 @!p0 $0xF7A, s2;
	p2 =	seq.s32 @!p0 s5, $0x0  }
0x1f: {  	s9 =	smul.u32 $0xF7A, s1;
	s8 =	simm.s32 @!p0 $0x1BF5;
	p2 =	por !p2, p0  }
0x20: {  	[sflag:s8] =	ssyncset.s32 @!p0 $0xFFFFF086;
	s6 =	sadd.s32 @!p0 s3, s7;
	s7 =	simm.s32 @!p0 $0x108  }
0x21: {  	s3 =	sadd.s32 s3, s9;
	s6 =	sadd.s32 @!p0 $0x88, s6;
	s7 =	simm.s32 @p2 $0x1082  }
0x22: {  	[simem:s7], [sflag:s8] =	dma.local @!p0 [hbm:s6], $0xF7A  }
0x23: {  	s9 =	sor.u32 $0xD0000000, s2;
	s6 =	simm.s32 $0x108;
	_ =	swait.ge @!p0 [sflag:s8], $0x0  }
0x24: {  	s3 =	sadd.s32 $0x88, s3;
	s6 =	simm.s32 @!p1 $0x1082;
	[sflag:s4] =	ssyncset.s32 $0xFFFFF086  }
0x25: {  	[simem:s6], [sflag:s4] =	dma.local [hbm:s3], $0xF7A  }
0x26: {  	[smem:$0x3F89] =	sst s1;
	(tag) =	ssettag s2;
	_ =	strace s9  }
0x27: {  	s1 =	sld [smem:$0x3F99]  }
0x28: {  	s2 =	sld [smem:$0x3F9A]  }
0x29: {  	s4 =	sld [smem:$0x3F9C]  }
0x2a: {  	p0 =	seq.s32 s5, $0x0;
	s5 =	sld [smem:$0x3F9D]  }
0x2b: {  	s6 =	sld [smem:$0x3F9E]  }
0x2c: {  	s7 =	sld [smem:$0x3F9F]  }
0x2d: {  	s3 =	simm.s32 $0x108;
	s8 =	sld [smem:$0x3FA0]  }
0x2e: {  	s3 =	simm.s32 @!p0 $0x1082;
	s9 =	sld [smem:$0x3FA1]  }
0x2f: {  	lr =	sadd.s32 s0, s3;
	s0 =	sld [smem:$0x3F98]  }
0x30: {  	s3 =	sld [smem:$0x3F9B]  }
0x31: {  	[smem:$0x3FA4] =	sst s10  }
0x32: {  	s10 =	sld [smem:$0x3FA2];
	_ =	sdelay $0x3  }
0x33: {  	p0 =	seq.s32 s10, $0x1;
	s10 =	sld [smem:$0x3FA4];
	_ =	sdelay $0x3  }
0x34: {  	[smem:$0x3FA4] =	sst s10  }
0x35: {  	s10 =	sld [smem:$0x3FA3];
	_ =	sdelay $0x3  }
0x36: {  	p1 =	seq.s32 s10, $0x1;
	s10 =	sld [smem:$0x3FA4];
	_ =	sdelay $0x3  }
0x37: {  	[smem:$0x3FA4] =	sst s10  }
0x38: {  	s10 =	sld [smem:$0x3FA5]  }
0x39: {  	_ = 	snop;
	(pc) =	sbr.ind lr, $3  }
0x3a: {  	_ = 	snop  }
0x3b: {  	_ = 	snop  }
0x3c: {  	p2 =	seq.s32 s10, $0x1;
	s10 =	sld [smem:$0x3FA4]  }
0x3d: {  	_ =	shalt  }
0x3e: {  	_ =	shalt  }
0x3f: {  	_ =	shalt  }
0x40: {  	_ =	shalt  }
0x41: {  	_ =	shalt  }
0x42: {  	_ =	shalt  }
0x43: {  	_ =	shalt  }
0x44: {  	_ =	shalt  }
0x45: {  	_ =	shalt  }
0x46: {  	_ =	shalt  }
0x47: {  	_ =	shalt  }
0x48: {  	_ =	shalt  }
0x49: {  	_ =	shalt  }
0x4a: {  	_ =	shalt  }
0x4b: {  	_ =	shalt  }
0x4c: {  	_ =	shalt  }
0x4d: {  	_ =	shalt  }
0x4e: {  	_ =	shalt  }
0x4f: {  	_ =	shalt  }
0x50: {  	_ =	shalt  }
0x51: {  	_ =	shalt  }
0x52: {  	_ =	shalt  }
0x53: {  	_ =	shalt  }
0x54: {  	_ =	shalt  }
0x55: {  	_ =	shalt  }
0x56: {  	_ =	shalt  }
0x57: {  	_ =	shalt  }
0x58: {  	_ =	shalt  }
0x59: {  	_ =	shalt  }
0x5a: {  	_ =	shalt  }
0x5b: {  	_ =	shalt  }
0x5c: {  	_ =	shalt  }
0x5d: {  	_ =	shalt  }
0x5e: {  	_ =	shalt  }
0x5f: {  	_ =	shalt  }
0x60: {  	_ =	shalt  }
0x61: {  	_ =	shalt  }
0x62: {  	_ =	shalt  }
0x63: {  	_ =	shalt  }
0x64: {  	_ =	shalt  }
0x65: {  	_ =	shalt  }
0x66: {  	_ =	shalt  }
0x67: {  	_ =	shalt  }
0x68: {  	_ =	shalt  }
0x69: {  	_ =	shalt  }
0x6a: {  	_ =	shalt  }
0x6b: {  	_ =	shalt  }
0x6c: {  	_ =	shalt  }
0x6d: {  	_ =	shalt  }
0x6e: {  	_ =	shalt  }
0x6f: {  	_ =	shalt  }
0x70: {  	_ =	shalt  }
0x71: {  	_ =	shalt  }
0x72: {  	_ =	shalt  }
0x73: {  	_ =	shalt  }
0x74: {  	_ =	shalt  }
0x75: {  	_ =	shalt  }
0x76: {  	_ =	shalt  }
0x77: {  	_ =	shalt  }
0x78: {  	_ =	shalt  }
0x79: {  	_ =	shalt  }
0x7a: {  	_ =	shalt  }
0x7b: {  	_ =	shalt  }
0x7c: {  	_ =	shalt  }
0x7d: {  	_ =	shalt  }
0x7e: {  	_ =	shalt  }
0x7f: {  	_ =	shalt  }
0x80: {  	_ =	shalt  }
0x81: {  	_ =	shalt  }
0x82: {  	_ =	shalt  }
0x83: {  	_ =	shalt  }
0x84: {  	_ =	shalt  }
0x85: {  	_ =	shalt  }
0x86: {  	_ =	shalt  }
0x87: {  	_ =	shalt  }
.Lfunc_end0:
.L_simem_size_0:
called_computation.1_lowered:
.L_overlay_start_0:
0x88: {  	s2 =	sld [smem:$0x3FD9]  }
0x89: {  	s3 =	sld [smem:$0x3FFE];
	_ =	sdelay $0x1  }
0x8a: {  	s1 =	srdreg.scid  }
0x8b: {  	s0 =	sand.u32 $0x1, s1  }
0x8c: {  	s16 =	sshll.u32 s0, $0xA;
	s2 =	sadd.s32 s3, s2  }
0x8d: {  	s2 =	sadd.s32 s2, s16  }
0x8e: {  	[smem:$0x3FB0] =	sst s2  }
0x8f: {  	_ = 	snop  }
0x90: {  	(tm) =	ssettm $0x1  }
0x91: {  	s17 =	sld [smem:$0x3FFB];
	_ =	sdelay $0x3  }
0x92: {  	_ =	strace s17  }
0x93: {  	s2 =	sld [smem:$0x3FFC];
	_ =	sdelay $0x3  }
0x94: {  	_ =	strace s2  }
0x95: {  	s2 =	sld [smem:$0x3FFD];
	_ =	sdelay $0x3  }
0x96: {  	_ =	strace s2  }
0x97: {  	_ =	strace $0x8FFFFFFF  }
0x98: {  	s18 =	sld [smem:$0x3FDB];
	_ =	sdelay $0x1  }
0x99: {  	s19 =	simm.s32 $_scs_section_size  }
0x9a: {  	s4 =	simm.s32 $_size__tile_overlayer_lowered;
	s5 =	simm.s32 $_tile_overlayer_lowered  }
0x9b: {  	s22 =	simm.s32 $0x1BFF;
	s21 =	sshll.u32 s5, $0x1;
	s2 =	sadd.s32 s19, s18  }
0x9c: {  	s6 =	simm.s32 $0x0;
	s20 =	sshll.u32 s4, $0x1;
	s4 =	sadd.s32 s21, s2  }
0x9d: {  	[timem:s6], [sflag:s22] =	dma.local [hbm:s4], s20  }
0x9e: {  	_ =	swait.ge [sflag:s22], s20  }
0x9f: {  	s3 =	ssub.s32 $0x0, s20;
	[sflag:s22] =	ssyncset.done $0x0  }
0xa0: {  	[sflag:s22] =	ssyncadd.s32 s3;
	_ =	sdelay $0x1  }
0xa1: {  	s23 =	simm.s32 $0x1B8B  }
0xa2: {  	_ =	swait.ge [sflag:s23], $0x1  }
0xa3: {  	[sflag:s23] =	ssyncset.done $0x0  }
0xa4: {  	s25 =	simm.s32 $0x1B8E;
	s24 =	sld [smem:$0x3FFE];
	[sflag:s23] =	ssyncadd.s32 $0xFFFFFFFF  }
0xa5: {  	s26 =	simm.s32 $execute0_lowered;
	[smem:$0x3FD2] =	sst s25  }
0xa6: {  	s4 =	sshll.u32 s26, $0x1;
	_ =	strace $0x80000049;
	[dreg:$0x1] =	wrdreg $0xFFFFFFFF  }
0xa7: {  	s28 =	simm.s32 $_size_execute0_lowered;
	s2 =	sadd.s32 s2, s4;
	[dreg:$0x0] =	wrdreg $0x0  }
0xa8: {  	s4 =	sshll.u32 s28, $0x1;
	[dreg:$0x2] =	wrdreg s2  }
0xa9: {  	[dreg:$0x3] =	wrdreg s4  }
0xaa: {  	[dreg:$0x4] =	wrdreg $0xC0  }
0xab: {  	_ =	task [dreg:s6], $0x5FFFF  }
0xac: {  	[dreg:$0x1] =	wrdreg $0xFFFFFFFF  }
0xad: {  	[dreg:$0x0] =	wrdreg $0x60  }
0xae: {  	[dreg:$0x2] =	wrdreg s24  }
0xaf: {  	[dreg:$0x3] =	wrdreg $0x178800  }
0xb0: {  	[dreg:$0x4] =	wrdreg $0x9  }
0xb1: {  	_ =	task.clear_ibuf [dreg:s6], $0x5FFFF;
	_ =	strace $0x90000049  }
0xb2: {  	s29 =	simm.s32 $0x9;
	_ =	strace $0x8000004B  }
0xb3: {  	_ =	swait.ge [sflag:s29], $0x1  }
0xb4: {  	[sflag:s29] =	ssyncadd.s32 $0xFFFFFFFF  }
0xb5: {  	_ =	strace $0x9000004B  }
0xb6: {  	_ =	sfence  }
0xb7: {  	s30 =	sld [smem:$0x0];
	_ =	sdelay $0x2  }
0xb8: {  	s31 =	sshll.u32 s1, $0xD;
	s1 =	sshrl.u32 s1, $0x2  }
0xb9: {  	s3 =	sand.u32 $0x4000, s31;
	s1 =	sadd.s32 s1, s30  }
0xba: {  	s0 =	sor.u32 s3, s0;
	s1 =	sshll.u32 s1, $0x11  }
0xbb: {  	s0 =	sor.u32 s1, s0  }
0xbc: {  	s0 =	sadd.s32 $0x8F2B, s0  }
0xbd: {  	[sflag:s0] =	ssyncadd.remote.s32 $0x1  }
0xbe: {  	_ =	sfence.sel $0xFFFF  }
0xbf: {  	[dreg:$0x0] =	wrdreg $0xFFFFFFFF;
	(pc) =	sbr.abs _section_cstart, $3  }
0xc0: {  	[dreg:$0x1] =	wrdreg $0xFFFFFFFF  }
0xc1: {  	_ =	task.clear_ibuf [dreg:s6], $0x2FFFF;
	_ =	strace $0x9FFFFFFF  }
0xc2: {  	(tm) =	ssettm $0x7FFFFFFF  }
0xc3: {  	_ =	shalt  }
tec
execute0_lowered:
.L_overlay_start_1:
0x0: {  	(tag) =	ssettag $0x1  }
0x1: {  	s0 =	rddreg [dreg:$0x0]  }
0x2: {  	s1 =	rddreg [dreg:$0x1]  }
0x3: {  	s3 =	srdreg.scid;
	s2 =	simm.s32 $0x0;
	s13 =	stileid.u32  }
0x4: {  	s18 =	simm.s32 $0x3;
	s22 =	simm.s32 $0xE380;
	s21 =	simm.s32 $0x2  }
0x5: {  	s23 =	simm.s32 $0x1;
	s25 =	simm.s32 $0x40;
	s28 =	simm.s32 $0x0  }
0x6: {  	s3 =	sand.u32 $0x1, s3;
	[smem:$0x7FF] =	sst s2;
	s8 =	smul.u32 $0x1080, s13  }
0x7: {  	s6 =	sshll.u32 s13, $0x5;
	s5 =	sadd.s32 $0x7E00, s0;
	s12 =	smul.u32 $0x21000, s13  }
0x8: {  	s14 =	sadd.s32 $0x27E00, s0;
	s30 =	sshll.u32 s13, $0x6;
	s4 =	sshll.u32 s3, $0x4  }
0x9: {  	_ =	strace $0x8000004A;
	s9 =	sadd.s32 s6, s0;
	s10 =	smul.u32 $0x10800, s3  }
0xa: {  	s6 =	sadd.s32 $0x38200, s0;
	s11 =	ssub.s32 $0x2, s3;
	[dreg:$0x3] =	wrdreg s14  }
0xb: {  	s3 =	sshll.u32 s3, $0x9;
	s7 =	sadd.s32 s4, s0;
	s4 =	sadd.s32 $0x17E00, s0  }
0xc: {  	s26 =	sshrl.u32 s11, $0x1;
	s29 =	sshrl.u32 s12, $0x2;
	s3 =	sadd.s32 s3, s9  }
0xd: {  	s12 =	sshll.u32 s13, $0xC;
	s8 =	sadd.s32 s8, s10;
	s16 =	ssub.s32 s11, s26  }
0xe: {  	s17 =	sadd.s32 s29, s1;
	s7 =	sadd.s32 $0x4C00, s7;
	s3 =	sadd.s32 $0x37E00, s3  }
.Ltmp0:
0xf: {  	s11 =	sshll.u32 s13, $0x8;
	s13 =	sadd.s32 s4, s12;
	(pc) =	sbr.rel .LBB2_1-.Ltmp0, $4  }
0x10: {  	s14 =	sadd.s32 s5, s12;
	s0 =	sadd.s32 s8, s0;
	[dreg:$0x4] =	wrdreg s7  }
0x11: {  	s8 =	sor.u32 $0x1C03, s30;
	[dreg:$0x5] =	wrdreg s3;
	s31 =	smax.u32 s16, $0x1  }
0x12: {  	v0 =	vlaneseq.u32;
	v3 =	vimm.s32 $0x0;
	s17 =	sshrl.u32 s17, $0x3;
	s0 =	sadd.s32 $0x11B800, s0;
	[dreg:$0x7] =	wrdreg s31  }
0x13: {  	v4 =	vimm.s32 $0x10000000;
	v1 =	vmul.u32 $0x10000, v0;
	v2 =	vadd.s32 $0x1, v0;
	s24 =	sadd.s32 $0x10, s13;
	s26 =	sadd.s32 $0x20, s13;
	[dreg:$0x6] =	wrdreg s0  }
.LBB2_18:
0x14: {  	[sflag:s18] =	ssyncadd.s32 $0xFFFFE000  }
.LBB2_19:
0x15: {  	[bflag:$0x0] =	sbarrier.arrive $0xFFFF  }
0x16: {  	s0 =	rddreg [dreg:$0x6]  }
0x17: {  	[hbm:s0], [sflag:s8] =	dma.local [spmem:s17], $0x1080  }
0x18: {  	_ =	swait.ge [sflag:s18], $0x1080  }
0x19: {  	s28 =	sadd.s32 $0x1, s28;
	s31 =	rddreg [dreg:$0x7]  }
0x1a: {  	p0 =	sne.s32 s28, s31  }
.Ltmp1:
0x1b: {  	_ = 	snop;
	(pc) =	sbr.rel @!p0 .LBB2_20-.Ltmp1, $3  }
0x1c: {  	_ =	sdelay $0x1  }
0x1d: {  	[sflag:s18] =	ssyncset.done $0x0  }
0x1e: {  	[sflag:s18] =	ssyncadd.s32 $0xFFFFEF80  }
.LBB2_1:
0x1f: {  	s0 =	rddreg [dreg:$0x3]  }
0x20: {  	[spmem:s17], [sflag:s8] =	dma.local [hbm:s0], $0x1080  }
0x21: {  	_ =	swait.ge [sflag:s18], $0x1080  }
0x22: {  	s3 =	simm.s32 $0x80;
	[sflag:s18] =	ssyncset.done $0x0  }
0x23: {  	s7 =	simm.s32 $0x100;
	s29 =	rddreg [dreg:$0x4];
	[sflag:s18] =	ssyncadd.s32 $0xFFFFEF80  }
0x24: {  	[tilespmem:s2], [sflag:$0x3] =	stream.strided.gather [hbm4b:s29+s3], $0xC380, s7, s3, $0x38;
	[tilespmem:$0x1FC80] =	vst v63  }
0x25: {  	_ =	swait.ge [sflag:s18], $0xC380  }
0x26: {  	[sflag:s18] =	ssyncset.done $0x0  }
0x27: {  	[sflag:s18] =	ssyncadd.s32 $0xFFFF3C80  }
0x28: {  	[bflag:$0x0] =	sbarrier.arrive $0xFFFF  }
0x29: {  	s31 =	simm.s32 $0x17780;
	s30 =	rddreg [dreg:$0x5]  }
0x2a: {  	[tilespmem:s31], [sflag:$0x3] =	stream.linear.gather [hbm4b:s30+s2], $0x100, $0x38;
	[tilespmem:$0x1FC80] =	vst v63  }
0x2b: {  	_ =	swait.ge [sflag:s18], $0x100  }
0x2c: {  	[sflag:s18] =	ssyncset.done $0x0  }
0x2d: {  	v5 =	vimm.s32 $0x0;
	s0 =	smov.u32 s11;
	s3 =	simm.s32 $0x0;
	[sflag:s18] =	ssyncadd.s32 $0xFFFFFF00  }
.LBB2_2:
0x2e: {  	s7 =	sshra.s32 s3, $0x2  }
0x2f: {  	v6 =	vld [tilespmem:s7+$0x17780];
	_ =	sdelay $0x7  }
0x30: {  	v7 =	vld.idx.msk [tilespmem:v6+s2+$0x0], $0xffff;
	_ =	sdelay $0x4  }
0x31: {  	v8 =	vadd.s32 s0, v2;
	v7 =	vshrl.u32 v7, $0x10  }
0x32: {  	vm0 =	veq.s32 v7, v8  }
0x33: {  	v7 =	vsel vm0, $0x1, v3  }
0x34: {  	(xrf0) =	vadd.scan.msk.s32 $0xffff, v7;
	_ =	sdelay $0x5  }
0x35: {  	v62 =	vadd.s32 $0xFFFFFFFF, v5;
	v7, _, _ =	vpop (xrf0)  }
0x36: {  	v7 =	vadd.s32 v7, v62  }
0x37: {  	p0 =	sne.s32 s3, $0x3C0;
	v7 =	vand.u32 $0xFFF, v7  }
.Ltmp2:
0x38: {  	v63 =	vmov s0;
	(pc) =	sbr.rel @p0 .LBB2_2-.Ltmp2, $4  }
0x39: {  	v8 =	vshll.u32 v63, $0x10  }
0x3a: {  	v8 =	vor.u32 v1, v8;
	v9 =	vmpcnt.ones.xlane vm0  }
0x3b: {  	v6 =	vor.u32 v8, v6  }
0x3c: {  	s0 =	sadd.s32 $0x10, s0;
	s3 =	sadd.s32 $0x40, s3;
	v5 =	vadd.s32 v5, v9;
	[tilespmem:v7+s22+$0x0] =	vst.idx.msk vm0, v6  }
0x3d: {  	s29 =	simm.s32 $0x0;
	s0 =	simm.s32 $0xC380  }
0x3e: {  	[tilespmem:s0], [sflag:$0x2] =	stream.linear.gather [hbm4b:s13+s29], $0x80, $0x38;
	[tilespmem:$0x1FC80] =	vst v63  }
0x3f: {  	s3 =	simm.s32 $0xC480  }
0x40: {  	[tilespmem:s3], [sflag:$0x2] =	stream.linear.gather [hbm4b:s24+s29], $0x80, $0x38;
	[tilespmem:$0x1FC80] =	vst v63  }
0x41: {  	s7 =	simm.s32 $0xC580  }
0x42: {  	[tilespmem:s7], [sflag:$0x2] =	stream.linear.gather [hbm4b:s26+s29], $0x80, $0x38;
	[tilespmem:$0x1FC80] =	vst v63  }
0x43: {  	s9 =	sadd.s32 $0x30, s13;
	s3 =	simm.s32 $0xC680  }
0x44: {  	[tilespmem:s3], [sflag:$0x2] =	stream.linear.gather [hbm4b:s9+s29], $0x80, $0x38;
	[tilespmem:$0x1FC80] =	vst v63  }
0x45: {  	s10 =	sadd.s32 $0x40, s13;
	s15 =	simm.s32 $0xC780  }
0x46: {  	[tilespmem:s15], [sflag:$0x2] =	stream.linear.gather [hbm4b:s10+s29], $0x80, $0x38;
	[tilespmem:$0x1FC80] =	vst v63  }
0x47: {  	s16 =	sadd.s32 $0x50, s13;
	s19 =	simm.s32 $0xC880  }
0x48: {  	[tilespmem:s19], [sflag:$0x2] =	stream.linear.gather [hbm4b:s16+s29], $0x80, $0x38;
	[tilespmem:$0x1FC80] =	vst v63  }
0x49: {  	s20 =	sadd.s32 $0x60, s13;
	s31 =	simm.s32 $0xC980  }
0x4a: {  	[tilespmem:s31], [sflag:$0x2] =	stream.linear.gather [hbm4b:s20+s29], $0x80, $0x38;
	[tilespmem:$0x1FC80] =	vst v63  }
0x4b: {  	s7 =	sadd.s32 $0x70, s13;
	s9 =	simm.s32 $0xCA80  }
0x4c: {  	[tilespmem:s9], [sflag:$0x2] =	stream.linear.gather [hbm4b:s7+s29], $0x80, $0x38;
	[tilespmem:$0x1FC80] =	vst v63  }
0x4d: {  	s10 =	sadd.s32 $0x80, s13;
	s15 =	simm.s32 $0xCB80  }
0x4e: {  	[tilespmem:s15], [sflag:$0x2] =	stream.linear.gather [hbm4b:s10+s29], $0x80, $0x38;
	[tilespmem:$0x1FC80] =	vst v63  }
0x4f: {  	s16 =	sadd.s32 $0x90, s13;
	s19 =	simm.s32 $0xCC80  }
0x50: {  	[tilespmem:s19], [sflag:$0x2] =	stream.linear.gather [hbm4b:s16+s29], $0x80, $0x38;
	[tilespmem:$0x1FC80] =	vst v63  }
0x51: {  	s20 =	sadd.s32 $0xA0, s13;
	s31 =	simm.s32 $0xCD80  }
0x52: {  	[tilespmem:s31], [sflag:$0x2] =	stream.linear.gather [hbm4b:s20+s29], $0x80, $0x38;
	[tilespmem:$0x1FC80] =	vst v63  }
0x53: {  	s7 =	sadd.s32 $0xB0, s13;
	s9 =	simm.s32 $0xCE80  }
0x54: {  	[tilespmem:s9], [sflag:$0x2] =	stream.linear.gather [hbm4b:s7+s29], $0x80, $0x38;
	[tilespmem:$0x1FC80] =	vst v63  }
0x55: {  	s10 =	sadd.s32 $0xC0, s13;
	s15 =	simm.s32 $0xCF80  }
0x56: {  	[tilespmem:s15], [sflag:$0x2] =	stream.linear.gather [hbm4b:s10+s29], $0x80, $0x38;
	[tilespmem:$0x1FC80] =	vst v63  }
0x57: {  	s16 =	sadd.s32 $0xD0, s13;
	s19 =	simm.s32 $0xD080  }
0x58: {  	[tilespmem:s19], [sflag:$0x2] =	stream.linear.gather [hbm4b:s16+s29], $0x80, $0x38;
	[tilespmem:$0x1FC80] =	vst v63  }
0x59: {  	s20 =	sadd.s32 $0xE0, s13;
	s31 =	simm.s32 $0xD180  }
0x5a: {  	[tilespmem:s31], [sflag:$0x2] =	stream.linear.gather [hbm4b:s20+s29], $0x80, $0x38;
	[tilespmem:$0x1FC80] =	vst v63  }
0x5b: {  	s3 =	sadd.s32 $0xF0, s13;
	s7 =	simm.s32 $0xD280  }
0x5c: {  	[tilespmem:s7], [sflag:$0x2] =	stream.linear.gather [hbm4b:s3+s29], $0x80, $0x38;
	[tilespmem:$0x1FC80] =	vst v63  }
0x5d: {  	s9 =	simm.s32 $0xD380  }
0x5e: {  	[tilespmem:s9], [sflag:$0x2] =	stream.linear.gather [hbm4b:s14+s29], $0x80, $0x38;
	[tilespmem:$0x1FC80] =	vst v63  }
0x5f: {  	s10 =	sadd.s32 $0x10, s14;
	s15 =	simm.s32 $0xD480  }
0x60: {  	[tilespmem:s15], [sflag:$0x2] =	stream.linear.gather [hbm4b:s10+s29], $0x80, $0x38;
	[tilespmem:$0x1FC80] =	vst v63  }
0x61: {  	s16 =	sadd.s32 $0x20, s14;
	s19 =	simm.s32 $0xD580  }
0x62: {  	[tilespmem:s19], [sflag:$0x2] =	stream.linear.gather [hbm4b:s16+s29], $0x80, $0x38;
	[tilespmem:$0x1FC80] =	vst v63  }
0x63: {  	s20 =	sadd.s32 $0x30, s14;
	s31 =	simm.s32 $0xD680  }
0x64: {  	[tilespmem:s31], [sflag:$0x2] =	stream.linear.gather [hbm4b:s20+s29], $0x80, $0x38;
	[tilespmem:$0x1FC80] =	vst v63  }
0x65: {  	s7 =	sadd.s32 $0x40, s14;
	s9 =	simm.s32 $0xD780  }
0x66: {  	[tilespmem:s9], [sflag:$0x2] =	stream.linear.gather [hbm4b:s7+s29], $0x80, $0x38;
	[tilespmem:$0x1FC80] =	vst v63  }
0x67: {  	s10 =	sadd.s32 $0x50, s14;
	s15 =	simm.s32 $0xD880  }
0x68: {  	[tilespmem:s15], [sflag:$0x2] =	stream.linear.gather [hbm4b:s10+s29], $0x80, $0x38;
	[tilespmem:$0x1FC80] =	vst v63  }
0x69: {  	s16 =	sadd.s32 $0x60, s14;
	s19 =	simm.s32 $0xD980  }
0x6a: {  	[tilespmem:s19], [sflag:$0x2] =	stream.linear.gather [hbm4b:s16+s29], $0x80, $0x38;
	[tilespmem:$0x1FC80] =	vst v63  }
0x6b: {  	s20 =	sadd.s32 $0x70, s14;
	s31 =	simm.s32 $0xDA80  }
0x6c: {  	[tilespmem:s31], [sflag:$0x2] =	stream.linear.gather [hbm4b:s20+s29], $0x80, $0x38;
	[tilespmem:$0x1FC80] =	vst v63  }
0x6d: {  	s7 =	sadd.s32 $0x80, s14;
	s9 =	simm.s32 $0xDB80  }
0x6e: {  	[tilespmem:s9], [sflag:$0x2] =	stream.linear.gather [hbm4b:s7+s29], $0x80, $0x38;
	[tilespmem:$0x1FC80] =	vst v63  }
0x6f: {  	s10 =	sadd.s32 $0x90, s14;
	s15 =	simm.s32 $0xDC80  }
0x70: {  	[tilespmem:s15], [sflag:$0x2] =	stream.linear.gather [hbm4b:s10+s29], $0x80, $0x38;
	[tilespmem:$0x1FC80] =	vst v63  }
0x71: {  	s16 =	sadd.s32 $0xA0, s14;
	s19 =	simm.s32 $0xDD80  }
0x72: {  	[tilespmem:s19], [sflag:$0x2] =	stream.linear.gather [hbm4b:s16+s29], $0x80, $0x38;
	[tilespmem:$0x1FC80] =	vst v63  }
0x73: {  	s20 =	sadd.s32 $0xB0, s14;
	s31 =	simm.s32 $0xDE80  }
0x74: {  	[tilespmem:s31], [sflag:$0x2] =	stream.linear.gather [hbm4b:s20+s29], $0x80, $0x38;
	[tilespmem:$0x1FC80] =	vst v63  }
0x75: {  	s7 =	sadd.s32 $0xC0, s14;
	s9 =	simm.s32 $0xDF80  }
0x76: {  	[tilespmem:s9], [sflag:$0x2] =	stream.linear.gather [hbm4b:s7+s29], $0x80, $0x38;
	[tilespmem:$0x1FC80] =	vst v63  }
0x77: {  	s10 =	sadd.s32 $0xD0, s14;
	s15 =	simm.s32 $0xE080  }
0x78: {  	[tilespmem:s15], [sflag:$0x2] =	stream.linear.gather [hbm4b:s10+s29], $0x80, $0x38;
	[tilespmem:$0x1FC80] =	vst v63  }
.Ltmp3:
0x79: {  	_ = 	snop;
	(pc) =	sbr.rel .LBB2_4-.Ltmp3, $4  }
0x7a: {  	s16 =	sadd.s32 $0xE0, s14;
	s19 =	simm.s32 $0xE180  }
0x7b: {  	[tilespmem:s19], [sflag:$0x2] =	stream.linear.gather [hbm4b:s16+s29], $0x80, $0x38;
	[tilespmem:$0x1FC80] =	vst v63  }
0x7c: {  	s30 =	simm.s32 $0x0;
	s20 =	sadd.s32 $0xF0, s14;
	s31 =	simm.s32 $0xE280  }
0x7d: {  	[tilespmem:s31], [sflag:$0x2] =	stream.linear.gather [hbm4b:s20+s29], $0x80, $0x38;
	[tilespmem:$0x1FC80] =	vst v63  }
.LBB2_11:
0x7e: {  	p0 =	sne.s32 s31, $0x10  }
.Ltmp4:
0x7f: {  	_ = 	snop;
	(pc) =	sbr.rel @!p0 .LBB2_12-.Ltmp4, $3  }
0x80: {  	_ =	sdelay $0x1  }
0x81: {  	s9 =	sand.u32 $0xFFFFFFC0, s9  }
0x82: {  	s30 =	smov.u32 s31;
	s29 =	sadd.s32 s3, s9  }
.LBB2_4:
0x83: {  	_ =	swait.ge [sflag:s21], $0x800;
	p0 =	seq.s32 s30, $0xF  }
.Ltmp5:
0x84: {  	[sflag:s21] =	ssyncset.done $0x0;
	(pc) =	sbr.rel @p0 .LBB2_6-.Ltmp5, $4  }
0x85: {  	[sflag:s21] =	ssyncadd.s32 $0xFFFFF800  }
0x86: {  	_ =	swait.ge [sflag:s21], $0x800  }
0x87: {  	[sflag:s21] =	ssyncset.done $0x0  }
0x88: {  	s3 =	smov.u32 s29;
	s31 =	sadd.s32 $0x1, s30;
	[sflag:s21] =	ssyncadd.s32 $0xFFFFF800  }
0x89: {  	s0 =	sshll.u32 s31, $0x7;
	s7 =	sshll.u32 s31, $0x8  }
0x8a: {  	s0 =	sand.u32 $0x80, s0;
	s7 =	sadd.s32 s12, s7  }
0x8b: {  	s9 =	sadd.s32 $0xC380, s0;
	s19 =	sadd.s32 s4, s7  }
0x8c: {  	[tilespmem:s9], [sflag:$0x2] =	stream.linear.gather [hbm4b:s19+s2], $0x80, $0x38;
	[tilespmem:$0x1FC80] =	vst v63  }
0x8d: {  	s20 =	sadd.s32 $0xC480, s0;
	s10 =	sadd.s32 $0x10, s19  }
0x8e: {  	[tilespmem:s20], [sflag:$0x2] =	stream.linear.gather [hbm4b:s10+s2], $0x80, $0x38;
	[tilespmem:$0x1FC80] =	vst v63  }
0x8f: {  	s16 =	sadd.s32 $0xC580, s0;
	s15 =	sadd.s32 $0x20, s19  }
0x90: {  	[tilespmem:s16], [sflag:$0x2] =	stream.linear.gather [hbm4b:s15+s2], $0x80, $0x38;
	[tilespmem:$0x1FC80] =	vst v63  }
0x91: {  	s29 =	sadd.s32 $0x30, s19;
	s10 =	sadd.s32 $0xC680, s0  }
0x92: {  	[tilespmem:s10], [sflag:$0x2] =	stream.linear.gather [hbm4b:s29+s2], $0x80, $0x38;
	[tilespmem:$0x1FC80] =	vst v63  }
0x93: {  	s15 =	sadd.s32 $0x40, s19;
	s16 =	sadd.s32 $0xC780, s0  }
0x94: {  	[tilespmem:s16], [sflag:$0x2] =	stream.linear.gather [hbm4b:s15+s2], $0x80, $0x38;
	[tilespmem:$0x1FC80] =	vst v63  }
0x95: {  	s29 =	sadd.s32 $0x50, s19;
	s10 =	sadd.s32 $0xC880, s0  }
0x96: {  	[tilespmem:s10], [sflag:$0x2] =	stream.linear.gather [hbm4b:s29+s2], $0x80, $0x38;
	[tilespmem:$0x1FC80] =	vst v63  }
0x97: {  	s15 =	sadd.s32 $0x60, s19;
	s16 =	sadd.s32 $0xC980, s0  }
0x98: {  	[tilespmem:s16], [sflag:$0x2] =	stream.linear.gather [hbm4b:s15+s2], $0x80, $0x38;
	[tilespmem:$0x1FC80] =	vst v63  }
0x99: {  	s29 =	sadd.s32 $0x70, s19;
	s10 =	sadd.s32 $0xCA80, s0  }
0x9a: {  	[tilespmem:s10], [sflag:$0x2] =	stream.linear.gather [hbm4b:s29+s2], $0x80, $0x38;
	[tilespmem:$0x1FC80] =	vst v63  }
0x9b: {  	s15 =	sadd.s32 $0x80, s19;
	s16 =	sadd.s32 $0xCB80, s0  }
0x9c: {  	[tilespmem:s16], [sflag:$0x2] =	stream.linear.gather [hbm4b:s15+s2], $0x80, $0x38;
	[tilespmem:$0x1FC80] =	vst v63  }
0x9d: {  	s29 =	sadd.s32 $0x90, s19;
	s10 =	sadd.s32 $0xCC80, s0  }
0x9e: {  	[tilespmem:s10], [sflag:$0x2] =	stream.linear.gather [hbm4b:s29+s2], $0x80, $0x38;
	[tilespmem:$0x1FC80] =	vst v63  }
0x9f: {  	s15 =	sadd.s32 $0xA0, s19;
	s16 =	sadd.s32 $0xCD80, s0  }
0xa0: {  	[tilespmem:s16], [sflag:$0x2] =	stream.linear.gather [hbm4b:s15+s2], $0x80, $0x38;
	[tilespmem:$0x1FC80] =	vst v63  }
0xa1: {  	s29 =	sadd.s32 $0xB0, s19;
	s10 =	sadd.s32 $0xCE80, s0  }
0xa2: {  	[tilespmem:s10], [sflag:$0x2] =	stream.linear.gather [hbm4b:s29+s2], $0x80, $0x38;
	[tilespmem:$0x1FC80] =	vst v63  }
0xa3: {  	s15 =	sadd.s32 $0xC0, s19;
	s16 =	sadd.s32 $0xCF80, s0  }
0xa4: {  	[tilespmem:s16], [sflag:$0x2] =	stream.linear.gather [hbm4b:s15+s2], $0x80, $0x38;
	[tilespmem:$0x1FC80] =	vst v63  }
0xa5: {  	s29 =	sadd.s32 $0xD0, s19;
	s10 =	sadd.s32 $0xD080, s0  }
0xa6: {  	[tilespmem:s10], [sflag:$0x2] =	stream.linear.gather [hbm4b:s29+s2], $0x80, $0x38;
	[tilespmem:$0x1FC80] =	vst v63  }
0xa7: {  	s15 =	sadd.s32 $0xE0, s19;
	s16 =	sadd.s32 $0xD180, s0  }
0xa8: {  	[tilespmem:s16], [sflag:$0x2] =	stream.linear.gather [hbm4b:s15+s2], $0x80, $0x38;
	[tilespmem:$0x1FC80] =	vst v63  }
0xa9: {  	s20 =	sadd.s32 $0xF0, s19;
	s29 =	sadd.s32 $0xD280, s0  }
0xaa: {  	[tilespmem:s29], [sflag:$0x2] =	stream.linear.gather [hbm4b:s20+s2], $0x80, $0x38;
	[tilespmem:$0x1FC80] =	vst v63  }
0xab: {  	s7 =	sadd.s32 s5, s7;
	s10 =	sadd.s32 $0xD380, s0  }
0xac: {  	[tilespmem:s10], [sflag:$0x2] =	stream.linear.gather [hbm4b:s7+s2], $0x80, $0x38;
	[tilespmem:$0x1FC80] =	vst v63  }
0xad: {  	s15 =	sadd.s32 $0x10, s7;
	s16 =	sadd.s32 $0xD480, s0  }
0xae: {  	[tilespmem:s16], [sflag:$0x2] =	stream.linear.gather [hbm4b:s15+s2], $0x80, $0x38;
	[tilespmem:$0x1FC80] =	vst v63  }
0xaf: {  	s19 =	sadd.s32 $0x20, s7;
	s20 =	sadd.s32 $0xD580, s0  }
0xb0: {  	[tilespmem:s20], [sflag:$0x2] =	stream.linear.gather [hbm4b:s19+s2], $0x80, $0x38;
	[tilespmem:$0x1FC80] =	vst v63  }
0xb1: {  	s29 =	sadd.s32 $0x30, s7;
	s10 =	sadd.s32 $0xD680, s0  }
0xb2: {  	[tilespmem:s10], [sflag:$0x2] =	stream.linear.gather [hbm4b:s29+s2], $0x80, $0x38;
	[tilespmem:$0x1FC80] =	vst v63  }
0xb3: {  	s15 =	sadd.s32 $0x40, s7;
	s16 =	sadd.s32 $0xD780, s0  }
0xb4: {  	[tilespmem:s16], [sflag:$0x2] =	stream.linear.gather [hbm4b:s15+s2], $0x80, $0x38;
	[tilespmem:$0x1FC80] =	vst v63  }
0xb5: {  	s19 =	sadd.s32 $0x50, s7;
	s20 =	sadd.s32 $0xD880, s0  }
0xb6: {  	[tilespmem:s20], [sflag:$0x2] =	stream.linear.gather [hbm4b:s19+s2], $0x80, $0x38;
	[tilespmem:$0x1FC80] =	vst v63  }
0xb7: {  	s29 =	sadd.s32 $0x60, s7;
	s10 =	sadd.s32 $0xD980, s0  }
0xb8: {  	[tilespmem:s10], [sflag:$0x2] =	stream.linear.gather [hbm4b:s29+s2], $0x80, $0x38;
	[tilespmem:$0x1FC80] =	vst v63  }
0xb9: {  	s15 =	sadd.s32 $0x70, s7;
	s16 =	sadd.s32 $0xDA80, s0  }
0xba: {  	[tilespmem:s16], [sflag:$0x2] =	stream.linear.gather [hbm4b:s15+s2], $0x80, $0x38;
	[tilespmem:$0x1FC80] =	vst v63  }
0xbb: {  	s19 =	sadd.s32 $0x80, s7;
	s20 =	sadd.s32 $0xDB80, s0  }
0xbc: {  	[tilespmem:s20], [sflag:$0x2] =	stream.linear.gather [hbm4b:s19+s2], $0x80, $0x38;
	[tilespmem:$0x1FC80] =	vst v63  }
0xbd: {  	s29 =	sadd.s32 $0x90, s7;
	s10 =	sadd.s32 $0xDC80, s0  }
0xbe: {  	[tilespmem:s10], [sflag:$0x2] =	stream.linear.gather [hbm4b:s29+s2], $0x80, $0x38;
	[tilespmem:$0x1FC80] =	vst v63  }
0xbf: {  	s15 =	sadd.s32 $0xA0, s7;
	s16 =	sadd.s32 $0xDD80, s0  }
0xc0: {  	[tilespmem:s16], [sflag:$0x2] =	stream.linear.gather [hbm4b:s15+s2], $0x80, $0x38;
	[tilespmem:$0x1FC80] =	vst v63  }
0xc1: {  	s19 =	sadd.s32 $0xB0, s7;
	s20 =	sadd.s32 $0xDE80, s0  }
0xc2: {  	[tilespmem:s20], [sflag:$0x2] =	stream.linear.gather [hbm4b:s19+s2], $0x80, $0x38;
	[tilespmem:$0x1FC80] =	vst v63  }
0xc3: {  	s29 =	sadd.s32 $0xC0, s7;
	s10 =	sadd.s32 $0xDF80, s0  }
0xc4: {  	[tilespmem:s10], [sflag:$0x2] =	stream.linear.gather [hbm4b:s29+s2], $0x80, $0x38;
	[tilespmem:$0x1FC80] =	vst v63  }
0xc5: {  	s15 =	sadd.s32 $0xD0, s7;
	s16 =	sadd.s32 $0xE080, s0  }
0xc6: {  	[tilespmem:s16], [sflag:$0x2] =	stream.linear.gather [hbm4b:s15+s2], $0x80, $0x38;
	[tilespmem:$0x1FC80] =	vst v63  }
0xc7: {  	s20 =	sadd.s32 $0xE0, s7;
	s29 =	sadd.s32 $0xE180, s0  }
0xc8: {  	[tilespmem:s29], [sflag:$0x2] =	stream.linear.gather [hbm4b:s20+s2], $0x80, $0x38;
	[tilespmem:$0x1FC80] =	vst v63  }
0xc9: {  	s7 =	sadd.s32 $0xF0, s7;
	s0 =	sadd.s32 $0xE280, s0  }
0xca: {  	[tilespmem:s0], [sflag:$0x2] =	stream.linear.gather [hbm4b:s7+s2], $0x80, $0x38;
	[tilespmem:$0x1FC80] =	vst v63  }
.LBB2_6:
0xcb: {  	s0 =	sshll.u32 s30, $0x7;
	s20 =	simm.s32 $0xFFFFFFFC  }
0xcc: {  	s7 =	simm.s32 $0x0;
	s9 =	simm.s32 $0x0;
	s0 =	sand.u32 $0x80, s0  }
0xcd: {  	s29 =	sor.u32 $0x10, s0;
	s30 =	sor.u32 $0x20, s0;
	s19 =	sor.u32 $0x30, s0  }
.LBB2_7:
0xce: {  	s10 =	sand.u32 $0x40, s7  }
0xcf: {  	s15 =	sand.u32 $0xF00, s9;
	s16 =	sor.u32 s0, s10  }
0xd0: {  	s16 =	sor.u32 s15, s16  }
0xd1: {  	v6 =	vld [tilespmem:s16+$0xC380];
	_ =	sdelay $0x7  }
0xd2: {  	v6 =	vld.idx.msk [tilespmem:v6+s2+$0x0], $0xffff;
	_ =	sdelay $0x4  }
0xd3: {  	vm0 =	vgt.u32 v6, $0xFFFF  }
0xd4: {  	v7 =	vsel vm0, $0x1, v3  }
0xd5: {  	(xrf0) =	vadd.scan.msk.s32 $0xffff, v7;
	_ =	sdelay $0x5  }
0xd6: {  	v8 =	vadd.s32 $0xFFFFFFFF, v5;
	v7, _, _ =	vpop (xrf0)  }
0xd7: {  	v9 =	vld [tilespmem:s16+$0xD380];
	v7 =	vadd.s32 v7, v8  }
0xd8: {  	v7 =	vand.u32 $0xFFF, v7;
	_ =	sdelay $0x1  }
0xd9: {  	v6 =	vand.u32 $0xFFFF0000, v6  }
0xda: {  	v6 =	vadd.s32 $0xFFFF0000, v6  }
0xdb: {  	s16 =	sor.u32 s29, s10;
	v6 =	vor.u32 v9, v6  }
0xdc: {  	s16 =	sor.u32 s15, s16;
	[tilespmem:v7+s22+$0x0] =	vst.idx.msk vm0, v6  }
0xdd: {  	v6 =	vld [tilespmem:s16+$0xC380];
	_ =	sdelay $0x7  }
0xde: {  	v6 =	vld.idx.msk [tilespmem:v6+s2+$0x0], $0xffff;
	_ =	sdelay $0x4  }
0xdf: {  	vm1 =	vgt.u32 v6, $0xFFFF  }
0xe0: {  	v7 =	vsel vm1, $0x1, v3  }
0xe1: {  	(xrf0) =	vadd.scan.msk.s32 $0xffff, v7;
	_ =	sdelay $0x1  }
0xe2: {  	v7 =	vmpcnt.ones.xlane vm0;
	_ =	sdelay $0x2  }
0xe3: {  	v5 =	vadd.s32 v5, v7  }
0xe4: {  	v57 =	vadd.s32 $0xFFFFFFFF, v5;
	v7, _, _ =	vpop (xrf0)  }
0xe5: {  	v58 =	vld [tilespmem:s16+$0xD380];
	v7 =	vadd.s32 v7, v57  }
0xe6: {  	v7 =	vand.u32 $0xFFF, v7;
	_ =	sdelay $0x1  }
0xe7: {  	v6 =	vand.u32 $0xFFFF0000, v6  }
0xe8: {  	v6 =	vadd.s32 $0xFFFF0000, v6  }
0xe9: {  	s16 =	sor.u32 s30, s10;
	v6 =	vor.u32 v58, v6  }
0xea: {  	s16 =	sor.u32 s15, s16;
	[tilespmem:v7+s22+$0x0] =	vst.idx.msk vm1, v6  }
0xeb: {  	v6 =	vld [tilespmem:s16+$0xC380];
	_ =	sdelay $0x7  }
0xec: {  	v6 =	vld.idx.msk [tilespmem:v6+s2+$0x0], $0xffff;
	_ =	sdelay $0x4  }
0xed: {  	vm14 =	vgt.u32 v6, $0xFFFF  }
0xee: {  	v7 =	vsel vm14, $0x1, v3  }
0xef: {  	(xrf0) =	vadd.scan.msk.s32 $0xffff, v7;
	_ =	sdelay $0x1  }
0xf0: {  	v7 =	vmpcnt.ones.xlane vm1;
	_ =	sdelay $0x2  }
0xf1: {  	v5 =	vadd.s32 v5, v7  }
0xf2: {  	v59 =	vadd.s32 $0xFFFFFFFF, v5;
	v7, _, _ =	vpop (xrf0)  }
0xf3: {  	v60 =	vld [tilespmem:s16+$0xD380];
	v7 =	vadd.s32 v7, v59  }
0xf4: {  	v7 =	vand.u32 $0xFFF, v7;
	_ =	sdelay $0x1  }
0xf5: {  	v6 =	vand.u32 $0xFFFF0000, v6  }
0xf6: {  	v6 =	vadd.s32 $0xFFFF0000, v6  }
0xf7: {  	s10 =	sor.u32 s19, s10;
	v6 =	vor.u32 v60, v6  }
0xf8: {  	s10 =	sor.u32 s15, s10;
	[tilespmem:v7+s22+$0x0] =	vst.idx.msk vm14, v6  }
0xf9: {  	v6 =	vld [tilespmem:s10+$0xC380];
	_ =	sdelay $0x7  }
0xfa: {  	v6 =	vld.idx.msk [tilespmem:v6+s2+$0x0], $0xffff;
	_ =	sdelay $0x4  }
0xfb: {  	vm15 =	vgt.u32 v6, $0xFFFF  }
0xfc: {  	v7 =	vsel vm15, $0x1, v3  }
0xfd: {  	(xrf0) =	vadd.scan.msk.s32 $0xffff, v7;
	_ =	sdelay $0x1  }
0xfe: {  	v7 =	vmpcnt.ones.xlane vm14;
	_ =	sdelay $0x2  }
0xff: {  	v5 =	vadd.s32 v5, v7  }
0x100: {  	v61 =	vadd.s32 $0xFFFFFFFF, v5;
	v7, _, _ =	vpop (xrf0)  }
0x101: {  	s20 =	sadd.s32 $0x4, s20;
	v62 =	vld [tilespmem:s10+$0xD380];
	v7 =	vadd.s32 v7, v61  }
0x102: {  	p0 =	slt.u32 s20, $0x7C;
	v7 =	vand.u32 $0xFFF, v7  }
.Ltmp6:
0x103: {  	_ = 	snop;
	(pc) =	sbr.rel @p0 .LBB2_7-.Ltmp6, $4  }
0x104: {  	v6 =	vand.u32 $0xFFFF0000, v6  }
0x105: {  	v6 =	vadd.s32 $0xFFFF0000, v6;
	v63 =	vmpcnt.ones.xlane vm15  }
0x106: {  	v6 =	vor.u32 v62, v6  }
0x107: {  	s9 =	sadd.s32 $0x80, s9;
	s7 =	sadd.s32 $0x40, s7;
	v5 =	vadd.s32 v5, v63;
	[tilespmem:v7+s22+$0x0] =	vst.idx.msk vm15, v6  }
0x108: {  	v6 =	vxor.u32 $0x80000000, v5  }
0x109: {  	(xrf0) =	vmax.scan.msk.u32 $0xffff, v6;
	_ =	sdelay $0x5  }
0x10a: {  	v6, _, _ =	vpop (xrf0)  }
0x10b: {  	(v2sf) =	vpush v6, $0xF;
	_ =	sdelay $0xe  }
0x10c: {  	s0 =	spop (v2sf)  }
0x10d: {  	s7 =	sxor.u32 $0x80000000, s0  }
0x10e: {  	s9 =	ssub.s32 s7, s3  }
0x10f: {  	s19 =	sshrl.u32 s9, $0x6  }
0x110: {  	p0 =	seq.s32 s19, $0x0  }
.Ltmp7:
0x111: {  	_ = 	snop;
	(pc) =	sbr.rel @p0 .LBB2_11-.Ltmp7, $1  }
0x112: {  	_ =	sdelay $0x3  }
0x113: {  	s10 =	sshrl.u32 s3, $0x6  }
0x114: {  	s29 =	smov.u32 s3;
	s20 =	sadd.s32 $0x1, s10  }
.LBB2_10:
0x115: {  	s10 =	sadd.s32 $0xFFFFFFFF, s20  }
0x116: {  	p0 =	slt.u32 s10, $0x3  }
0x117: {  	s15 =	sand.u32 @!p0 $0x3, s20;
	s16 =	simm.s32 @!p0 $0x1  }
0x118: {  	s30 =	sshll.u32 @!p0 s15, $0xD;
	_ =	swait.ge @!p0 [sflag:s16], $0x2000  }
0x119: {  	s15 =	sshll.u32 @!p0 s15, $0x7;
	s30 =	sadd.s32 @!p0 $0xF380, s30;
	[sflag:s16] =	ssyncset.done @!p0 $0x0  }
0x11a: {  	s15 =	sadd.s32 @!p0 $0x17580, s15;
	[sflag:s16] =	ssyncadd.s32 @!p0 $0xFFFFE000;
	s16 =	simm.s32 @!p0 $0x40  }
0x11b: {  	[spmem:s1] =	stream.indirect.scatter.add.f32 @!p0 [tilespmem:s30], [sflag:$0x3], $0x80, s15, s16, $0xb8;
	[tilespmem:$0x1FC80] =	vst v63  }
0x11c: {  	s15 =	simm.s32 @!p0 $0x3  }
0x11d: {  	_ =	swait.ge @!p0 [sflag:s15], $0x2000  }
0x11e: {  	[sflag:s15] =	ssyncset.done @!p0 $0x0  }
0x11f: {  	s30 =	sand.u32 $0xFC0, s29;
	[sflag:s15] =	ssyncadd.s32 @!p0 $0xFFFFE000  }
0x120: {  	v6 =	vld [tilespmem:s30+$0xE380];
	_ =	sdelay $0x4  }
0x121: {  	v7 =	vand.u32 $0xFFFF, v6;
	_ =	sdelay $0x4  }
0x122: {  	v7 =	vld.idx.msk [tilespmem:v7+s2+$0x0], $0xffff;
	_ =	sdelay $0x2  }
0x123: {  	s10 =	sand.u32 $0x3, s10  }
0x124: {  	s16 =	sshll.u32 s10, $0x7;
	v6 =	vshrl.u32 v6, $0x10  }
0x125: {  	[tilespmem:s16+$0x17580] =	vst v6;
	v7 =	vand.u32 $0xFFFF, v7  }
0x126: {  	[tilespmem:s16+$0x17380] =	vst v7  }
0x127: {  	v6 =	vld [tilespmem:s30+$0xE390];
	_ =	sdelay $0x4  }
0x128: {  	v7 =	vand.u32 $0xFFFF, v6;
	_ =	sdelay $0x4  }
0x129: {  	v7 =	vld.idx.msk [tilespmem:v7+s2+$0x0], $0xffff;
	_ =	sdelay $0x3  }
0x12a: {  	v6 =	vshrl.u32 v6, $0x10  }
0x12b: {  	[tilespmem:s16+$0x17590] =	vst v6;
	v7 =	vand.u32 $0xFFFF, v7  }
0x12c: {  	[tilespmem:s16+$0x17390] =	vst v7  }
0x12d: {  	v6 =	vld [tilespmem:s30+$0xE3A0];
	_ =	sdelay $0x4  }
0x12e: {  	v7 =	vand.u32 $0xFFFF, v6;
	_ =	sdelay $0x4  }
0x12f: {  	v7 =	vld.idx.msk [tilespmem:v7+s2+$0x0], $0xffff;
	_ =	sdelay $0x3  }
0x130: {  	v6 =	vshrl.u32 v6, $0x10  }
0x131: {  	[tilespmem:s16+$0x175A0] =	vst v6;
	v7 =	vand.u32 $0xFFFF, v7  }
0x132: {  	[tilespmem:s16+$0x173A0] =	vst v7  }
0x133: {  	v6 =	vld [tilespmem:s30+$0xE3B0];
	_ =	sdelay $0x4  }
0x134: {  	v7 =	vand.u32 $0xFFFF, v6;
	_ =	sdelay $0x4  }
0x135: {  	v7 =	vld.idx.msk [tilespmem:v7+s2+$0x0], $0xffff  }
0x136: {  	s19 =	sadd.s32 $0xFFFFFFFF, s19  }
0x137: {  	p0 =	sne.s32 s19, $0x0  }
.Ltmp8:
0x138: {  	_ = 	snop;
	(pc) =	sbr.rel @p0 .LBB2_10-.Ltmp8, $4  }
0x139: {  	v6 =	vshrl.u32 v6, $0x10  }
0x13a: {  	s20 =	sadd.s32 $0x1, s20;
	s10 =	sshll.u32 s10, $0xD;
	[tilespmem:s16+$0x175B0] =	vst v6;
	v7 =	vand.u32 $0xFFFF, v7  }
0x13b: {  	s29 =	sadd.s32 $0x40, s29;
	s10 =	sadd.s32 $0xF380, s10;
	s30 =	sadd.s32 $0x17380, s16;
	[tilespmem:s16+$0x173B0] =	vst v7  }
0x13c: {  	[tilespmem:s10], [sflag:$0x1] =	stream.indirect.gather [hbm4b:s6+s25], $0x80, s30, s25, $0xb8;
	[tilespmem:$0x1FC80] =	vst v63  }
.Ltmp9:
0x13d: {  	_ = 	snop;
	(pc) =	sbr.rel .LBB2_11-.Ltmp9, $1  }
0x13e: {  	_ =	sdelay $0x3  }
.LBB2_12:
0x13f: {  	s30 =	sadd.s32 $0x8000003F, s0  }
0x140: {  	v5 =	vadd.s32 s7, v0;
	s16 =	sadd.s32 $0x80000010, s0;
	s9 =	sand.u32 $0xFFFFFFC0, s30  }
0x141: {  	s19 =	sadd.s32 $0x80000020, s0;
	v6 =	vadd.s32 s16, v0;
	vm0 =	vlt.s32 v5, s9  }
0x142: {  	s20 =	sadd.s32 $0x80000030, s0;
	v7 =	vadd.s32 s19, v0;
	v5 =	vand.u32 $0xFFF, v5;
	vm1 =	vlt.s32 v6, s9  }
0x143: {  	v8 =	vadd.s32 s20, v0;
	s31 =	ssub.s32 s30, s29;
	v6 =	vand.u32 $0xFFF, v6;
	vm2 =	vlt.s32 v7, s9  }
0x144: {  	v7 =	vand.u32 $0xFFF, v7;
	vm3 =	vlt.s32 v8, s9;
	s7 =	sshrl.u32 s31, $0x6  }
0x145: {  	v8 =	vand.u32 $0xFFF, v8;
	p0 =	seq.s32 s7, $0x0  }
.Ltmp10:
0x146: {  	_ = 	snop;
	(pc) =	sbr.rel @p0 .LBB2_15-.Ltmp10, $4  }
0x147: {  	[tilespmem:v5+s22+$0x0] =	vst.idx.msk vm0, v4  }
0x148: {  	[tilespmem:v6+s22+$0x0] =	vst.idx.msk vm1, v4  }
0x149: {  	[tilespmem:v7+s22+$0x0] =	vst.idx.msk vm2, v4  }
0x14a: {  	[tilespmem:v8+s22+$0x0] =	vst.idx.msk vm3, v4  }
0x14b: {  	s0 =	ssub.s32 s0, s3  }
0x14c: {  	s0 =	sadd.s32 $0x80000000, s0  }
0x14d: {  	s9 =	sshrl.u32 s29, $0x6;
	s0 =	sand.u32 $0xFFFFFFC0, s0  }
0x14e: {  	s0 =	sadd.s32 s0, s3;
	s3 =	ssub.s32 $0x0, s7;
	s7 =	sadd.s32 $0x1, s9  }
.LBB2_14:
0x14f: {  	s9 =	sadd.s32 $0xFFFFFFFF, s7  }
0x150: {  	p0 =	slt.u32 s9, $0x3  }
0x151: {  	s10 =	sand.u32 @!p0 $0x3, s7;
	s15 =	simm.s32 @!p0 $0x1  }
0x152: {  	s16 =	sshll.u32 @!p0 s10, $0xD;
	_ =	swait.ge @!p0 [sflag:s15], $0x2000  }
0x153: {  	s10 =	sshll.u32 @!p0 s10, $0x7;
	s16 =	sadd.s32 @!p0 $0xF380, s16;
	[sflag:s15] =	ssyncset.done @!p0 $0x0  }
0x154: {  	s10 =	sadd.s32 @!p0 $0x17580, s10;
	[sflag:s15] =	ssyncadd.s32 @!p0 $0xFFFFE000;
	s15 =	simm.s32 @!p0 $0x40  }
0x155: {  	[spmem:s1] =	stream.indirect.scatter.add.f32 @!p0 [tilespmem:s16], [sflag:$0x3], $0x80, s10, s15, $0xb8;
	[tilespmem:$0x1FC80] =	vst v63  }
0x156: {  	s10 =	simm.s32 @!p0 $0x3  }
0x157: {  	_ =	swait.ge @!p0 [sflag:s10], $0x2000  }
0x158: {  	[sflag:s10] =	ssyncset.done @!p0 $0x0  }
0x159: {  	s20 =	sand.u32 $0xFC0, s0;
	[sflag:s10] =	ssyncadd.s32 @!p0 $0xFFFFE000  }
0x15a: {  	v5 =	vld [tilespmem:s20+$0xE380];
	_ =	sdelay $0x4  }
0x15b: {  	v6 =	vand.u32 $0xFFFF, v5;
	_ =	sdelay $0x4  }
0x15c: {  	v6 =	vld.idx.msk [tilespmem:v6+s2+$0x0], $0xffff;
	_ =	sdelay $0x2  }
0x15d: {  	s9 =	sand.u32 $0x3, s9  }
0x15e: {  	s29 =	sshll.u32 s9, $0x7;
	v5 =	vshrl.u32 v5, $0x10  }
0x15f: {  	[tilespmem:s29+$0x17580] =	vst v5;
	v6 =	vand.u32 $0xFFFF, v6  }
0x160: {  	[tilespmem:s29+$0x17380] =	vst v6  }
0x161: {  	v5 =	vld [tilespmem:s20+$0xE390];
	_ =	sdelay $0x4  }
0x162: {  	v6 =	vand.u32 $0xFFFF, v5;
	_ =	sdelay $0x4  }
0x163: {  	v6 =	vld.idx.msk [tilespmem:v6+s2+$0x0], $0xffff;
	_ =	sdelay $0x3  }
0x164: {  	v5 =	vshrl.u32 v5, $0x10  }
0x165: {  	[tilespmem:s29+$0x17590] =	vst v5;
	v6 =	vand.u32 $0xFFFF, v6  }
0x166: {  	[tilespmem:s29+$0x17390] =	vst v6  }
0x167: {  	v5 =	vld [tilespmem:s20+$0xE3A0];
	_ =	sdelay $0x4  }
0x168: {  	v6 =	vand.u32 $0xFFFF, v5;
	_ =	sdelay $0x4  }
0x169: {  	v6 =	vld.idx.msk [tilespmem:v6+s2+$0x0], $0xffff;
	_ =	sdelay $0x3  }
0x16a: {  	v5 =	vshrl.u32 v5, $0x10  }
0x16b: {  	[tilespmem:s29+$0x175A0] =	vst v5;
	v6 =	vand.u32 $0xFFFF, v6  }
0x16c: {  	[tilespmem:s29+$0x173A0] =	vst v6  }
0x16d: {  	v5 =	vld [tilespmem:s20+$0xE3B0];
	_ =	sdelay $0x4  }
0x16e: {  	v6 =	vand.u32 $0xFFFF, v5;
	_ =	sdelay $0x4  }
0x16f: {  	v6 =	vld.idx.msk [tilespmem:v6+s2+$0x0], $0xffff  }
0x170: {  	s3 =	sadd.s32 $0x1, s3  }
0x171: {  	p0 =	seq.s32 s3, $0x0  }
.Ltmp11:
0x172: {  	_ = 	snop;
	(pc) =	sbr.rel @!p0 .LBB2_14-.Ltmp11, $4  }
0x173: {  	v5 =	vshrl.u32 v5, $0x10  }
0x174: {  	s0 =	sadd.s32 $0x40, s0;
	s9 =	sshll.u32 s9, $0xD;
	[tilespmem:s29+$0x175B0] =	vst v5;
	v6 =	vand.u32 $0xFFFF, v6  }
0x175: {  	s7 =	sadd.s32 $0x1, s7;
	s31 =	sadd.s32 $0x17380, s29;
	s9 =	sadd.s32 $0xF380, s9;
	[tilespmem:s29+$0x173B0] =	vst v6  }
0x176: {  	[tilespmem:s9], [sflag:$0x1] =	stream.indirect.gather [hbm4b:s6+s25], $0x80, s31, s25, $0xb8;
	[tilespmem:$0x1FC80] =	vst v63  }
.LBB2_15:
0x177: {  	s0 =	sshrl.u32 s30, $0x6  }
0x178: {  	s3 =	smax.u32 s0, $0x3  }
0x179: {  	s3 =	sadd.s32 $0xFFFFFFFD, s3  }
0x17a: {  	p0 =	sge.u32 s3, s0  }
.Ltmp12:
0x17b: {  	_ = 	snop;
	(pc) =	sbr.rel @p0 .LBB2_19-.Ltmp12, $1  }
0x17c: {  	_ =	sdelay $0x3  }
0x17d: {  	s3 =	smin.u32 s0, $0x3  }
0x17e: {  	s3 =	ssub.s32 $0x0, s3  }
0x17f: {  	_ =	swait.ge [sflag:s23], $0x2000;
	s7 =	sadd.s32 s3, s0;
	s3 =	sadd.s32 $0x1, s3  }
0x180: {  	[sflag:s23] =	ssyncset.done $0x0;
	s7 =	sand.u32 $0x3, s7;
	p0 =	seq.s32 s3, $0x0  }
.Ltmp13:
0x181: {  	s9 =	sshll.u32 s7, $0xD;
	s7 =	sshll.u32 s7, $0x7;
	(pc) =	sbr.rel @p0 .LBB2_18-.Ltmp13, $4  }
0x182: {  	[sflag:s23] =	ssyncadd.s32 $0xFFFFE000;
	s9 =	sadd.s32 $0xF380, s9;
	s7 =	sadd.s32 $0x17580, s7  }
0x183: {  	[spmem:s1] =	stream.indirect.scatter.add.f32 [tilespmem:s9], [sflag:$0x3], $0x80, s7, s25, $0xb8;
	[tilespmem:$0x1FC80] =	vst v63  }
0x184: {  	_ =	swait.ge [sflag:s18], $0x2000  }
0x185: {  	[sflag:s18] =	ssyncset.done $0x0  }
.LBB2_17:
0x186: {  	s7 =	smov.u32 s3  }
0x187: {  	[sflag:s18] =	ssyncadd.s32 $0xFFFFE000;
	s3 =	sadd.s32 $0x1, s3;
	s7 =	sadd.s32 s7, s0  }
0x188: {  	p0 =	seq.s32 s3, $0x0;
	s7 =	sand.u32 $0x3, s7  }
0x189: {  	_ =	swait.ge [sflag:s23], $0x2000;
	s9 =	sshll.u32 s7, $0xD  }
.Ltmp14:
0x18a: {  	[sflag:s23] =	ssyncset.done $0x0;
	s7 =	sshll.u32 s7, $0x7;
	(pc) =	sbr.rel @!p0 .LBB2_17-.Ltmp14, $4  }
0x18b: {  	s9 =	sadd.s32 $0xF380, s9;
	[sflag:s23] =	ssyncadd.s32 $0xFFFFE000;
	s7 =	sadd.s32 $0x17580, s7  }
0x18c: {  	[spmem:s1] =	stream.indirect.scatter.add.f32 [tilespmem:s9], [sflag:$0x3], $0x80, s7, s25, $0xb8;
	[tilespmem:$0x1FC80] =	vst v63  }
0x18d: {  	_ =	swait.ge [sflag:s18], $0x2000  }
0x18e: {  	[sflag:s18] =	ssyncset.done $0x0  }
.Ltmp15:
0x18f: {  	_ = 	snop;
	(pc) =	sbr.rel .LBB2_18-.Ltmp15, $1  }
0x190: {  	_ =	sdelay $0x3  }
.LBB2_20:
0x191: {  	_ =	sfence.sel $0x180000  }
0x192: {  	[bflag:$0x0] =	sbarrier.arrive $0xFFFF  }
0x193: {  	_ =	strace $0x9000004A  }
0x194: {  	s0 =	stileid.u32;
	[bflag:$0x2] =	sbarrier.arrive $0xFFFF  }
0x195: {  	p0 =	sne.s32 s0, $0x0;
	s0 =	rddreg [dreg:$0x2]  }
0x196: {  	s0 =	sadd.s32 @!p0 $0x100000, s0  }
0x197: {  	[sflag:s0] =	ssyncadd.tile.s32 @!p0 $0x1;
	_ =	shalt  }
.Lfunc_end2:
_tile_overlayer_lowered:
.L_overlay_start_2:
0x198: {  	(tag) =	ssettag $0x2  }
0x199: {  	s0 =	rddreg [dreg:$0x0];
	s2 =	stileid.u32  }
0x19a: {  	s1 =	rddreg [dreg:$0x1];
	p0 =	sne.s32 s2, $0x0  }
0x19b: {  	s3 =	rddreg [dreg:$0x2];
	[bflag:$0x3] =	sbarrier.arrive $0xFFFF;
	s2 =	simm.s32 @!p0 $0x1C03  }
0x19c: {  	[timem:s3], [sflag:s2] =	dma.local @!p0 [hbm:s0], s1  }
0x19d: {  	s0 =	simm.s32 @!p0 $0x3  }
0x19e: {  	_ =	swait.ge @!p0 [sflag:s0], s1  }
0x19f: {  	s1 =	ssub.s32 @!p0 $0x0, s1;
	[sflag:s0] =	ssyncset.done @!p0 $0x0  }
0x1a0: {  	[sflag:s0] =	ssyncadd.s32 @!p0 s1  }
0x1a1: {  	[bflag:$0x3] =	sbarrier.arrive $0xFFFF  }
0x1a2: {  	_ =	shalt  }

</sc_bundles>
